<compile_context>
chip_gen: v7x
topology: tpu7x:2x2x1
jax: 0.10.2.dev20260603
libtpu: 0.0.44.dev20260713+nightly
codegen_flags: <defaults>
</compile_context>

<pallas_src>
import functools

import jax
import jax.numpy as jnp
from jax import lax
from jax.experimental import pallas as pl
from jax.experimental.pallas import tpu as pltpu
from jax.experimental.pallas import tpu_sc as plsc

N = 10000
E = 160000
D = 256
H = 128
NC = 2
NS = 16
K = 64
CHUNKS = 4 * (-(-E // (NS * K * 4)))
EPT = CHUNKS * K
E_PAD = NS * EPT
ACC_ROWS = 10240
ZPT = ACC_ROWS // NS
OPT = 624
TAIL = N - NS * OPT
BI = 1000
GI = N // BI


def _vmesh():
    return plsc.VectorSubcoreMesh(core_axis_name="c", subcore_axis_name="s")



def _sc_deg(dst_pad, zeros_big, ones_big):

    NB = 4

    @functools.partial(
        pl.kernel,
        out_type=jax.ShapeDtypeStruct((N, H), jnp.float32),
        mesh=_vmesh(),
        scratch_types=[
            pltpu.VMEM((CHUNKS, K), jnp.int32),
            pltpu.VMEM((K, H), jnp.float32),
            pltpu.VMEM_SHARED((ACC_ROWS, H), jnp.float32),
            [pltpu.SemaphoreType.DMA] * NB,
        ],
    )
    def k(dst_hbm, z_hbm, o_hbm, out_hbm, dst_v, ones_v, acc, sem_s):
        c = lax.axis_index("c")
        s = lax.axis_index("s")
        pltpu.sync_copy(dst_hbm.at[pl.ds(s * CHUNKS, CHUNKS)], dst_v)
        pltpu.sync_copy(z_hbm.at[pl.ds(s * ZPT, ZPT)], acc.at[pl.ds(s * ZPT, ZPT)])
        pltpu.sync_copy(o_hbm, ones_v)
        plsc.subcore_barrier()

        def body(t, carry):
            for b in range(NB):
                g = NB * t + b

                @pl.when(g >= NB)
                def _():
                    pltpu.make_async_copy(ones_v, acc.at[dst_v.at[0]],
                                          sem_s[b]).wait()

                pltpu.async_copy(ones_v, acc.at[dst_v.at[g]], sem_s[b],
                                 add=True)
            return carry

        lax.fori_loop(0, CHUNKS // NB, body, 0)
        for b in range(NB):
            pltpu.make_async_copy(ones_v, acc.at[dst_v.at[0]], sem_s[b]).wait()
        plsc.subcore_barrier()

        @pl.when(c == 0)
        def _():
            pltpu.sync_copy(acc.at[pl.ds(s * OPT, OPT)],
                            out_hbm.at[pl.ds(s * OPT, OPT)])

        @pl.when((c == 0) & (s == NS - 1))
        def _():
            pltpu.sync_copy(acc.at[pl.ds(NS * OPT, TAIL)],
                            out_hbm.at[pl.ds(NS * OPT, TAIL)])

    return k(dst_pad, zeros_big, ones_big)


def _sc_scatter(m_flat, src2, dst_pad, zeros_big):

    NB = 4
    LOOK = NB - 1

    @functools.partial(
        pl.kernel,
        out_type=jax.ShapeDtypeStruct((NC * N, H), jnp.float32),
        mesh=_vmesh(),
        scratch_types=[
            pltpu.VMEM((CHUNKS * K,), jnp.int32),
            [pltpu.VMEM((K,), jnp.int32)] * NB,
            [pltpu.VMEM((K, H), jnp.float32)] * NB,
            pltpu.VMEM_SHARED((ACC_ROWS, H), jnp.float32),
            [pltpu.SemaphoreType.DMA] * NB,
            [pltpu.SemaphoreType.DMA] * NB,
            [pltpu.SemaphoreType.DMA] * NB,
        ],
    )
    def k(m_hbm, src_hbm, dst_hbm, z_hbm, out_hbm, src_v, dst_v, rows_v, acc,
          sem_g, sem_d, sem_s):
        c = lax.axis_index("c")
        s = lax.axis_index("s")
        pltpu.sync_copy(src_hbm.at[pl.ds(c * E_PAD + s * EPT, EPT)], src_v)
        pltpu.sync_copy(z_hbm.at[pl.ds(s * ZPT, ZPT)], acc.at[pl.ds(s * ZPT, ZPT)])
        for j in range(LOOK):
            pltpu.async_copy(dst_hbm.at[pl.ds(s * EPT + j * K, K)],
                             dst_v[j], sem_d[j])
            pltpu.async_copy(m_hbm.at[src_v.at[pl.ds(j * K, K)]], rows_v[j], sem_g[j])
        plsc.subcore_barrier()

        def body(t, carry):
            for b in range(NB):
                g = NB * t + b
                bf = (b + LOOK) % NB

                @pl.when(g + LOOK < CHUNKS)
                def _():
                    @pl.when(g >= 1)
                    def _():
                        pltpu.make_async_copy(
                            rows_v[bf], acc.at[dst_v[bf]], sem_s[bf]).wait()

                    pltpu.async_copy(
                        dst_hbm.at[pl.ds(s * EPT + (g + LOOK) * K, K)],
                        dst_v[bf], sem_d[bf])
                    pltpu.async_copy(m_hbm.at[src_v.at[pl.ds((g + LOOK) * K, K)]],
                                     rows_v[bf], sem_g[bf])

                pltpu.make_async_copy(m_hbm.at[src_v.at[pl.ds(g * K, K)]],
                                      rows_v[b], sem_g[b]).wait()
                pltpu.make_async_copy(dst_hbm.at[pl.ds(s * EPT, K)],
                                      dst_v[b], sem_d[b]).wait()
                pltpu.async_copy(rows_v[b], acc.at[dst_v[b]], sem_s[b],
                                 add=True)
            return carry

        lax.fori_loop(0, CHUNKS // NB, body, 0)
        for b in range(NB):
            pltpu.make_async_copy(rows_v[b], acc.at[dst_v[b]], sem_s[b]).wait()
        plsc.subcore_barrier()
        pltpu.sync_copy(acc.at[pl.ds(s * OPT, OPT)],
                        out_hbm.at[pl.ds(c * N + s * OPT, OPT)])

        @pl.when(s == NS - 1)
        def _():
            pltpu.sync_copy(acc.at[pl.ds(NS * OPT, TAIL)],
                            out_hbm.at[pl.ds(c * N + NS * OPT, TAIL)])

    return k(m_flat, src2, dst_pad, zeros_big)



def _dis(deg_ref):
    deg = deg_ref[:, :1]
    return jnp.where(deg > 0, lax.rsqrt(jnp.maximum(deg, 1.0)), 0.0)


def _pre_body(x_ref, w_ref, deg_ref, o_ref):
    dis = _dis(deg_ref)
    m = jnp.dot(x_ref[...], w_ref[...], preferred_element_type=jnp.float32)
    o_ref[...] = m * dis


def _tc_pre(x, w, deg16):
    return pl.pallas_call(
        _pre_body,
        grid=(NC, GI),
        in_specs=[
            pl.BlockSpec((BI, D), lambda c, i: (i, 0)),
            pl.BlockSpec((D, H), lambda c, i: (0, c)),
            pl.BlockSpec((BI, H), lambda c, i: (i, 0)),
        ],
        out_specs=pl.BlockSpec((BI, H), lambda c, i: (c * GI + i, 0)),
        out_shape=jax.ShapeDtypeStruct((NC * N, H), jnp.float32),
    )(x, w, deg16)


def _mid_body(sa_ref, sb_ref, deg_ref, b_ref, w_ref, o_ref):
    dis = _dis(deg_ref)
    h = jnp.concatenate([sa_ref[...], sb_ref[...]], axis=1) * dis + b_ref[...]
    m = jnp.dot(h, w_ref[...], preferred_element_type=jnp.float32)
    o_ref[...] = m * dis


def _tc_mid(s_flat, deg16, b2d, w):
    return pl.pallas_call(
        _mid_body,
        grid=(NC, GI),
        in_specs=[
            pl.BlockSpec((BI, H), lambda c, i: (i, 0)),
            pl.BlockSpec((BI, H), lambda c, i: (GI + i, 0)),
            pl.BlockSpec((BI, H), lambda c, i: (i, 0)),
            pl.BlockSpec((1, D), lambda c, i: (0, 0)),
            pl.BlockSpec((D, H), lambda c, i: (0, c)),
        ],
        out_specs=pl.BlockSpec((BI, H), lambda c, i: (c * GI + i, 0)),
        out_shape=jax.ShapeDtypeStruct((NC * N, H), jnp.float32),
    )(s_flat, s_flat, deg16, b2d, w)


def _final_body(sa_ref, sb_ref, deg_ref, b_ref, o_ref):
    dis = _dis(deg_ref)
    o_ref[...] = (jnp.concatenate([sa_ref[...], sb_ref[...]], axis=1) * dis
                  + b_ref[...])


def _tc_final(s_flat, deg16, b2d):
    return pl.pallas_call(
        _final_body,
        grid=(GI,),
        in_specs=[
            pl.BlockSpec((BI, H), lambda i: (i, 0)),
            pl.BlockSpec((BI, H), lambda i: (GI + i, 0)),
            pl.BlockSpec((BI, H), lambda i: (i, 0)),
            pl.BlockSpec((1, D), lambda i: (0, 0)),
        ],
        out_specs=pl.BlockSpec((BI, D), lambda i: (i, 0)),
        out_shape=jax.ShapeDtypeStruct((N, D), jnp.float32),
    )(s_flat, s_flat, deg16, b2d)



def kernel(x, edge_index, W0, b0, W1, b1, W2, b2):
    src = edge_index[0].astype(jnp.int32)
    dst = edge_index[1].astype(jnp.int32)
    pad = E_PAD - E
    src_p = jnp.concatenate([src, jnp.zeros((pad,), jnp.int32)])
    dst_p = jnp.concatenate([dst, jnp.full((pad,), N, jnp.int32)])
    src2 = jnp.concatenate([src_p, src_p + N])
    dst_2d = dst_p.reshape(NS * CHUNKS, K)
    zeros_big = jnp.zeros((ACC_ROWS, H), jnp.float32)
    ones_big = jnp.ones((K, H), jnp.float32)

    deg16 = _sc_deg(dst_2d, zeros_big, ones_big)
    m = _tc_pre(x, W0, deg16)
    s = _sc_scatter(m, src2, dst_p, zeros_big)
    m = _tc_mid(s, deg16, b0.reshape(1, D), W1)
    s = _sc_scatter(m, src2, dst_p, zeros_big)
    m = _tc_mid(s, deg16, b1.reshape(1, D), W2)
    s = _sc_scatter(m, src2, dst_p, zeros_big)
    return _tc_final(s, deg16, b2.reshape(1, D))

# --- scband reference (transcript-rebuilt; emitter-appended) ---
"""Pipeline reference for scband-gnnstack-stage-concat-50955491999824 (READ-ONLY COPY).

The authoritative reference and input builder live on the scoring server;
editing this copy changes nothing except your own understanding.
"""

import jax, jax.numpy as jnp
import numpy as np

N_NODES = 10000
N_EDGES = 160000
DIM_IN = 256
DIM_OUT = 256
NUM_LAYERS = 3


def setup_inputs(seed: int = 0) -> dict:
    key = jax.random.key(seed)
    ks = jax.random.split(key, 2 + 2 * NUM_LAYERS)
    x = jax.random.normal(ks[0], (N_NODES, DIM_IN), dtype=jnp.float32)
    edge_index = jax.random.randint(ks[1], (2, N_EDGES), 0, N_NODES, dtype=jnp.int64)
    inp = {"x": x, "edge_index": edge_index}
    d_in = DIM_IN
    for i in range(NUM_LAYERS):
        inp[f"W{i}"] = jax.random.normal(ks[2 + 2 * i], (d_in, DIM_OUT), dtype=jnp.float32) * (1.0 / np.sqrt(d_in))
        inp[f"b{i}"] = jnp.zeros((DIM_OUT,), dtype=jnp.float32)
        d_in = DIM_OUT
    return inp


def _gcn_layer(h, src, dst, norm, W, b):
    # GCN-style message passing: linear transform, gather over src,
    # symmetric-degree normalization, scatter-add into dst, add bias.
    m = h @ W
    msg = m[src] * norm[:, None]
    agg = jax.ops.segment_sum(msg, dst, num_segments=N_NODES)
    return agg + b


def reference(x, edge_index, W0, b0, W1, b1, W2, b2):
    # GNNStackStageConcat with cfg.gnn.stage_type='stack_concat',
    # graphnorm=False, norm_by_graph=False, has_act=False, l2norm=False, dropout=0.
    src = edge_index[0]
    dst = edge_index[1]
    deg = jnp.zeros((N_NODES,), dtype=jnp.float32).at[dst].add(1.0)
    deg_inv_sqrt = jnp.where(deg > 0, 1.0 / jnp.sqrt(jnp.maximum(deg, 1.0)), 0.0)
    norm = deg_inv_sqrt[src] * deg_inv_sqrt[dst]
    params = [(W0, b0), (W1, b1), (W2, b2)]
    h = x
    x_list = []
    for (W, b) in params:
        h = _gcn_layer(h, src, dst, norm, W, b)
        x_list.append(h)
    # batch.x_list = x_list; final batch.x is the last layer output
    return h

if __name__ == "__main__":
    import jax
    _d = setup_inputs()
    print(jax.jit(kernel)(*tuple(_d.values())))

</pallas_src>

<mosaic_0001>
#map = affine_map<(d0, d1) -> (0, 0)>
#map1 = affine_map<(d0, d1) -> (0)>
module attributes {stable_mosaic.version = 14 : i64} {
  func.func @k(%arg0: i32, %arg1: i32, %arg2: memref<20000x128xf32, #tpu.memory_space<hbm>>, %arg3: memref<327680xi32, #tpu.memory_space<hbm>>, %arg4: memref<163840xi32, #tpu.memory_space<hbm>>, %arg5: memref<10240x128xf32, #tpu.memory_space<hbm>>, %arg6: memref<20000x128xf32, #tpu.memory_space<hbm>>, %arg7: memref<10240xi32, #tpu.memory_space<vmem>>, %arg8: memref<64xi32, #tpu.memory_space<vmem>>, %arg9: memref<64xi32, #tpu.memory_space<vmem>>, %arg10: memref<64xi32, #tpu.memory_space<vmem>>, %arg11: memref<64xi32, #tpu.memory_space<vmem>>, %arg12: memref<64x128xf32, #tpu.memory_space<vmem>>, %arg13: memref<64x128xf32, #tpu.memory_space<vmem>>, %arg14: memref<64x128xf32, #tpu.memory_space<vmem>>, %arg15: memref<64x128xf32, #tpu.memory_space<vmem>>, %arg16: memref<10240x128xf32, #tpu.memory_space<vmem_shared>>, %arg17: memref<!tpu.dma_semaphore, #tpu.memory_space<semaphore_mem>>, %arg18: memref<!tpu.dma_semaphore, #tpu.memory_space<semaphore_mem>>, %arg19: memref<!tpu.dma_semaphore, #tpu.memory_space<semaphore_mem>>, %arg20: memref<!tpu.dma_semaphore, #tpu.memory_space<semaphore_mem>>, %arg21: memref<!tpu.dma_semaphore, #tpu.memory_space<semaphore_mem>>, %arg22: memref<!tpu.dma_semaphore, #tpu.memory_space<semaphore_mem>>, %arg23: memref<!tpu.dma_semaphore, #tpu.memory_space<semaphore_mem>>, %arg24: memref<!tpu.dma_semaphore, #tpu.memory_space<semaphore_mem>>, %arg25: memref<!tpu.dma_semaphore, #tpu.memory_space<semaphore_mem>>, %arg26: memref<!tpu.dma_semaphore, #tpu.memory_space<semaphore_mem>>, %arg27: memref<!tpu.dma_semaphore, #tpu.memory_space<semaphore_mem>>, %arg28: memref<!tpu.dma_semaphore, #tpu.memory_space<semaphore_mem>>) attributes {dimension_semantics = [#tpu.dimension_semantics<core_parallel>, #tpu.dimension_semantics<subcore_parallel>], iteration_bounds = array<i64: 2, 16>, scalar_prefetch = 0 : i64, scratch_operands = 22 : i64, tpu.core_type = #tpu.core_type<sc_vector_subcore>, window_params = [{transform_indices = #map}, {transform_indices = #map1}, {transform_indices = #map1}, {transform_indices = #map}, {transform_indices = #map}]} {
    %mul3A = arith.constant 163840 : i32
    %mul3A_0 = arith.muli %arg0, %mul3A : i32
    %mul3A_1 = arith.constant 10240 : i32
    %mul3A_2 = arith.muli %arg1, %mul3A_1 : i32
    %add3A = arith.addi %mul3A_0, %mul3A_2 : i32
    "tpu.region"() ({
      %run_scoped3A = tpu.sem_alloc : memref<!tpu.dma_semaphore, #tpu.memory_space<semaphore_mem>>
      %dma_start3A_65 = tpu.memref_slice %arg3[%add3A] : memref<327680xi32, #tpu.memory_space<hbm>> -> memref<10240xi32, #tpu.memory_space<hbm>>
      %dma_start3A_66 = tpu.memref_slice %arg3[%add3A] : memref<327680xi32, #tpu.memory_space<hbm>> -> memref<10240xi32, #tpu.memory_space<hbm>>
      tpu.enqueue_dma source(%dma_start3A_66 : memref<10240xi32, #tpu.memory_space<hbm>>) target(%arg7 : memref<10240xi32, #tpu.memory_space<vmem>>) target_semaphore(%run_scoped3A : memref<!tpu.dma_semaphore, #tpu.memory_space<semaphore_mem>>)
      %dma_wait3A_67 = tpu.memref_slice %arg3[%add3A] : memref<327680xi32, #tpu.memory_space<hbm>> -> memref<10240xi32, #tpu.memory_space<hbm>>
      %dma_wait3A_68 = tpu.memref_slice %arg3[%add3A] : memref<327680xi32, #tpu.memory_space<hbm>> -> memref<10240xi32, #tpu.memory_space<hbm>>
      tpu.wait_dma2 semaphore(%run_scoped3A : memref<!tpu.dma_semaphore, #tpu.memory_space<semaphore_mem>>) src(%dma_wait3A_68 : memref<10240xi32, #tpu.memory_space<hbm>>) dst(%arg7 : memref<10240xi32, #tpu.memory_space<vmem>>)
      tpu.yield
    }) : () -> ()
    %mul3A_3 = arith.constant 640 : i32
    %mul3A_4 = arith.muli %arg1, %mul3A_3 : i32
    %mul3A_5 = arith.constant 640 : i32
    %mul3A_6 = arith.muli %arg1, %mul3A_5 : i32
    "tpu.region"() ({
      %run_scoped3A = tpu.sem_alloc : memref<!tpu.dma_semaphore, #tpu.memory_space<semaphore_mem>>
      %dma_start3A_65 = arith.constant 0 : i32
      %dma_start3A_66 = tpu.memref_slice %arg16[%mul3A_6, %dma_start3A_65] : memref<10240x128xf32, #tpu.memory_space<vmem_shared>> -> memref<640x128xf32, #tpu.memory_space<vmem_shared>>
      %dma_start3A_67 = arith.constant 0 : i32
      %dma_start3A_68 = tpu.memref_slice %arg5[%mul3A_4, %dma_start3A_67] : memref<10240x128xf32, #tpu.memory_space<hbm>> -> memref<640x128xf32, #tpu.memory_space<hbm>>
      tpu.enqueue_dma source(%dma_start3A_68 : memref<640x128xf32, #tpu.memory_space<hbm>>) target(%dma_start3A_66 : memref<640x128xf32, #tpu.memory_space<vmem_shared>>) target_semaphore(%run_scoped3A : memref<!tpu.dma_semaphore, #tpu.memory_space<semaphore_mem>>)
      %dma_wait3A_69 = arith.constant 0 : i32
      %dma_wait3A_70 = tpu.memref_slice %arg16[%mul3A_6, %dma_wait3A_69] : memref<10240x128xf32, #tpu.memory_space<vmem_shared>> -> memref<640x128xf32, #tpu.memory_space<vmem_shared>>
      %dma_wait3A_71 = arith.constant 0 : i32
      %dma_wait3A_72 = tpu.memref_slice %arg5[%mul3A_4, %dma_wait3A_71] : memref<10240x128xf32, #tpu.memory_space<hbm>> -> memref<640x128xf32, #tpu.memory_space<hbm>>
      tpu.wait_dma2 semaphore(%run_scoped3A : memref<!tpu.dma_semaphore, #tpu.memory_space<semaphore_mem>>) src(%dma_wait3A_72 : memref<640x128xf32, #tpu.memory_space<hbm>>) dst(%dma_wait3A_70 : memref<640x128xf32, #tpu.memory_space<vmem_shared>>)
      tpu.yield
    }) : () -> ()
    %mul3A_7 = arith.constant 10240 : i32
    %mul3A_8 = arith.muli %arg1, %mul3A_7 : i32
    %add3A_9 = arith.constant 0 : i32
    %add3A_10 = arith.addi %mul3A_8, %add3A_9 : i32
    %dma_start3A = tpu.memref_slice %arg4[%add3A_10] : memref<163840xi32, #tpu.memory_space<hbm>> -> memref<64xi32, #tpu.memory_space<hbm>>
    %dma_start3A_11 = tpu.memref_slice %arg4[%add3A_10] : memref<163840xi32, #tpu.memory_space<hbm>> -> memref<64xi32, #tpu.memory_space<hbm>>
    tpu.enqueue_dma source(%dma_start3A_11 : memref<64xi32, #tpu.memory_space<hbm>>) target(%arg8 : memref<64xi32, #tpu.memory_space<vmem>>) target_semaphore(%arg21 : memref<!tpu.dma_semaphore, #tpu.memory_space<semaphore_mem>>)
    %dma_start3A_12 = arith.constant 0 : i32
    %dma_start3A_13 = tpu.memref_slice %arg7[%dma_start3A_12] : memref<10240xi32, #tpu.memory_space<vmem>> -> memref<64xi32, #tpu.memory_space<vmem>>
    %dma_start3A_14 = arith.constant 0 : i32
    %dma_start3A_15 = arith.constant 0 : i32
    %dma_start3A_16 = tpu.memref_slice %arg2[%dma_start3A_14, %dma_start3A_15] : memref<20000x128xf32, #tpu.memory_space<hbm>> -> memref<20000x128xf32, #tpu.memory_space<hbm>>
    tpu.enqueue_indirect_dma source(%dma_start3A_16 : memref<20000x128xf32, #tpu.memory_space<hbm>>) target(%arg12 : memref<64x128xf32, #tpu.memory_space<vmem>>) offsets(%dma_start3A_13 : memref<64xi32, #tpu.memory_space<vmem>>) semaphore(%arg17 : memref<!tpu.dma_semaphore, #tpu.memory_space<semaphore_mem>>)
    %mul3A_17 = arith.constant 10240 : i32
    %mul3A_18 = arith.muli %arg1, %mul3A_17 : i32
    %add3A_19 = arith.constant 64 : i32
    %add3A_20 = arith.addi %mul3A_18, %add3A_19 : i32
    %dma_start3A_21 = tpu.memref_slice %arg4[%add3A_20] : memref<163840xi32, #tpu.memory_space<hbm>> -> memref<64xi32, #tpu.memory_space<hbm>>
    %dma_start3A_22 = tpu.memref_slice %arg4[%add3A_20] : memref<163840xi32, #tpu.memory_space<hbm>> -> memref<64xi32, #tpu.memory_space<hbm>>
    tpu.enqueue_dma source(%dma_start3A_22 : memref<64xi32, #tpu.memory_space<hbm>>) target(%arg9 : memref<64xi32, #tpu.memory_space<vmem>>) target_semaphore(%arg22 : memref<!tpu.dma_semaphore, #tpu.memory_space<semaphore_mem>>)
    %dma_start3A_23 = arith.constant 64 : i32
    %dma_start3A_24 = tpu.memref_slice %arg7[%dma_start3A_23] : memref<10240xi32, #tpu.memory_space<vmem>> -> memref<64xi32, #tpu.memory_space<vmem>>
    %dma_start3A_25 = arith.constant 0 : i32
    %dma_start3A_26 = arith.constant 0 : i32
    %dma_start3A_27 = tpu.memref_slice %arg2[%dma_start3A_25, %dma_start3A_26] : memref<20000x128xf32, #tpu.memory_space<hbm>> -> memref<20000x128xf32, #tpu.memory_space<hbm>>
    tpu.enqueue_indirect_dma source(%dma_start3A_27 : memref<20000x128xf32, #tpu.memory_space<hbm>>) target(%arg13 : memref<64x128xf32, #tpu.memory_space<vmem>>) offsets(%dma_start3A_24 : memref<64xi32, #tpu.memory_space<vmem>>) semaphore(%arg18 : memref<!tpu.dma_semaphore, #tpu.memory_space<semaphore_mem>>)
    %mul3A_28 = arith.constant 10240 : i32
    %mul3A_29 = arith.muli %arg1, %mul3A_28 : i32
    %add3A_30 = arith.constant 128 : i32
    %add3A_31 = arith.addi %mul3A_29, %add3A_30 : i32
    %dma_start3A_32 = tpu.memref_slice %arg4[%add3A_31] : memref<163840xi32, #tpu.memory_space<hbm>> -> memref<64xi32, #tpu.memory_space<hbm>>
    %dma_start3A_33 = tpu.memref_slice %arg4[%add3A_31] : memref<163840xi32, #tpu.memory_space<hbm>> -> memref<64xi32, #tpu.memory_space<hbm>>
    tpu.enqueue_dma source(%dma_start3A_33 : memref<64xi32, #tpu.memory_space<hbm>>) target(%arg10 : memref<64xi32, #tpu.memory_space<vmem>>) target_semaphore(%arg23 : memref<!tpu.dma_semaphore, #tpu.memory_space<semaphore_mem>>)
    %dma_start3A_34 = arith.constant 128 : i32
    %dma_start3A_35 = tpu.memref_slice %arg7[%dma_start3A_34] : memref<10240xi32, #tpu.memory_space<vmem>> -> memref<64xi32, #tpu.memory_space<vmem>>
    %dma_start3A_36 = arith.constant 0 : i32
    %dma_start3A_37 = arith.constant 0 : i32
    %dma_start3A_38 = tpu.memref_slice %arg2[%dma_start3A_36, %dma_start3A_37] : memref<20000x128xf32, #tpu.memory_space<hbm>> -> memref<20000x128xf32, #tpu.memory_space<hbm>>
    tpu.enqueue_indirect_dma source(%dma_start3A_38 : memref<20000x128xf32, #tpu.memory_space<hbm>>) target(%arg14 : memref<64x128xf32, #tpu.memory_space<vmem>>) offsets(%dma_start3A_35 : memref<64xi32, #tpu.memory_space<vmem>>) semaphore(%arg19 : memref<!tpu.dma_semaphore, #tpu.memory_space<semaphore_mem>>)
    %barrier3A = arith.constant 0 : index
    tpu.barrier barrier_id(%barrier3A)
    %scan3A = arith.constant 0 : i32
    %scan3A_39 = arith.constant 0 : i32
    %scan3A_40 = arith.constant 40 : i32
    %scan3A_41 = arith.addi %scan3A_39, %scan3A_40 : i32
    %scan3A_42 = arith.constant 1 : i32
    scf.for %scan3A_65 = %scan3A_39 to %scan3A_41 step %scan3A_42  : i32 {
      %mul3A_66 = arith.constant 4 : i32
      %mul3A_67 = arith.muli %mul3A_66, %scan3A_65 : i32
      %add3A_68 = arith.constant 0 : i32
      %add3A_69 = arith.addi %mul3A_67, %add3A_68 : i32
      %add3A_70 = arith.constant 3 : i32
      %add3A_71 = arith.addi %add3A_69, %add3A_70 : i32
      %lt3A = arith.constant 160 : i32
      %lt3A_72 = arith.cmpi slt, %add3A_71, %lt3A : i32
      %convert_element_type3A_73 = arith.extui %lt3A_72 : i1 to i32
      %cond3A_74 = arith.constant 0 : i32
      %cond3A_75 = arith.cmpi ne, %convert_element_type3A_73, %cond3A_74 : i32
      scf.if %cond3A_75 {
        %ge3A = arith.constant 1 : i32
        %ge3A_161 = arith.cmpi sge, %add3A_69, %ge3A : i32
        %convert_element_type3A_162 = arith.extui %ge3A_161 : i1 to i32
        %cond3A_163 = arith.constant 0 : i32
        %cond3A_164 = arith.cmpi ne, %convert_element_type3A_162, %cond3A_163 : i32
        scf.if %cond3A_164 {
          %dma_wait3A_182 = arith.constant 0 : i32
          %dma_wait3A_183 = arith.constant 0 : i32
          %dma_wait3A_184 = tpu.memref_slice %arg16[%dma_wait3A_182, %dma_wait3A_183] : memref<10240x128xf32, #tpu.memory_space<vmem_shared>> -> memref<10240x128xf32, #tpu.memory_space<vmem_shared>>
          tpu.wait_indirect_dma semaphore(%arg28 : memref<!tpu.dma_semaphore, #tpu.memory_space<semaphore_mem>>) src(%arg15 : memref<64x128xf32, #tpu.memory_space<vmem>>) dst(%dma_wait3A_184 : memref<10240x128xf32, #tpu.memory_space<vmem_shared>>)
        } else {
        }
        %mul3A_165 = arith.constant 10240 : i32
        %mul3A_166 = arith.muli %arg1, %mul3A_165 : i32
        %add3A_167 = arith.constant 3 : i32
        %add3A_168 = arith.addi %add3A_69, %add3A_167 : i32
        %mul3A_169 = arith.constant 64 : i32
        %mul3A_170 = arith.muli %add3A_168, %mul3A_169 : i32
        %add3A_171 = arith.addi %mul3A_166, %mul3A_170 : i32
        %dma_start3A_172 = tpu.memref_slice %arg4[%add3A_171] : memref<163840xi32, #tpu.memory_space<hbm>> -> memref<64xi32, #tpu.memory_space<hbm>>
        %dma_start3A_173 = tpu.memref_slice %arg4[%add3A_171] : memref<163840xi32, #tpu.memory_space<hbm>> -> memref<64xi32, #tpu.memory_space<hbm>>
        tpu.enqueue_dma source(%dma_start3A_173 : memref<64xi32, #tpu.memory_space<hbm>>) target(%arg11 : memref<64xi32, #tpu.memory_space<vmem>>) target_semaphore(%arg24 : memref<!tpu.dma_semaphore, #tpu.memory_space<semaphore_mem>>)
        %add3A_174 = arith.constant 3 : i32
        %add3A_175 = arith.addi %add3A_69, %add3A_174 : i32
        %mul3A_176 = arith.constant 64 : i32
        %mul3A_177 = arith.muli %add3A_175, %mul3A_176 : i32
        %dma_start3A_178 = tpu.memref_slice %arg7[%mul3A_177] : memref<10240xi32, #tpu.memory_space<vmem>> -> memref<64xi32, #tpu.memory_space<vmem>>
        %dma_start3A_179 = arith.constant 0 : i32
        %dma_start3A_180 = arith.constant 0 : i32
        %dma_start3A_181 = tpu.memref_slice %arg2[%dma_start3A_179, %dma_start3A_180] : memref<20000x128xf32, #tpu.memory_space<hbm>> -> memref<20000x128xf32, #tpu.memory_space<hbm>>
        tpu.enqueue_indirect_dma source(%dma_start3A_181 : memref<20000x128xf32, #tpu.memory_space<hbm>>) target(%arg15 : memref<64x128xf32, #tpu.memory_space<vmem>>) offsets(%dma_start3A_178 : memref<64xi32, #tpu.memory_space<vmem>>) semaphore(%arg20 : memref<!tpu.dma_semaphore, #tpu.memory_space<semaphore_mem>>)
      } else {
      }
      %mul3A_76 = arith.constant 64 : i32
      %mul3A_77 = arith.muli %add3A_69, %mul3A_76 : i32
      %dma_wait3A_78 = tpu.memref_slice %arg7[%mul3A_77] : memref<10240xi32, #tpu.memory_space<vmem>> -> memref<64xi32, #tpu.memory_space<vmem>>
      %dma_wait3A_79 = arith.constant 0 : i32
      %dma_wait3A_80 = arith.constant 0 : i32
      %dma_wait3A_81 = tpu.memref_slice %arg2[%dma_wait3A_79, %dma_wait3A_80] : memref<20000x128xf32, #tpu.memory_space<hbm>> -> memref<20000x128xf32, #tpu.memory_space<hbm>>
      tpu.wait_indirect_dma semaphore(%arg17 : memref<!tpu.dma_semaphore, #tpu.memory_space<semaphore_mem>>) src(%dma_wait3A_81 : memref<20000x128xf32, #tpu.memory_space<hbm>>) dst(%arg12 : memref<64x128xf32, #tpu.memory_space<vmem>>)
      %mul3A_82 = arith.constant 10240 : i32
      %mul3A_83 = arith.muli %arg1, %mul3A_82 : i32
      %dma_wait3A_84 = tpu.memref_slice %arg4[%mul3A_83] : memref<163840xi32, #tpu.memory_space<hbm>> -> memref<64xi32, #tpu.memory_space<hbm>>
      %dma_wait3A_85 = tpu.memref_slice %arg4[%mul3A_83] : memref<163840xi32, #tpu.memory_space<hbm>> -> memref<64xi32, #tpu.memory_space<hbm>>
      tpu.wait_dma2 semaphore(%arg21 : memref<!tpu.dma_semaphore, #tpu.memory_space<semaphore_mem>>) src(%dma_wait3A_85 : memref<64xi32, #tpu.memory_space<hbm>>) dst(%arg8 : memref<64xi32, #tpu.memory_space<vmem>>)
      %dma_start3A_86 = arith.constant 0 : i32
      %dma_start3A_87 = arith.constant 0 : i32
      %dma_start3A_88 = tpu.memref_slice %arg16[%dma_start3A_86, %dma_start3A_87] : memref<10240x128xf32, #tpu.memory_space<vmem_shared>> -> memref<10240x128xf32, #tpu.memory_space<vmem_shared>>
      tpu.enqueue_indirect_dma source(%arg12 : memref<64x128xf32, #tpu.memory_space<vmem>>) target(%dma_start3A_88 : memref<10240x128xf32, #tpu.memory_space<vmem_shared>>) offsets(%arg8 : memref<64xi32, #tpu.memory_space<vmem>>) semaphore(%arg25 : memref<!tpu.dma_semaphore, #tpu.memory_space<semaphore_mem>>) {add = true}
      %mul3A_89 = arith.constant 4 : i32
      %mul3A_90 = arith.muli %mul3A_89, %scan3A_65 : i32
      %add3A_91 = arith.constant 1 : i32
      %add3A_92 = arith.addi %mul3A_90, %add3A_91 : i32
      %add3A_93 = arith.constant 3 : i32
      %add3A_94 = arith.addi %add3A_92, %add3A_93 : i32
      %lt3A_95 = arith.constant 160 : i32
      %lt3A_96 = arith.cmpi slt, %add3A_94, %lt3A_95 : i32
      %convert_element_type3A_97 = arith.extui %lt3A_96 : i1 to i32
      %cond3A_98 = arith.constant 0 : i32
      %cond3A_99 = arith.cmpi ne, %convert_element_type3A_97, %cond3A_98 : i32
      scf.if %cond3A_99 {
        %ge3A = arith.constant 1 : i32
        %ge3A_161 = arith.cmpi sge, %add3A_92, %ge3A : i32
        %convert_element_type3A_162 = arith.extui %ge3A_161 : i1 to i32
        %cond3A_163 = arith.constant 0 : i32
        %cond3A_164 = arith.cmpi ne, %convert_element_type3A_162, %cond3A_163 : i32
        scf.if %cond3A_164 {
          %dma_wait3A_182 = arith.constant 0 : i32
          %dma_wait3A_183 = arith.constant 0 : i32
          %dma_wait3A_184 = tpu.memref_slice %arg16[%dma_wait3A_182, %dma_wait3A_183] : memref<10240x128xf32, #tpu.memory_space<vmem_shared>> -> memref<10240x128xf32, #tpu.memory_space<vmem_shared>>
          tpu.wait_indirect_dma semaphore(%arg25 : memref<!tpu.dma_semaphore, #tpu.memory_space<semaphore_mem>>) src(%arg12 : memref<64x128xf32, #tpu.memory_space<vmem>>) dst(%dma_wait3A_184 : memref<10240x128xf32, #tpu.memory_space<vmem_shared>>)
        } else {
        }
        %mul3A_165 = arith.constant 10240 : i32
        %mul3A_166 = arith.muli %arg1, %mul3A_165 : i32
        %add3A_167 = arith.constant 3 : i32
        %add3A_168 = arith.addi %add3A_92, %add3A_167 : i32
        %mul3A_169 = arith.constant 64 : i32
        %mul3A_170 = arith.muli %add3A_168, %mul3A_169 : i32
        %add3A_171 = arith.addi %mul3A_166, %mul3A_170 : i32
        %dma_start3A_172 = tpu.memref_slice %arg4[%add3A_171] : memref<163840xi32, #tpu.memory_space<hbm>> -> memref<64xi32, #tpu.memory_space<hbm>>
        %dma_start3A_173 = tpu.memref_slice %arg4[%add3A_171] : memref<163840xi32, #tpu.memory_space<hbm>> -> memref<64xi32, #tpu.memory_space<hbm>>
        tpu.enqueue_dma source(%dma_start3A_173 : memref<64xi32, #tpu.memory_space<hbm>>) target(%arg8 : memref<64xi32, #tpu.memory_space<vmem>>) target_semaphore(%arg21 : memref<!tpu.dma_semaphore, #tpu.memory_space<semaphore_mem>>)
        %add3A_174 = arith.constant 3 : i32
        %add3A_175 = arith.addi %add3A_92, %add3A_174 : i32
        %mul3A_176 = arith.constant 64 : i32
        %mul3A_177 = arith.muli %add3A_175, %mul3A_176 : i32
        %dma_start3A_178 = tpu.memref_slice %arg7[%mul3A_177] : memref<10240xi32, #tpu.memory_space<vmem>> -> memref<64xi32, #tpu.memory_space<vmem>>
        %dma_start3A_179 = arith.constant 0 : i32
        %dma_start3A_180 = arith.constant 0 : i32
        %dma_start3A_181 = tpu.memref_slice %arg2[%dma_start3A_179, %dma_start3A_180] : memref<20000x128xf32, #tpu.memory_space<hbm>> -> memref<20000x128xf32, #tpu.memory_space<hbm>>
        tpu.enqueue_indirect_dma source(%dma_start3A_181 : memref<20000x128xf32, #tpu.memory_space<hbm>>) target(%arg12 : memref<64x128xf32, #tpu.memory_space<vmem>>) offsets(%dma_start3A_178 : memref<64xi32, #tpu.memory_space<vmem>>) semaphore(%arg17 : memref<!tpu.dma_semaphore, #tpu.memory_space<semaphore_mem>>)
      } else {
      }
      %mul3A_100 = arith.constant 64 : i32
      %mul3A_101 = arith.muli %add3A_92, %mul3A_100 : i32
      %dma_wait3A_102 = tpu.memref_slice %arg7[%mul3A_101] : memref<10240xi32, #tpu.memory_space<vmem>> -> memref<64xi32, #tpu.memory_space<vmem>>
      %dma_wait3A_103 = arith.constant 0 : i32
      %dma_wait3A_104 = arith.constant 0 : i32
      %dma_wait3A_105 = tpu.memref_slice %arg2[%dma_wait3A_103, %dma_wait3A_104] : memref<20000x128xf32, #tpu.memory_space<hbm>> -> memref<20000x128xf32, #tpu.memory_space<hbm>>
      tpu.wait_indirect_dma semaphore(%arg18 : memref<!tpu.dma_semaphore, #tpu.memory_space<semaphore_mem>>) src(%dma_wait3A_105 : memref<20000x128xf32, #tpu.memory_space<hbm>>) dst(%arg13 : memref<64x128xf32, #tpu.memory_space<vmem>>)
      %mul3A_106 = arith.constant 10240 : i32
      %mul3A_107 = arith.muli %arg1, %mul3A_106 : i32
      %dma_wait3A_108 = tpu.memref_slice %arg4[%mul3A_107] : memref<163840xi32, #tpu.memory_space<hbm>> -> memref<64xi32, #tpu.memory_space<hbm>>
      %dma_wait3A_109 = tpu.memref_slice %arg4[%mul3A_107] : memref<163840xi32, #tpu.memory_space<hbm>> -> memref<64xi32, #tpu.memory_space<hbm>>
      tpu.wait_dma2 semaphore(%arg22 : memref<!tpu.dma_semaphore, #tpu.memory_space<semaphore_mem>>) src(%dma_wait3A_109 : memref<64xi32, #tpu.memory_space<hbm>>) dst(%arg9 : memref<64xi32, #tpu.memory_space<vmem>>)
      %dma_start3A_110 = arith.constant 0 : i32
      %dma_start3A_111 = arith.constant 0 : i32
      %dma_start3A_112 = tpu.memref_slice %arg16[%dma_start3A_110, %dma_start3A_111] : memref<10240x128xf32, #tpu.memory_space<vmem_shared>> -> memref<10240x128xf32, #tpu.memory_space<vmem_shared>>
      tpu.enqueue_indirect_dma source(%arg13 : memref<64x128xf32, #tpu.memory_space<vmem>>) target(%dma_start3A_112 : memref<10240x128xf32, #tpu.memory_space<vmem_shared>>) offsets(%arg9 : memref<64xi32, #tpu.memory_space<vmem>>) semaphore(%arg26 : memref<!tpu.dma_semaphore, #tpu.memory_space<semaphore_mem>>) {add = true}
      %mul3A_113 = arith.constant 4 : i32
      %mul3A_114 = arith.muli %mul3A_113, %scan3A_65 : i32
      %add3A_115 = arith.constant 2 : i32
      %add3A_116 = arith.addi %mul3A_114, %add3A_115 : i32
      %add3A_117 = arith.constant 3 : i32
      %add3A_118 = arith.addi %add3A_116, %add3A_117 : i32
      %lt3A_119 = arith.constant 160 : i32
      %lt3A_120 = arith.cmpi slt, %add3A_118, %lt3A_119 : i32
      %convert_element_type3A_121 = arith.extui %lt3A_120 : i1 to i32
      %cond3A_122 = arith.constant 0 : i32
      %cond3A_123 = arith.cmpi ne, %convert_element_type3A_121, %cond3A_122 : i32
      scf.if %cond3A_123 {
        %ge3A = arith.constant 1 : i32
        %ge3A_161 = arith.cmpi sge, %add3A_116, %ge3A : i32
        %convert_element_type3A_162 = arith.extui %ge3A_161 : i1 to i32
        %cond3A_163 = arith.constant 0 : i32
        %cond3A_164 = arith.cmpi ne, %convert_element_type3A_162, %cond3A_163 : i32
        scf.if %cond3A_164 {
          %dma_wait3A_182 = arith.constant 0 : i32
          %dma_wait3A_183 = arith.constant 0 : i32
          %dma_wait3A_184 = tpu.memref_slice %arg16[%dma_wait3A_182, %dma_wait3A_183] : memref<10240x128xf32, #tpu.memory_space<vmem_shared>> -> memref<10240x128xf32, #tpu.memory_space<vmem_shared>>
          tpu.wait_indirect_dma semaphore(%arg26 : memref<!tpu.dma_semaphore, #tpu.memory_space<semaphore_mem>>) src(%arg13 : memref<64x128xf32, #tpu.memory_space<vmem>>) dst(%dma_wait3A_184 : memref<10240x128xf32, #tpu.memory_space<vmem_shared>>)
        } else {
        }
        %mul3A_165 = arith.constant 10240 : i32
        %mul3A_166 = arith.muli %arg1, %mul3A_165 : i32
        %add3A_167 = arith.constant 3 : i32
        %add3A_168 = arith.addi %add3A_116, %add3A_167 : i32
        %mul3A_169 = arith.constant 64 : i32
        %mul3A_170 = arith.muli %add3A_168, %mul3A_169 : i32
        %add3A_171 = arith.addi %mul3A_166, %mul3A_170 : i32
        %dma_start3A_172 = tpu.memref_slice %arg4[%add3A_171] : memref<163840xi32, #tpu.memory_space<hbm>> -> memref<64xi32, #tpu.memory_space<hbm>>
        %dma_start3A_173 = tpu.memref_slice %arg4[%add3A_171] : memref<163840xi32, #tpu.memory_space<hbm>> -> memref<64xi32, #tpu.memory_space<hbm>>
        tpu.enqueue_dma source(%dma_start3A_173 : memref<64xi32, #tpu.memory_space<hbm>>) target(%arg9 : memref<64xi32, #tpu.memory_space<vmem>>) target_semaphore(%arg22 : memref<!tpu.dma_semaphore, #tpu.memory_space<semaphore_mem>>)
        %add3A_174 = arith.constant 3 : i32
        %add3A_175 = arith.addi %add3A_116, %add3A_174 : i32
        %mul3A_176 = arith.constant 64 : i32
        %mul3A_177 = arith.muli %add3A_175, %mul3A_176 : i32
        %dma_start3A_178 = tpu.memref_slice %arg7[%mul3A_177] : memref<10240xi32, #tpu.memory_space<vmem>> -> memref<64xi32, #tpu.memory_space<vmem>>
        %dma_start3A_179 = arith.constant 0 : i32
        %dma_start3A_180 = arith.constant 0 : i32
        %dma_start3A_181 = tpu.memref_slice %arg2[%dma_start3A_179, %dma_start3A_180] : memref<20000x128xf32, #tpu.memory_space<hbm>> -> memref<20000x128xf32, #tpu.memory_space<hbm>>
        tpu.enqueue_indirect_dma source(%dma_start3A_181 : memref<20000x128xf32, #tpu.memory_space<hbm>>) target(%arg13 : memref<64x128xf32, #tpu.memory_space<vmem>>) offsets(%dma_start3A_178 : memref<64xi32, #tpu.memory_space<vmem>>) semaphore(%arg18 : memref<!tpu.dma_semaphore, #tpu.memory_space<semaphore_mem>>)
      } else {
      }
      %mul3A_124 = arith.constant 64 : i32
      %mul3A_125 = arith.muli %add3A_116, %mul3A_124 : i32
      %dma_wait3A_126 = tpu.memref_slice %arg7[%mul3A_125] : memref<10240xi32, #tpu.memory_space<vmem>> -> memref<64xi32, #tpu.memory_space<vmem>>
      %dma_wait3A_127 = arith.constant 0 : i32
      %dma_wait3A_128 = arith.constant 0 : i32
      %dma_wait3A_129 = tpu.memref_slice %arg2[%dma_wait3A_127, %dma_wait3A_128] : memref<20000x128xf32, #tpu.memory_space<hbm>> -> memref<20000x128xf32, #tpu.memory_space<hbm>>
      tpu.wait_indirect_dma semaphore(%arg19 : memref<!tpu.dma_semaphore, #tpu.memory_space<semaphore_mem>>) src(%dma_wait3A_129 : memref<20000x128xf32, #tpu.memory_space<hbm>>) dst(%arg14 : memref<64x128xf32, #tpu.memory_space<vmem>>)
      %mul3A_130 = arith.constant 10240 : i32
      %mul3A_131 = arith.muli %arg1, %mul3A_130 : i32
      %dma_wait3A_132 = tpu.memref_slice %arg4[%mul3A_131] : memref<163840xi32, #tpu.memory_space<hbm>> -> memref<64xi32, #tpu.memory_space<hbm>>
      %dma_wait3A_133 = tpu.memref_slice %arg4[%mul3A_131] : memref<163840xi32, #tpu.memory_space<hbm>> -> memref<64xi32, #tpu.memory_space<hbm>>
      tpu.wait_dma2 semaphore(%arg23 : memref<!tpu.dma_semaphore, #tpu.memory_space<semaphore_mem>>) src(%dma_wait3A_133 : memref<64xi32, #tpu.memory_space<hbm>>) dst(%arg10 : memref<64xi32, #tpu.memory_space<vmem>>)
      %dma_start3A_134 = arith.constant 0 : i32
      %dma_start3A_135 = arith.constant 0 : i32
      %dma_start3A_136 = tpu.memref_slice %arg16[%dma_start3A_134, %dma_start3A_135] : memref<10240x128xf32, #tpu.memory_space<vmem_shared>> -> memref<10240x128xf32, #tpu.memory_space<vmem_shared>>
      tpu.enqueue_indirect_dma source(%arg14 : memref<64x128xf32, #tpu.memory_space<vmem>>) target(%dma_start3A_136 : memref<10240x128xf32, #tpu.memory_space<vmem_shared>>) offsets(%arg10 : memref<64xi32, #tpu.memory_space<vmem>>) semaphore(%arg27 : memref<!tpu.dma_semaphore, #tpu.memory_space<semaphore_mem>>) {add = true}
      %mul3A_137 = arith.constant 4 : i32
      %mul3A_138 = arith.muli %mul3A_137, %scan3A_65 : i32
      %add3A_139 = arith.constant 3 : i32
      %add3A_140 = arith.addi %mul3A_138, %add3A_139 : i32
      %add3A_141 = arith.constant 3 : i32
      %add3A_142 = arith.addi %add3A_140, %add3A_141 : i32
      %lt3A_143 = arith.constant 160 : i32
      %lt3A_144 = arith.cmpi slt, %add3A_142, %lt3A_143 : i32
      %convert_element_type3A_145 = arith.extui %lt3A_144 : i1 to i32
      %cond3A_146 = arith.constant 0 : i32
      %cond3A_147 = arith.cmpi ne, %convert_element_type3A_145, %cond3A_146 : i32
      scf.if %cond3A_147 {
        %ge3A = arith.constant 1 : i32
        %ge3A_161 = arith.cmpi sge, %add3A_140, %ge3A : i32
        %convert_element_type3A_162 = arith.extui %ge3A_161 : i1 to i32
        %cond3A_163 = arith.constant 0 : i32
        %cond3A_164 = arith.cmpi ne, %convert_element_type3A_162, %cond3A_163 : i32
        scf.if %cond3A_164 {
          %dma_wait3A_182 = arith.constant 0 : i32
          %dma_wait3A_183 = arith.constant 0 : i32
          %dma_wait3A_184 = tpu.memref_slice %arg16[%dma_wait3A_182, %dma_wait3A_183] : memref<10240x128xf32, #tpu.memory_space<vmem_shared>> -> memref<10240x128xf32, #tpu.memory_space<vmem_shared>>
          tpu.wait_indirect_dma semaphore(%arg27 : memref<!tpu.dma_semaphore, #tpu.memory_space<semaphore_mem>>) src(%arg14 : memref<64x128xf32, #tpu.memory_space<vmem>>) dst(%dma_wait3A_184 : memref<10240x128xf32, #tpu.memory_space<vmem_shared>>)
        } else {
        }
        %mul3A_165 = arith.constant 10240 : i32
        %mul3A_166 = arith.muli %arg1, %mul3A_165 : i32
        %add3A_167 = arith.constant 3 : i32
        %add3A_168 = arith.addi %add3A_140, %add3A_167 : i32
        %mul3A_169 = arith.constant 64 : i32
        %mul3A_170 = arith.muli %add3A_168, %mul3A_169 : i32
        %add3A_171 = arith.addi %mul3A_166, %mul3A_170 : i32
        %dma_start3A_172 = tpu.memref_slice %arg4[%add3A_171] : memref<163840xi32, #tpu.memory_space<hbm>> -> memref<64xi32, #tpu.memory_space<hbm>>
        %dma_start3A_173 = tpu.memref_slice %arg4[%add3A_171] : memref<163840xi32, #tpu.memory_space<hbm>> -> memref<64xi32, #tpu.memory_space<hbm>>
        tpu.enqueue_dma source(%dma_start3A_173 : memref<64xi32, #tpu.memory_space<hbm>>) target(%arg10 : memref<64xi32, #tpu.memory_space<vmem>>) target_semaphore(%arg23 : memref<!tpu.dma_semaphore, #tpu.memory_space<semaphore_mem>>)
        %add3A_174 = arith.constant 3 : i32
        %add3A_175 = arith.addi %add3A_140, %add3A_174 : i32
        %mul3A_176 = arith.constant 64 : i32
        %mul3A_177 = arith.muli %add3A_175, %mul3A_176 : i32
        %dma_start3A_178 = tpu.memref_slice %arg7[%mul3A_177] : memref<10240xi32, #tpu.memory_space<vmem>> -> memref<64xi32, #tpu.memory_space<vmem>>
        %dma_start3A_179 = arith.constant 0 : i32
        %dma_start3A_180 = arith.constant 0 : i32
        %dma_start3A_181 = tpu.memref_slice %arg2[%dma_start3A_179, %dma_start3A_180] : memref<20000x128xf32, #tpu.memory_space<hbm>> -> memref<20000x128xf32, #tpu.memory_space<hbm>>
        tpu.enqueue_indirect_dma source(%dma_start3A_181 : memref<20000x128xf32, #tpu.memory_space<hbm>>) target(%arg14 : memref<64x128xf32, #tpu.memory_space<vmem>>) offsets(%dma_start3A_178 : memref<64xi32, #tpu.memory_space<vmem>>) semaphore(%arg19 : memref<!tpu.dma_semaphore, #tpu.memory_space<semaphore_mem>>)
      } else {
      }
      %mul3A_148 = arith.constant 64 : i32
      %mul3A_149 = arith.muli %add3A_140, %mul3A_148 : i32
      %dma_wait3A_150 = tpu.memref_slice %arg7[%mul3A_149] : memref<10240xi32, #tpu.memory_space<vmem>> -> memref<64xi32, #tpu.memory_space<vmem>>
      %dma_wait3A_151 = arith.constant 0 : i32
      %dma_wait3A_152 = arith.constant 0 : i32
      %dma_wait3A_153 = tpu.memref_slice %arg2[%dma_wait3A_151, %dma_wait3A_152] : memref<20000x128xf32, #tpu.memory_space<hbm>> -> memref<20000x128xf32, #tpu.memory_space<hbm>>
      tpu.wait_indirect_dma semaphore(%arg20 : memref<!tpu.dma_semaphore, #tpu.memory_space<semaphore_mem>>) src(%dma_wait3A_153 : memref<20000x128xf32, #tpu.memory_space<hbm>>) dst(%arg15 : memref<64x128xf32, #tpu.memory_space<vmem>>)
      %mul3A_154 = arith.constant 10240 : i32
      %mul3A_155 = arith.muli %arg1, %mul3A_154 : i32
      %dma_wait3A_156 = tpu.memref_slice %arg4[%mul3A_155] : memref<163840xi32, #tpu.memory_space<hbm>> -> memref<64xi32, #tpu.memory_space<hbm>>
      %dma_wait3A_157 = tpu.memref_slice %arg4[%mul3A_155] : memref<163840xi32, #tpu.memory_space<hbm>> -> memref<64xi32, #tpu.memory_space<hbm>>
      tpu.wait_dma2 semaphore(%arg24 : memref<!tpu.dma_semaphore, #tpu.memory_space<semaphore_mem>>) src(%dma_wait3A_157 : memref<64xi32, #tpu.memory_space<hbm>>) dst(%arg11 : memref<64xi32, #tpu.memory_space<vmem>>)
      %dma_start3A_158 = arith.constant 0 : i32
      %dma_start3A_159 = arith.constant 0 : i32
      %dma_start3A_160 = tpu.memref_slice %arg16[%dma_start3A_158, %dma_start3A_159] : memref<10240x128xf32, #tpu.memory_space<vmem_shared>> -> memref<10240x128xf32, #tpu.memory_space<vmem_shared>>
      tpu.enqueue_indirect_dma source(%arg15 : memref<64x128xf32, #tpu.memory_space<vmem>>) target(%dma_start3A_160 : memref<10240x128xf32, #tpu.memory_space<vmem_shared>>) offsets(%arg11 : memref<64xi32, #tpu.memory_space<vmem>>) semaphore(%arg28 : memref<!tpu.dma_semaphore, #tpu.memory_space<semaphore_mem>>) {add = true}
    }
    %scan3A_43 = arith.constant 40 : i32
    %dma_wait3A = arith.constant 0 : i32
    %dma_wait3A_44 = arith.constant 0 : i32
    %dma_wait3A_45 = tpu.memref_slice %arg16[%dma_wait3A, %dma_wait3A_44] : memref<10240x128xf32, #tpu.memory_space<vmem_shared>> -> memref<10240x128xf32, #tpu.memory_space<vmem_shared>>
    tpu.wait_indirect_dma semaphore(%arg25 : memref<!tpu.dma_semaphore, #tpu.memory_space<semaphore_mem>>) src(%arg12 : memref<64x128xf32, #tpu.memory_space<vmem>>) dst(%dma_wait3A_45 : memref<10240x128xf32, #tpu.memory_space<vmem_shared>>)
    %dma_wait3A_46 = arith.constant 0 : i32
    %dma_wait3A_47 = arith.constant 0 : i32
    %dma_wait3A_48 = tpu.memref_slice %arg16[%dma_wait3A_46, %dma_wait3A_47] : memref<10240x128xf32, #tpu.memory_space<vmem_shared>> -> memref<10240x128xf32, #tpu.memory_space<vmem_shared>>
    tpu.wait_indirect_dma semaphore(%arg26 : memref<!tpu.dma_semaphore, #tpu.memory_space<semaphore_mem>>) src(%arg13 : memref<64x128xf32, #tpu.memory_space<vmem>>) dst(%dma_wait3A_48 : memref<10240x128xf32, #tpu.memory_space<vmem_shared>>)
    %dma_wait3A_49 = arith.constant 0 : i32
    %dma_wait3A_50 = arith.constant 0 : i32
    %dma_wait3A_51 = tpu.memref_slice %arg16[%dma_wait3A_49, %dma_wait3A_50] : memref<10240x128xf32, #tpu.memory_space<vmem_shared>> -> memref<10240x128xf32, #tpu.memory_space<vmem_shared>>
    tpu.wait_indirect_dma semaphore(%arg27 : memref<!tpu.dma_semaphore, #tpu.memory_space<semaphore_mem>>) src(%arg14 : memref<64x128xf32, #tpu.memory_space<vmem>>) dst(%dma_wait3A_51 : memref<10240x128xf32, #tpu.memory_space<vmem_shared>>)
    %dma_wait3A_52 = arith.constant 0 : i32
    %dma_wait3A_53 = arith.constant 0 : i32
    %dma_wait3A_54 = tpu.memref_slice %arg16[%dma_wait3A_52, %dma_wait3A_53] : memref<10240x128xf32, #tpu.memory_space<vmem_shared>> -> memref<10240x128xf32, #tpu.memory_space<vmem_shared>>
    tpu.wait_indirect_dma semaphore(%arg28 : memref<!tpu.dma_semaphore, #tpu.memory_space<semaphore_mem>>) src(%arg15 : memref<64x128xf32, #tpu.memory_space<vmem>>) dst(%dma_wait3A_54 : memref<10240x128xf32, #tpu.memory_space<vmem_shared>>)
    %barrier3A_55 = arith.constant 0 : index
    tpu.barrier barrier_id(%barrier3A_55)
    %mul3A_56 = arith.constant 624 : i32
    %mul3A_57 = arith.muli %arg1, %mul3A_56 : i32
    %mul3A_58 = arith.constant 10000 : i32
    %mul3A_59 = arith.muli %arg0, %mul3A_58 : i32
    %mul3A_60 = arith.constant 624 : i32
    %mul3A_61 = arith.muli %arg1, %mul3A_60 : i32
    %add3A_62 = arith.addi %mul3A_59, %mul3A_61 : i32
    "tpu.region"() ({
      %run_scoped3A = tpu.sem_alloc : memref<!tpu.dma_semaphore, #tpu.memory_space<semaphore_mem>>
      %dma_start3A_65 = arith.constant 0 : i32
      %dma_start3A_66 = tpu.memref_slice %arg6[%add3A_62, %dma_start3A_65] : memref<20000x128xf32, #tpu.memory_space<hbm>> -> memref<624x128xf32, #tpu.memory_space<hbm>>
      %dma_start3A_67 = arith.constant 0 : i32
      %dma_start3A_68 = tpu.memref_slice %arg16[%mul3A_57, %dma_start3A_67] : memref<10240x128xf32, #tpu.memory_space<vmem_shared>> -> memref<624x128xf32, #tpu.memory_space<vmem_shared>>
      tpu.enqueue_dma source(%dma_start3A_68 : memref<624x128xf32, #tpu.memory_space<vmem_shared>>) target(%dma_start3A_66 : memref<624x128xf32, #tpu.memory_space<hbm>>) target_semaphore(%run_scoped3A : memref<!tpu.dma_semaphore, #tpu.memory_space<semaphore_mem>>)
      %dma_wait3A_69 = arith.constant 0 : i32
      %dma_wait3A_70 = tpu.memref_slice %arg6[%add3A_62, %dma_wait3A_69] : memref<20000x128xf32, #tpu.memory_space<hbm>> -> memref<624x128xf32, #tpu.memory_space<hbm>>
      %dma_wait3A_71 = arith.constant 0 : i32
      %dma_wait3A_72 = tpu.memref_slice %arg16[%mul3A_57, %dma_wait3A_71] : memref<10240x128xf32, #tpu.memory_space<vmem_shared>> -> memref<624x128xf32, #tpu.memory_space<vmem_shared>>
      tpu.wait_dma2 semaphore(%run_scoped3A : memref<!tpu.dma_semaphore, #tpu.memory_space<semaphore_mem>>) src(%dma_wait3A_72 : memref<624x128xf32, #tpu.memory_space<vmem_shared>>) dst(%dma_wait3A_70 : memref<624x128xf32, #tpu.memory_space<hbm>>)
      tpu.yield
    }) : () -> ()
    %eq3A = arith.constant 15 : i32
    %eq3A_63 = arith.cmpi eq, %arg1, %eq3A : i32
    %convert_element_type3A = arith.extui %eq3A_63 : i1 to i32
    %cond3A = arith.constant 0 : i32
    %cond3A_64 = arith.cmpi ne, %convert_element_type3A, %cond3A : i32
    scf.if %cond3A_64 {
      %mul3A_65 = arith.constant 10000 : i32
      %mul3A_66 = arith.muli %arg0, %mul3A_65 : i32
      %add3A_67 = arith.constant 9984 : i32
      %add3A_68 = arith.addi %mul3A_66, %add3A_67 : i32
      "tpu.region"() ({
        %run_scoped3A = tpu.sem_alloc : memref<!tpu.dma_semaphore, #tpu.memory_space<semaphore_mem>>
        %dma_start3A_69 = arith.constant 0 : i32
        %dma_start3A_70 = tpu.memref_slice %arg6[%add3A_68, %dma_start3A_69] : memref<20000x128xf32, #tpu.memory_space<hbm>> -> memref<16x128xf32, #tpu.memory_space<hbm>>
        %dma_start3A_71 = arith.constant 9984 : i32
        %dma_start3A_72 = arith.constant 0 : i32
        %dma_start3A_73 = tpu.memref_slice %arg16[%dma_start3A_71, %dma_start3A_72] : memref<10240x128xf32, #tpu.memory_space<vmem_shared>> -> memref<16x128xf32, #tpu.memory_space<vmem_shared>>
        tpu.enqueue_dma source(%dma_start3A_73 : memref<16x128xf32, #tpu.memory_space<vmem_shared>>) target(%dma_start3A_70 : memref<16x128xf32, #tpu.memory_space<hbm>>) target_semaphore(%run_scoped3A : memref<!tpu.dma_semaphore, #tpu.memory_space<semaphore_mem>>)
        %dma_wait3A_74 = arith.constant 0 : i32
        %dma_wait3A_75 = tpu.memref_slice %arg6[%add3A_68, %dma_wait3A_74] : memref<20000x128xf32, #tpu.memory_space<hbm>> -> memref<16x128xf32, #tpu.memory_space<hbm>>
        %dma_wait3A_76 = arith.constant 9984 : i32
        %dma_wait3A_77 = arith.constant 0 : i32
        %dma_wait3A_78 = tpu.memref_slice %arg16[%dma_wait3A_76, %dma_wait3A_77] : memref<10240x128xf32, #tpu.memory_space<vmem_shared>> -> memref<16x128xf32, #tpu.memory_space<vmem_shared>>
        tpu.wait_dma2 semaphore(%run_scoped3A : memref<!tpu.dma_semaphore, #tpu.memory_space<semaphore_mem>>) src(%dma_wait3A_78 : memref<16x128xf32, #tpu.memory_space<vmem_shared>>) dst(%dma_wait3A_75 : memref<16x128xf32, #tpu.memory_space<hbm>>)
        tpu.yield
      }) : () -> ()
    } else {
    }
    return
  }
}

#map = affine_map<(d0, d1) -> (0, 0)>
module attributes {stable_mosaic.version = 14 : i64} {
  func.func @k(%arg0: i32, %arg1: i32, %arg2: memref<2560x64xi32, #tpu.memory_space<hbm>>, %arg3: memref<10240x128xf32, #tpu.memory_space<hbm>>, %arg4: memref<64x128xf32, #tpu.memory_space<hbm>>, %arg5: memref<10000x128xf32, #tpu.memory_space<hbm>>, %arg6: memref<160x64xi32, #tpu.memory_space<vmem>>, %arg7: memref<64x128xf32, #tpu.memory_space<vmem>>, %arg8: memref<10240x128xf32, #tpu.memory_space<vmem_shared>>, %arg9: memref<!tpu.dma_semaphore, #tpu.memory_space<semaphore_mem>>, %arg10: memref<!tpu.dma_semaphore, #tpu.memory_space<semaphore_mem>>, %arg11: memref<!tpu.dma_semaphore, #tpu.memory_space<semaphore_mem>>, %arg12: memref<!tpu.dma_semaphore, #tpu.memory_space<semaphore_mem>>) attributes {dimension_semantics = [#tpu.dimension_semantics<core_parallel>, #tpu.dimension_semantics<subcore_parallel>], iteration_bounds = array<i64: 2, 16>, scalar_prefetch = 0 : i64, scratch_operands = 7 : i64, tpu.core_type = #tpu.core_type<sc_vector_subcore>, window_params = [{transform_indices = #map}, {transform_indices = #map}, {transform_indices = #map}, {transform_indices = #map}]} {
    %mul3A = arith.constant 160 : i32
    %mul3A_0 = arith.muli %arg1, %mul3A : i32
    "tpu.region"() ({
      %run_scoped3A = tpu.sem_alloc : memref<!tpu.dma_semaphore, #tpu.memory_space<semaphore_mem>>
      %dma_start3A = arith.constant 0 : i32
      %dma_start3A_47 = tpu.memref_slice %arg2[%mul3A_0, %dma_start3A] : memref<2560x64xi32, #tpu.memory_space<hbm>> -> memref<160x64xi32, #tpu.memory_space<hbm>>
      %dma_start3A_48 = arith.constant 0 : i32
      %dma_start3A_49 = tpu.memref_slice %arg2[%mul3A_0, %dma_start3A_48] : memref<2560x64xi32, #tpu.memory_space<hbm>> -> memref<160x64xi32, #tpu.memory_space<hbm>>
      tpu.enqueue_dma source(%dma_start3A_49 : memref<160x64xi32, #tpu.memory_space<hbm>>) target(%arg6 : memref<160x64xi32, #tpu.memory_space<vmem>>) target_semaphore(%run_scoped3A : memref<!tpu.dma_semaphore, #tpu.memory_space<semaphore_mem>>)
      %dma_wait3A_50 = arith.constant 0 : i32
      %dma_wait3A_51 = tpu.memref_slice %arg2[%mul3A_0, %dma_wait3A_50] : memref<2560x64xi32, #tpu.memory_space<hbm>> -> memref<160x64xi32, #tpu.memory_space<hbm>>
      %dma_wait3A_52 = arith.constant 0 : i32
      %dma_wait3A_53 = tpu.memref_slice %arg2[%mul3A_0, %dma_wait3A_52] : memref<2560x64xi32, #tpu.memory_space<hbm>> -> memref<160x64xi32, #tpu.memory_space<hbm>>
      tpu.wait_dma2 semaphore(%run_scoped3A : memref<!tpu.dma_semaphore, #tpu.memory_space<semaphore_mem>>) src(%dma_wait3A_53 : memref<160x64xi32, #tpu.memory_space<hbm>>) dst(%arg6 : memref<160x64xi32, #tpu.memory_space<vmem>>)
      tpu.yield
    }) : () -> ()
    %mul3A_1 = arith.constant 640 : i32
    %mul3A_2 = arith.muli %arg1, %mul3A_1 : i32
    %mul3A_3 = arith.constant 640 : i32
    %mul3A_4 = arith.muli %arg1, %mul3A_3 : i32
    "tpu.region"() ({
      %run_scoped3A = tpu.sem_alloc : memref<!tpu.dma_semaphore, #tpu.memory_space<semaphore_mem>>
      %dma_start3A = arith.constant 0 : i32
      %dma_start3A_47 = tpu.memref_slice %arg8[%mul3A_4, %dma_start3A] : memref<10240x128xf32, #tpu.memory_space<vmem_shared>> -> memref<640x128xf32, #tpu.memory_space<vmem_shared>>
      %dma_start3A_48 = arith.constant 0 : i32
      %dma_start3A_49 = tpu.memref_slice %arg3[%mul3A_2, %dma_start3A_48] : memref<10240x128xf32, #tpu.memory_space<hbm>> -> memref<640x128xf32, #tpu.memory_space<hbm>>
      tpu.enqueue_dma source(%dma_start3A_49 : memref<640x128xf32, #tpu.memory_space<hbm>>) target(%dma_start3A_47 : memref<640x128xf32, #tpu.memory_space<vmem_shared>>) target_semaphore(%run_scoped3A : memref<!tpu.dma_semaphore, #tpu.memory_space<semaphore_mem>>)
      %dma_wait3A_50 = arith.constant 0 : i32
      %dma_wait3A_51 = tpu.memref_slice %arg8[%mul3A_4, %dma_wait3A_50] : memref<10240x128xf32, #tpu.memory_space<vmem_shared>> -> memref<640x128xf32, #tpu.memory_space<vmem_shared>>
      %dma_wait3A_52 = arith.constant 0 : i32
      %dma_wait3A_53 = tpu.memref_slice %arg3[%mul3A_2, %dma_wait3A_52] : memref<10240x128xf32, #tpu.memory_space<hbm>> -> memref<640x128xf32, #tpu.memory_space<hbm>>
      tpu.wait_dma2 semaphore(%run_scoped3A : memref<!tpu.dma_semaphore, #tpu.memory_space<semaphore_mem>>) src(%dma_wait3A_53 : memref<640x128xf32, #tpu.memory_space<hbm>>) dst(%dma_wait3A_51 : memref<640x128xf32, #tpu.memory_space<vmem_shared>>)
      tpu.yield
    }) : () -> ()
    "tpu.region"() ({
      %run_scoped3A = tpu.sem_alloc : memref<!tpu.dma_semaphore, #tpu.memory_space<semaphore_mem>>
      tpu.enqueue_dma source(%arg4 : memref<64x128xf32, #tpu.memory_space<hbm>>) target(%arg7 : memref<64x128xf32, #tpu.memory_space<vmem>>) target_semaphore(%run_scoped3A : memref<!tpu.dma_semaphore, #tpu.memory_space<semaphore_mem>>)
      tpu.wait_dma2 semaphore(%run_scoped3A : memref<!tpu.dma_semaphore, #tpu.memory_space<semaphore_mem>>) src(%arg4 : memref<64x128xf32, #tpu.memory_space<hbm>>) dst(%arg7 : memref<64x128xf32, #tpu.memory_space<vmem>>)
      tpu.yield
    }) : () -> ()
    %barrier3A = arith.constant 0 : index
    tpu.barrier barrier_id(%barrier3A)
    %scan3A = arith.constant 0 : i32
    %scan3A_5 = arith.constant 0 : i32
    %scan3A_6 = arith.constant 40 : i32
    %scan3A_7 = arith.addi %scan3A_5, %scan3A_6 : i32
    %scan3A_8 = arith.constant 1 : i32
    scf.for %scan3A_47 = %scan3A_5 to %scan3A_7 step %scan3A_8  : i32 {
      %mul3A_48 = arith.constant 4 : i32
      %mul3A_49 = arith.muli %mul3A_48, %scan3A_47 : i32
      %add3A = arith.constant 0 : i32
      %add3A_50 = arith.addi %mul3A_49, %add3A : i32
      %ge3A = arith.constant 4 : i32
      %ge3A_51 = arith.cmpi sge, %add3A_50, %ge3A : i32
      %convert_element_type3A_52 = arith.extui %ge3A_51 : i1 to i32
      %cond3A_53 = arith.constant 0 : i32
      %cond3A_54 = arith.cmpi ne, %convert_element_type3A_52, %cond3A_53 : i32
      scf.if %cond3A_54 {
        %dma_wait3A_105 = arith.constant 0 : i32
        %dma_wait3A_106 = arith.constant 0 : i32
        %dma_wait3A_107 = tpu.memref_slice %arg6[%dma_wait3A_105, %dma_wait3A_106] : memref<160x64xi32, #tpu.memory_space<vmem>> -> memref<1x64xi32, #tpu.memory_space<vmem>>
        %dma_wait3A_108 = tpu.memref_squeeze %dma_wait3A_107 : memref<1x64xi32, #tpu.memory_space<vmem>> -> memref<64xi32, #tpu.memory_space<vmem>>
        %dma_wait3A_109 = arith.constant 0 : i32
        %dma_wait3A_110 = arith.constant 0 : i32
        %dma_wait3A_111 = tpu.memref_slice %arg8[%dma_wait3A_109, %dma_wait3A_110] : memref<10240x128xf32, #tpu.memory_space<vmem_shared>> -> memref<10240x128xf32, #tpu.memory_space<vmem_shared>>
        tpu.wait_indirect_dma semaphore(%arg9 : memref<!tpu.dma_semaphore, #tpu.memory_space<semaphore_mem>>) src(%arg7 : memref<64x128xf32, #tpu.memory_space<vmem>>) dst(%dma_wait3A_111 : memref<10240x128xf32, #tpu.memory_space<vmem_shared>>)
      } else {
      }
      %dma_start3A = arith.constant 0 : i32
      %dma_start3A_55 = tpu.memref_slice %arg6[%add3A_50, %dma_start3A] : memref<160x64xi32, #tpu.memory_space<vmem>> -> memref<1x64xi32, #tpu.memory_space<vmem>>
      %dma_start3A_56 = tpu.memref_squeeze %dma_start3A_55 : memref<1x64xi32, #tpu.memory_space<vmem>> -> memref<64xi32, #tpu.memory_space<vmem>>
      %dma_start3A_57 = arith.constant 0 : i32
      %dma_start3A_58 = arith.constant 0 : i32
      %dma_start3A_59 = tpu.memref_slice %arg8[%dma_start3A_57, %dma_start3A_58] : memref<10240x128xf32, #tpu.memory_space<vmem_shared>> -> memref<10240x128xf32, #tpu.memory_space<vmem_shared>>
      tpu.enqueue_indirect_dma source(%arg7 : memref<64x128xf32, #tpu.memory_space<vmem>>) target(%dma_start3A_59 : memref<10240x128xf32, #tpu.memory_space<vmem_shared>>) offsets(%dma_start3A_56 : memref<64xi32, #tpu.memory_space<vmem>>) semaphore(%arg9 : memref<!tpu.dma_semaphore, #tpu.memory_space<semaphore_mem>>) {add = true}
      %mul3A_60 = arith.constant 4 : i32
      %mul3A_61 = arith.muli %mul3A_60, %scan3A_47 : i32
      %add3A_62 = arith.constant 1 : i32
      %add3A_63 = arith.addi %mul3A_61, %add3A_62 : i32
      %ge3A_64 = arith.constant 4 : i32
      %ge3A_65 = arith.cmpi sge, %add3A_63, %ge3A_64 : i32
      %convert_element_type3A_66 = arith.extui %ge3A_65 : i1 to i32
      %cond3A_67 = arith.constant 0 : i32
      %cond3A_68 = arith.cmpi ne, %convert_element_type3A_66, %cond3A_67 : i32
      scf.if %cond3A_68 {
        %dma_wait3A_105 = arith.constant 0 : i32
        %dma_wait3A_106 = arith.constant 0 : i32
        %dma_wait3A_107 = tpu.memref_slice %arg6[%dma_wait3A_105, %dma_wait3A_106] : memref<160x64xi32, #tpu.memory_space<vmem>> -> memref<1x64xi32, #tpu.memory_space<vmem>>
        %dma_wait3A_108 = tpu.memref_squeeze %dma_wait3A_107 : memref<1x64xi32, #tpu.memory_space<vmem>> -> memref<64xi32, #tpu.memory_space<vmem>>
        %dma_wait3A_109 = arith.constant 0 : i32
        %dma_wait3A_110 = arith.constant 0 : i32
        %dma_wait3A_111 = tpu.memref_slice %arg8[%dma_wait3A_109, %dma_wait3A_110] : memref<10240x128xf32, #tpu.memory_space<vmem_shared>> -> memref<10240x128xf32, #tpu.memory_space<vmem_shared>>
        tpu.wait_indirect_dma semaphore(%arg10 : memref<!tpu.dma_semaphore, #tpu.memory_space<semaphore_mem>>) src(%arg7 : memref<64x128xf32, #tpu.memory_space<vmem>>) dst(%dma_wait3A_111 : memref<10240x128xf32, #tpu.memory_space<vmem_shared>>)
      } else {
      }
      %dma_start3A_69 = arith.constant 0 : i32
      %dma_start3A_70 = tpu.memref_slice %arg6[%add3A_63, %dma_start3A_69] : memref<160x64xi32, #tpu.memory_space<vmem>> -> memref<1x64xi32, #tpu.memory_space<vmem>>
      %dma_start3A_71 = tpu.memref_squeeze %dma_start3A_70 : memref<1x64xi32, #tpu.memory_space<vmem>> -> memref<64xi32, #tpu.memory_space<vmem>>
      %dma_start3A_72 = arith.constant 0 : i32
      %dma_start3A_73 = arith.constant 0 : i32
      %dma_start3A_74 = tpu.memref_slice %arg8[%dma_start3A_72, %dma_start3A_73] : memref<10240x128xf32, #tpu.memory_space<vmem_shared>> -> memref<10240x128xf32, #tpu.memory_space<vmem_shared>>
      tpu.enqueue_indirect_dma source(%arg7 : memref<64x128xf32, #tpu.memory_space<vmem>>) target(%dma_start3A_74 : memref<10240x128xf32, #tpu.memory_space<vmem_shared>>) offsets(%dma_start3A_71 : memref<64xi32, #tpu.memory_space<vmem>>) semaphore(%arg10 : memref<!tpu.dma_semaphore, #tpu.memory_space<semaphore_mem>>) {add = true}
      %mul3A_75 = arith.constant 4 : i32
      %mul3A_76 = arith.muli %mul3A_75, %scan3A_47 : i32
      %add3A_77 = arith.constant 2 : i32
      %add3A_78 = arith.addi %mul3A_76, %add3A_77 : i32
      %ge3A_79 = arith.constant 4 : i32
      %ge3A_80 = arith.cmpi sge, %add3A_78, %ge3A_79 : i32
      %convert_element_type3A_81 = arith.extui %ge3A_80 : i1 to i32
      %cond3A_82 = arith.constant 0 : i32
      %cond3A_83 = arith.cmpi ne, %convert_element_type3A_81, %cond3A_82 : i32
      scf.if %cond3A_83 {
        %dma_wait3A_105 = arith.constant 0 : i32
        %dma_wait3A_106 = arith.constant 0 : i32
        %dma_wait3A_107 = tpu.memref_slice %arg6[%dma_wait3A_105, %dma_wait3A_106] : memref<160x64xi32, #tpu.memory_space<vmem>> -> memref<1x64xi32, #tpu.memory_space<vmem>>
        %dma_wait3A_108 = tpu.memref_squeeze %dma_wait3A_107 : memref<1x64xi32, #tpu.memory_space<vmem>> -> memref<64xi32, #tpu.memory_space<vmem>>
        %dma_wait3A_109 = arith.constant 0 : i32
        %dma_wait3A_110 = arith.constant 0 : i32
        %dma_wait3A_111 = tpu.memref_slice %arg8[%dma_wait3A_109, %dma_wait3A_110] : memref<10240x128xf32, #tpu.memory_space<vmem_shared>> -> memref<10240x128xf32, #tpu.memory_space<vmem_shared>>
        tpu.wait_indirect_dma semaphore(%arg11 : memref<!tpu.dma_semaphore, #tpu.memory_space<semaphore_mem>>) src(%arg7 : memref<64x128xf32, #tpu.memory_space<vmem>>) dst(%dma_wait3A_111 : memref<10240x128xf32, #tpu.memory_space<vmem_shared>>)
      } else {
      }
      %dma_start3A_84 = arith.constant 0 : i32
      %dma_start3A_85 = tpu.memref_slice %arg6[%add3A_78, %dma_start3A_84] : memref<160x64xi32, #tpu.memory_space<vmem>> -> memref<1x64xi32, #tpu.memory_space<vmem>>
      %dma_start3A_86 = tpu.memref_squeeze %dma_start3A_85 : memref<1x64xi32, #tpu.memory_space<vmem>> -> memref<64xi32, #tpu.memory_space<vmem>>
      %dma_start3A_87 = arith.constant 0 : i32
      %dma_start3A_88 = arith.constant 0 : i32
      %dma_start3A_89 = tpu.memref_slice %arg8[%dma_start3A_87, %dma_start3A_88] : memref<10240x128xf32, #tpu.memory_space<vmem_shared>> -> memref<10240x128xf32, #tpu.memory_space<vmem_shared>>
      tpu.enqueue_indirect_dma source(%arg7 : memref<64x128xf32, #tpu.memory_space<vmem>>) target(%dma_start3A_89 : memref<10240x128xf32, #tpu.memory_space<vmem_shared>>) offsets(%dma_start3A_86 : memref<64xi32, #tpu.memory_space<vmem>>) semaphore(%arg11 : memref<!tpu.dma_semaphore, #tpu.memory_space<semaphore_mem>>) {add = true}
      %mul3A_90 = arith.constant 4 : i32
      %mul3A_91 = arith.muli %mul3A_90, %scan3A_47 : i32
      %add3A_92 = arith.constant 3 : i32
      %add3A_93 = arith.addi %mul3A_91, %add3A_92 : i32
      %ge3A_94 = arith.constant 4 : i32
      %ge3A_95 = arith.cmpi sge, %add3A_93, %ge3A_94 : i32
      %convert_element_type3A_96 = arith.extui %ge3A_95 : i1 to i32
      %cond3A_97 = arith.constant 0 : i32
      %cond3A_98 = arith.cmpi ne, %convert_element_type3A_96, %cond3A_97 : i32
      scf.if %cond3A_98 {
        %dma_wait3A_105 = arith.constant 0 : i32
        %dma_wait3A_106 = arith.constant 0 : i32
        %dma_wait3A_107 = tpu.memref_slice %arg6[%dma_wait3A_105, %dma_wait3A_106] : memref<160x64xi32, #tpu.memory_space<vmem>> -> memref<1x64xi32, #tpu.memory_space<vmem>>
        %dma_wait3A_108 = tpu.memref_squeeze %dma_wait3A_107 : memref<1x64xi32, #tpu.memory_space<vmem>> -> memref<64xi32, #tpu.memory_space<vmem>>
        %dma_wait3A_109 = arith.constant 0 : i32
        %dma_wait3A_110 = arith.constant 0 : i32
        %dma_wait3A_111 = tpu.memref_slice %arg8[%dma_wait3A_109, %dma_wait3A_110] : memref<10240x128xf32, #tpu.memory_space<vmem_shared>> -> memref<10240x128xf32, #tpu.memory_space<vmem_shared>>
        tpu.wait_indirect_dma semaphore(%arg12 : memref<!tpu.dma_semaphore, #tpu.memory_space<semaphore_mem>>) src(%arg7 : memref<64x128xf32, #tpu.memory_space<vmem>>) dst(%dma_wait3A_111 : memref<10240x128xf32, #tpu.memory_space<vmem_shared>>)
      } else {
      }
      %dma_start3A_99 = arith.constant 0 : i32
      %dma_start3A_100 = tpu.memref_slice %arg6[%add3A_93, %dma_start3A_99] : memref<160x64xi32, #tpu.memory_space<vmem>> -> memref<1x64xi32, #tpu.memory_space<vmem>>
      %dma_start3A_101 = tpu.memref_squeeze %dma_start3A_100 : memref<1x64xi32, #tpu.memory_space<vmem>> -> memref<64xi32, #tpu.memory_space<vmem>>
      %dma_start3A_102 = arith.constant 0 : i32
      %dma_start3A_103 = arith.constant 0 : i32
      %dma_start3A_104 = tpu.memref_slice %arg8[%dma_start3A_102, %dma_start3A_103] : memref<10240x128xf32, #tpu.memory_space<vmem_shared>> -> memref<10240x128xf32, #tpu.memory_space<vmem_shared>>
      tpu.enqueue_indirect_dma source(%arg7 : memref<64x128xf32, #tpu.memory_space<vmem>>) target(%dma_start3A_104 : memref<10240x128xf32, #tpu.memory_space<vmem_shared>>) offsets(%dma_start3A_101 : memref<64xi32, #tpu.memory_space<vmem>>) semaphore(%arg12 : memref<!tpu.dma_semaphore, #tpu.memory_space<semaphore_mem>>) {add = true}
    }
    %scan3A_9 = arith.constant 40 : i32
    %dma_wait3A = arith.constant 0 : i32
    %dma_wait3A_10 = arith.constant 0 : i32
    %dma_wait3A_11 = tpu.memref_slice %arg6[%dma_wait3A, %dma_wait3A_10] : memref<160x64xi32, #tpu.memory_space<vmem>> -> memref<1x64xi32, #tpu.memory_space<vmem>>
    %dma_wait3A_12 = tpu.memref_squeeze %dma_wait3A_11 : memref<1x64xi32, #tpu.memory_space<vmem>> -> memref<64xi32, #tpu.memory_space<vmem>>
    %dma_wait3A_13 = arith.constant 0 : i32
    %dma_wait3A_14 = arith.constant 0 : i32
    %dma_wait3A_15 = tpu.memref_slice %arg8[%dma_wait3A_13, %dma_wait3A_14] : memref<10240x128xf32, #tpu.memory_space<vmem_shared>> -> memref<10240x128xf32, #tpu.memory_space<vmem_shared>>
    tpu.wait_indirect_dma semaphore(%arg9 : memref<!tpu.dma_semaphore, #tpu.memory_space<semaphore_mem>>) src(%arg7 : memref<64x128xf32, #tpu.memory_space<vmem>>) dst(%dma_wait3A_15 : memref<10240x128xf32, #tpu.memory_space<vmem_shared>>)
    %dma_wait3A_16 = arith.constant 0 : i32
    %dma_wait3A_17 = arith.constant 0 : i32
    %dma_wait3A_18 = tpu.memref_slice %arg6[%dma_wait3A_16, %dma_wait3A_17] : memref<160x64xi32, #tpu.memory_space<vmem>> -> memref<1x64xi32, #tpu.memory_space<vmem>>
    %dma_wait3A_19 = tpu.memref_squeeze %dma_wait3A_18 : memref<1x64xi32, #tpu.memory_space<vmem>> -> memref<64xi32, #tpu.memory_space<vmem>>
    %dma_wait3A_20 = arith.constant 0 : i32
    %dma_wait3A_21 = arith.constant 0 : i32
    %dma_wait3A_22 = tpu.memref_slice %arg8[%dma_wait3A_20, %dma_wait3A_21] : memref<10240x128xf32, #tpu.memory_space<vmem_shared>> -> memref<10240x128xf32, #tpu.memory_space<vmem_shared>>
    tpu.wait_indirect_dma semaphore(%arg10 : memref<!tpu.dma_semaphore, #tpu.memory_space<semaphore_mem>>) src(%arg7 : memref<64x128xf32, #tpu.memory_space<vmem>>) dst(%dma_wait3A_22 : memref<10240x128xf32, #tpu.memory_space<vmem_shared>>)
    %dma_wait3A_23 = arith.constant 0 : i32
    %dma_wait3A_24 = arith.constant 0 : i32
    %dma_wait3A_25 = tpu.memref_slice %arg6[%dma_wait3A_23, %dma_wait3A_24] : memref<160x64xi32, #tpu.memory_space<vmem>> -> memref<1x64xi32, #tpu.memory_space<vmem>>
    %dma_wait3A_26 = tpu.memref_squeeze %dma_wait3A_25 : memref<1x64xi32, #tpu.memory_space<vmem>> -> memref<64xi32, #tpu.memory_space<vmem>>
    %dma_wait3A_27 = arith.constant 0 : i32
    %dma_wait3A_28 = arith.constant 0 : i32
    %dma_wait3A_29 = tpu.memref_slice %arg8[%dma_wait3A_27, %dma_wait3A_28] : memref<10240x128xf32, #tpu.memory_space<vmem_shared>> -> memref<10240x128xf32, #tpu.memory_space<vmem_shared>>
    tpu.wait_indirect_dma semaphore(%arg11 : memref<!tpu.dma_semaphore, #tpu.memory_space<semaphore_mem>>) src(%arg7 : memref<64x128xf32, #tpu.memory_space<vmem>>) dst(%dma_wait3A_29 : memref<10240x128xf32, #tpu.memory_space<vmem_shared>>)
    %dma_wait3A_30 = arith.constant 0 : i32
    %dma_wait3A_31 = arith.constant 0 : i32
    %dma_wait3A_32 = tpu.memref_slice %arg6[%dma_wait3A_30, %dma_wait3A_31] : memref<160x64xi32, #tpu.memory_space<vmem>> -> memref<1x64xi32, #tpu.memory_space<vmem>>
    %dma_wait3A_33 = tpu.memref_squeeze %dma_wait3A_32 : memref<1x64xi32, #tpu.memory_space<vmem>> -> memref<64xi32, #tpu.memory_space<vmem>>
    %dma_wait3A_34 = arith.constant 0 : i32
    %dma_wait3A_35 = arith.constant 0 : i32
    %dma_wait3A_36 = tpu.memref_slice %arg8[%dma_wait3A_34, %dma_wait3A_35] : memref<10240x128xf32, #tpu.memory_space<vmem_shared>> -> memref<10240x128xf32, #tpu.memory_space<vmem_shared>>
    tpu.wait_indirect_dma semaphore(%arg12 : memref<!tpu.dma_semaphore, #tpu.memory_space<semaphore_mem>>) src(%arg7 : memref<64x128xf32, #tpu.memory_space<vmem>>) dst(%dma_wait3A_36 : memref<10240x128xf32, #tpu.memory_space<vmem_shared>>)
    %barrier3A_37 = arith.constant 0 : index
    tpu.barrier barrier_id(%barrier3A_37)
    %eq3A = arith.constant 0 : i32
    %eq3A_38 = arith.cmpi eq, %arg0, %eq3A : i32
    %convert_element_type3A = arith.extui %eq3A_38 : i1 to i32
    %cond3A = arith.constant 0 : i32
    %cond3A_39 = arith.cmpi ne, %convert_element_type3A, %cond3A : i32
    scf.if %cond3A_39 {
      %mul3A_47 = arith.constant 624 : i32
      %mul3A_48 = arith.muli %arg1, %mul3A_47 : i32
      %mul3A_49 = arith.constant 624 : i32
      %mul3A_50 = arith.muli %arg1, %mul3A_49 : i32
      "tpu.region"() ({
        %run_scoped3A = tpu.sem_alloc : memref<!tpu.dma_semaphore, #tpu.memory_space<semaphore_mem>>
        %dma_start3A = arith.constant 0 : i32
        %dma_start3A_51 = tpu.memref_slice %arg5[%mul3A_50, %dma_start3A] : memref<10000x128xf32, #tpu.memory_space<hbm>> -> memref<624x128xf32, #tpu.memory_space<hbm>>
        %dma_start3A_52 = arith.constant 0 : i32
        %dma_start3A_53 = tpu.memref_slice %arg8[%mul3A_48, %dma_start3A_52] : memref<10240x128xf32, #tpu.memory_space<vmem_shared>> -> memref<624x128xf32, #tpu.memory_space<vmem_shared>>
        tpu.enqueue_dma source(%dma_start3A_53 : memref<624x128xf32, #tpu.memory_space<vmem_shared>>) target(%dma_start3A_51 : memref<624x128xf32, #tpu.memory_space<hbm>>) target_semaphore(%run_scoped3A : memref<!tpu.dma_semaphore, #tpu.memory_space<semaphore_mem>>)
        %dma_wait3A_54 = arith.constant 0 : i32
        %dma_wait3A_55 = tpu.memref_slice %arg5[%mul3A_50, %dma_wait3A_54] : memref<10000x128xf32, #tpu.memory_space<hbm>> -> memref<624x128xf32, #tpu.memory_space<hbm>>
        %dma_wait3A_56 = arith.constant 0 : i32
        %dma_wait3A_57 = tpu.memref_slice %arg8[%mul3A_48, %dma_wait3A_56] : memref<10240x128xf32, #tpu.memory_space<vmem_shared>> -> memref<624x128xf32, #tpu.memory_space<vmem_shared>>
        tpu.wait_dma2 semaphore(%run_scoped3A : memref<!tpu.dma_semaphore, #tpu.memory_space<semaphore_mem>>) src(%dma_wait3A_57 : memref<624x128xf32, #tpu.memory_space<vmem_shared>>) dst(%dma_wait3A_55 : memref<624x128xf32, #tpu.memory_space<hbm>>)
        tpu.yield
      }) : () -> ()
    } else {
    }
    %eq3A_40 = arith.constant 0 : i32
    %eq3A_41 = arith.cmpi eq, %arg0, %eq3A_40 : i32
    %eq3A_42 = arith.constant 15 : i32
    %eq3A_43 = arith.cmpi eq, %arg1, %eq3A_42 : i32
    %and3A = arith.andi %eq3A_41, %eq3A_43 : i1
    %convert_element_type3A_44 = arith.extui %and3A : i1 to i32
    %cond3A_45 = arith.constant 0 : i32
    %cond3A_46 = arith.cmpi ne, %convert_element_type3A_44, %cond3A_45 : i32
    scf.if %cond3A_46 {
      "tpu.region"() ({
        %run_scoped3A = tpu.sem_alloc : memref<!tpu.dma_semaphore, #tpu.memory_space<semaphore_mem>>
        %dma_start3A = arith.constant 9984 : i32
        %dma_start3A_47 = arith.constant 0 : i32
        %dma_start3A_48 = tpu.memref_slice %arg5[%dma_start3A, %dma_start3A_47] : memref<10000x128xf32, #tpu.memory_space<hbm>> -> memref<16x128xf32, #tpu.memory_space<hbm>>
        %dma_start3A_49 = arith.constant 9984 : i32
        %dma_start3A_50 = arith.constant 0 : i32
        %dma_start3A_51 = tpu.memref_slice %arg8[%dma_start3A_49, %dma_start3A_50] : memref<10240x128xf32, #tpu.memory_space<vmem_shared>> -> memref<16x128xf32, #tpu.memory_space<vmem_shared>>
        tpu.enqueue_dma source(%dma_start3A_51 : memref<16x128xf32, #tpu.memory_space<vmem_shared>>) target(%dma_start3A_48 : memref<16x128xf32, #tpu.memory_space<hbm>>) target_semaphore(%run_scoped3A : memref<!tpu.dma_semaphore, #tpu.memory_space<semaphore_mem>>)
        %dma_wait3A_52 = arith.constant 9984 : i32
        %dma_wait3A_53 = arith.constant 0 : i32
        %dma_wait3A_54 = tpu.memref_slice %arg5[%dma_wait3A_52, %dma_wait3A_53] : memref<10000x128xf32, #tpu.memory_space<hbm>> -> memref<16x128xf32, #tpu.memory_space<hbm>>
        %dma_wait3A_55 = arith.constant 9984 : i32
        %dma_wait3A_56 = arith.constant 0 : i32
        %dma_wait3A_57 = tpu.memref_slice %arg8[%dma_wait3A_55, %dma_wait3A_56] : memref<10240x128xf32, #tpu.memory_space<vmem_shared>> -> memref<16x128xf32, #tpu.memory_space<vmem_shared>>
        tpu.wait_dma2 semaphore(%run_scoped3A : memref<!tpu.dma_semaphore, #tpu.memory_space<semaphore_mem>>) src(%dma_wait3A_57 : memref<16x128xf32, #tpu.memory_space<vmem_shared>>) dst(%dma_wait3A_54 : memref<16x128xf32, #tpu.memory_space<hbm>>)
        tpu.yield
      }) : () -> ()
    } else {
    }
    return
  }
}

#map = affine_map<(d0, d1) -> (0, 0)>
#map1 = affine_map<(d0, d1) -> (0)>
module attributes {stable_mosaic.version = 14 : i64} {
  func.func @k(%arg0: i32, %arg1: i32, %arg2: memref<20000x128xf32, #tpu.memory_space<hbm>>, %arg3: memref<327680xi32, #tpu.memory_space<hbm>>, %arg4: memref<163840xi32, #tpu.memory_space<hbm>>, %arg5: memref<10240x128xf32, #tpu.memory_space<hbm>>, %arg6: memref<20000x128xf32, #tpu.memory_space<hbm>>, %arg7: memref<10240xi32, #tpu.memory_space<vmem>>, %arg8: memref<64xi32, #tpu.memory_space<vmem>>, %arg9: memref<64xi32, #tpu.memory_space<vmem>>, %arg10: memref<64xi32, #tpu.memory_space<vmem>>, %arg11: memref<64xi32, #tpu.memory_space<vmem>>, %arg12: memref<64x128xf32, #tpu.memory_space<vmem>>, %arg13: memref<64x128xf32, #tpu.memory_space<vmem>>, %arg14: memref<64x128xf32, #tpu.memory_space<vmem>>, %arg15: memref<64x128xf32, #tpu.memory_space<vmem>>, %arg16: memref<10240x128xf32, #tpu.memory_space<vmem_shared>>, %arg17: memref<!tpu.dma_semaphore, #tpu.memory_space<semaphore_mem>>, %arg18: memref<!tpu.dma_semaphore, #tpu.memory_space<semaphore_mem>>, %arg19: memref<!tpu.dma_semaphore, #tpu.memory_space<semaphore_mem>>, %arg20: memref<!tpu.dma_semaphore, #tpu.memory_space<semaphore_mem>>, %arg21: memref<!tpu.dma_semaphore, #tpu.memory_space<semaphore_mem>>, %arg22: memref<!tpu.dma_semaphore, #tpu.memory_space<semaphore_mem>>, %arg23: memref<!tpu.dma_semaphore, #tpu.memory_space<semaphore_mem>>, %arg24: memref<!tpu.dma_semaphore, #tpu.memory_space<semaphore_mem>>, %arg25: memref<!tpu.dma_semaphore, #tpu.memory_space<semaphore_mem>>, %arg26: memref<!tpu.dma_semaphore, #tpu.memory_space<semaphore_mem>>, %arg27: memref<!tpu.dma_semaphore, #tpu.memory_space<semaphore_mem>>, %arg28: memref<!tpu.dma_semaphore, #tpu.memory_space<semaphore_mem>>) attributes {dimension_semantics = [#tpu.dimension_semantics<core_parallel>, #tpu.dimension_semantics<subcore_parallel>], iteration_bounds = array<i64: 2, 16>, scalar_prefetch = 0 : i64, scratch_operands = 22 : i64, tpu.core_type = #tpu.core_type<sc_vector_subcore>, window_params = [{transform_indices = #map}, {transform_indices = #map1}, {transform_indices = #map1}, {transform_indices = #map}, {transform_indices = #map}]} {
    %mul3A = arith.constant 163840 : i32
    %mul3A_0 = arith.muli %arg0, %mul3A : i32
    %mul3A_1 = arith.constant 10240 : i32
    %mul3A_2 = arith.muli %arg1, %mul3A_1 : i32
    %add3A = arith.addi %mul3A_0, %mul3A_2 : i32
    "tpu.region"() ({
      %run_scoped3A = tpu.sem_alloc : memref<!tpu.dma_semaphore, #tpu.memory_space<semaphore_mem>>
      %dma_start3A_65 = tpu.memref_slice %arg3[%add3A] : memref<327680xi32, #tpu.memory_space<hbm>> -> memref<10240xi32, #tpu.memory_space<hbm>>
      %dma_start3A_66 = tpu.memref_slice %arg3[%add3A] : memref<327680xi32, #tpu.memory_space<hbm>> -> memref<10240xi32, #tpu.memory_space<hbm>>
      tpu.enqueue_dma source(%dma_start3A_66 : memref<10240xi32, #tpu.memory_space<hbm>>) target(%arg7 : memref<10240xi32, #tpu.memory_space<vmem>>) target_semaphore(%run_scoped3A : memref<!tpu.dma_semaphore, #tpu.memory_space<semaphore_mem>>)
      %dma_wait3A_67 = tpu.memref_slice %arg3[%add3A] : memref<327680xi32, #tpu.memory_space<hbm>> -> memref<10240xi32, #tpu.memory_space<hbm>>
      %dma_wait3A_68 = tpu.memref_slice %arg3[%add3A] : memref<327680xi32, #tpu.memory_space<hbm>> -> memref<10240xi32, #tpu.memory_space<hbm>>
      tpu.wait_dma2 semaphore(%run_scoped3A : memref<!tpu.dma_semaphore, #tpu.memory_space<semaphore_mem>>) src(%dma_wait3A_68 : memref<10240xi32, #tpu.memory_space<hbm>>) dst(%arg7 : memref<10240xi32, #tpu.memory_space<vmem>>)
      tpu.yield
    }) : () -> ()
    %mul3A_3 = arith.constant 640 : i32
    %mul3A_4 = arith.muli %arg1, %mul3A_3 : i32
    %mul3A_5 = arith.constant 640 : i32
    %mul3A_6 = arith.muli %arg1, %mul3A_5 : i32
    "tpu.region"() ({
      %run_scoped3A = tpu.sem_alloc : memref<!tpu.dma_semaphore, #tpu.memory_space<semaphore_mem>>
      %dma_start3A_65 = arith.constant 0 : i32
      %dma_start3A_66 = tpu.memref_slice %arg16[%mul3A_6, %dma_start3A_65] : memref<10240x128xf32, #tpu.memory_space<vmem_shared>> -> memref<640x128xf32, #tpu.memory_space<vmem_shared>>
      %dma_start3A_67 = arith.constant 0 : i32
      %dma_start3A_68 = tpu.memref_slice %arg5[%mul3A_4, %dma_start3A_67] : memref<10240x128xf32, #tpu.memory_space<hbm>> -> memref<640x128xf32, #tpu.memory_space<hbm>>
      tpu.enqueue_dma source(%dma_start3A_68 : memref<640x128xf32, #tpu.memory_space<hbm>>) target(%dma_start3A_66 : memref<640x128xf32, #tpu.memory_space<vmem_shared>>) target_semaphore(%run_scoped3A : memref<!tpu.dma_semaphore, #tpu.memory_space<semaphore_mem>>)
      %dma_wait3A_69 = arith.constant 0 : i32
      %dma_wait3A_70 = tpu.memref_slice %arg16[%mul3A_6, %dma_wait3A_69] : memref<10240x128xf32, #tpu.memory_space<vmem_shared>> -> memref<640x128xf32, #tpu.memory_space<vmem_shared>>
      %dma_wait3A_71 = arith.constant 0 : i32
      %dma_wait3A_72 = tpu.memref_slice %arg5[%mul3A_4, %dma_wait3A_71] : memref<10240x128xf32, #tpu.memory_space<hbm>> -> memref<640x128xf32, #tpu.memory_space<hbm>>
      tpu.wait_dma2 semaphore(%run_scoped3A : memref<!tpu.dma_semaphore, #tpu.memory_space<semaphore_mem>>) src(%dma_wait3A_72 : memref<640x128xf32, #tpu.memory_space<hbm>>) dst(%dma_wait3A_70 : memref<640x128xf32, #tpu.memory_space<vmem_shared>>)
      tpu.yield
    }) : () -> ()
    %mul3A_7 = arith.constant 10240 : i32
    %mul3A_8 = arith.muli %arg1, %mul3A_7 : i32
    %add3A_9 = arith.constant 0 : i32
    %add3A_10 = arith.addi %mul3A_8, %add3A_9 : i32
    %dma_start3A = tpu.memref_slice %arg4[%add3A_10] : memref<163840xi32, #tpu.memory_space<hbm>> -> memref<64xi32, #tpu.memory_space<hbm>>
    %dma_start3A_11 = tpu.memref_slice %arg4[%add3A_10] : memref<163840xi32, #tpu.memory_space<hbm>> -> memref<64xi32, #tpu.memory_space<hbm>>
    tpu.enqueue_dma source(%dma_start3A_11 : memref<64xi32, #tpu.memory_space<hbm>>) target(%arg8 : memref<64xi32, #tpu.memory_space<vmem>>) target_semaphore(%arg21 : memref<!tpu.dma_semaphore, #tpu.memory_space<semaphore_mem>>)
    %dma_start3A_12 = arith.constant 0 : i32
    %dma_start3A_13 = tpu.memref_slice %arg7[%dma_start3A_12] : memref<10240xi32, #tpu.memory_space<vmem>> -> memref<64xi32, #tpu.memory_space<vmem>>
    %dma_start3A_14 = arith.constant 0 : i32
    %dma_start3A_15 = arith.constant 0 : i32
    %dma_start3A_16 = tpu.memref_slice %arg2[%dma_start3A_14, %dma_start3A_15] : memref<20000x128xf32, #tpu.memory_space<hbm>> -> memref<20000x128xf32, #tpu.memory_space<hbm>>
    tpu.enqueue_indirect_dma source(%dma_start3A_16 : memref<20000x128xf32, #tpu.memory_space<hbm>>) target(%arg12 : memref<64x128xf32, #tpu.memory_space<vmem>>) offsets(%dma_start3A_13 : memref<64xi32, #tpu.memory_space<vmem>>) semaphore(%arg17 : memref<!tpu.dma_semaphore, #tpu.memory_space<semaphore_mem>>)
    %mul3A_17 = arith.constant 10240 : i32
    %mul3A_18 = arith.muli %arg1, %mul3A_17 : i32
    %add3A_19 = arith.constant 64 : i32
    %add3A_20 = arith.addi %mul3A_18, %add3A_19 : i32
    %dma_start3A_21 = tpu.memref_slice %arg4[%add3A_20] : memref<163840xi32, #tpu.memory_space<hbm>> -> memref<64xi32, #tpu.memory_space<hbm>>
    %dma_start3A_22 = tpu.memref_slice %arg4[%add3A_20] : memref<163840xi32, #tpu.memory_space<hbm>> -> memref<64xi32, #tpu.memory_space<hbm>>
    tpu.enqueue_dma source(%dma_start3A_22 : memref<64xi32, #tpu.memory_space<hbm>>) target(%arg9 : memref<64xi32, #tpu.memory_space<vmem>>) target_semaphore(%arg22 : memref<!tpu.dma_semaphore, #tpu.memory_space<semaphore_mem>>)
    %dma_start3A_23 = arith.constant 64 : i32
    %dma_start3A_24 = tpu.memref_slice %arg7[%dma_start3A_23] : memref<10240xi32, #tpu.memory_space<vmem>> -> memref<64xi32, #tpu.memory_space<vmem>>
    %dma_start3A_25 = arith.constant 0 : i32
    %dma_start3A_26 = arith.constant 0 : i32
    %dma_start3A_27 = tpu.memref_slice %arg2[%dma_start3A_25, %dma_start3A_26] : memref<20000x128xf32, #tpu.memory_space<hbm>> -> memref<20000x128xf32, #tpu.memory_space<hbm>>
    tpu.enqueue_indirect_dma source(%dma_start3A_27 : memref<20000x128xf32, #tpu.memory_space<hbm>>) target(%arg13 : memref<64x128xf32, #tpu.memory_space<vmem>>) offsets(%dma_start3A_24 : memref<64xi32, #tpu.memory_space<vmem>>) semaphore(%arg18 : memref<!tpu.dma_semaphore, #tpu.memory_space<semaphore_mem>>)
    %mul3A_28 = arith.constant 10240 : i32
    %mul3A_29 = arith.muli %arg1, %mul3A_28 : i32
    %add3A_30 = arith.constant 128 : i32
    %add3A_31 = arith.addi %mul3A_29, %add3A_30 : i32
    %dma_start3A_32 = tpu.memref_slice %arg4[%add3A_31] : memref<163840xi32, #tpu.memory_space<hbm>> -> memref<64xi32, #tpu.memory_space<hbm>>
    %dma_start3A_33 = tpu.memref_slice %arg4[%add3A_31] : memref<163840xi32, #tpu.memory_space<hbm>> -> memref<64xi32, #tpu.memory_space<hbm>>
    tpu.enqueue_dma source(%dma_start3A_33 : memref<64xi32, #tpu.memory_space<hbm>>) target(%arg10 : memref<64xi32, #tpu.memory_space<vmem>>) target_semaphore(%arg23 : memref<!tpu.dma_semaphore, #tpu.memory_space<semaphore_mem>>)
    %dma_start3A_34 = arith.constant 128 : i32
    %dma_start3A_35 = tpu.memref_slice %arg7[%dma_start3A_34] : memref<10240xi32, #tpu.memory_space<vmem>> -> memref<64xi32, #tpu.memory_space<vmem>>
    %dma_start3A_36 = arith.constant 0 : i32
    %dma_start3A_37 = arith.constant 0 : i32
    %dma_start3A_38 = tpu.memref_slice %arg2[%dma_start3A_36, %dma_start3A_37] : memref<20000x128xf32, #tpu.memory_space<hbm>> -> memref<20000x128xf32, #tpu.memory_space<hbm>>
    tpu.enqueue_indirect_dma source(%dma_start3A_38 : memref<20000x128xf32, #tpu.memory_space<hbm>>) target(%arg14 : memref<64x128xf32, #tpu.memory_space<vmem>>) offsets(%dma_start3A_35 : memref<64xi32, #tpu.memory_space<vmem>>) semaphore(%arg19 : memref<!tpu.dma_semaphore, #tpu.memory_space<semaphore_mem>>)
    %barrier3A = arith.constant 0 : index
    tpu.barrier barrier_id(%barrier3A)
    %scan3A = arith.constant 0 : i32
    %scan3A_39 = arith.constant 0 : i32
    %scan3A_40 = arith.constant 40 : i32
    %scan3A_41 = arith.addi %scan3A_39, %scan3A_40 : i32
    %scan3A_42 = arith.constant 1 : i32
    scf.for %scan3A_65 = %scan3A_39 to %scan3A_41 step %scan3A_42  : i32 {
      %mul3A_66 = arith.constant 4 : i32
      %mul3A_67 = arith.muli %mul3A_66, %scan3A_65 : i32
      %add3A_68 = arith.constant 0 : i32
      %add3A_69 = arith.addi %mul3A_67, %add3A_68 : i32
      %add3A_70 = arith.constant 3 : i32
      %add3A_71 = arith.addi %add3A_69, %add3A_70 : i32
      %lt3A = arith.constant 160 : i32
      %lt3A_72 = arith.cmpi slt, %add3A_71, %lt3A : i32
      %convert_element_type3A_73 = arith.extui %lt3A_72 : i1 to i32
      %cond3A_74 = arith.constant 0 : i32
      %cond3A_75 = arith.cmpi ne, %convert_element_type3A_73, %cond3A_74 : i32
      scf.if %cond3A_75 {
        %ge3A = arith.constant 1 : i32
        %ge3A_161 = arith.cmpi sge, %add3A_69, %ge3A : i32
        %convert_element_type3A_162 = arith.extui %ge3A_161 : i1 to i32
        %cond3A_163 = arith.constant 0 : i32
        %cond3A_164 = arith.cmpi ne, %convert_element_type3A_162, %cond3A_163 : i32
        scf.if %cond3A_164 {
          %dma_wait3A_182 = arith.constant 0 : i32
          %dma_wait3A_183 = arith.constant 0 : i32
          %dma_wait3A_184 = tpu.memref_slice %arg16[%dma_wait3A_182, %dma_wait3A_183] : memref<10240x128xf32, #tpu.memory_space<vmem_shared>> -> memref<10240x128xf32, #tpu.memory_space<vmem_shared>>
          tpu.wait_indirect_dma semaphore(%arg28 : memref<!tpu.dma_semaphore, #tpu.memory_space<semaphore_mem>>) src(%arg15 : memref<64x128xf32, #tpu.memory_space<vmem>>) dst(%dma_wait3A_184 : memref<10240x128xf32, #tpu.memory_space<vmem_shared>>)
        } else {
        }
        %mul3A_165 = arith.constant 10240 : i32
        %mul3A_166 = arith.muli %arg1, %mul3A_165 : i32
        %add3A_167 = arith.constant 3 : i32
        %add3A_168 = arith.addi %add3A_69, %add3A_167 : i32
        %mul3A_169 = arith.constant 64 : i32
        %mul3A_170 = arith.muli %add3A_168, %mul3A_169 : i32
        %add3A_171 = arith.addi %mul3A_166, %mul3A_170 : i32
        %dma_start3A_172 = tpu.memref_slice %arg4[%add3A_171] : memref<163840xi32, #tpu.memory_space<hbm>> -> memref<64xi32, #tpu.memory_space<hbm>>
        %dma_start3A_173 = tpu.memref_slice %arg4[%add3A_171] : memref<163840xi32, #tpu.memory_space<hbm>> -> memref<64xi32, #tpu.memory_space<hbm>>
        tpu.enqueue_dma source(%dma_start3A_173 : memref<64xi32, #tpu.memory_space<hbm>>) target(%arg11 : memref<64xi32, #tpu.memory_space<vmem>>) target_semaphore(%arg24 : memref<!tpu.dma_semaphore, #tpu.memory_space<semaphore_mem>>)
        %add3A_174 = arith.constant 3 : i32
        %add3A_175 = arith.addi %add3A_69, %add3A_174 : i32
        %mul3A_176 = arith.constant 64 : i32
        %mul3A_177 = arith.muli %add3A_175, %mul3A_176 : i32
        %dma_start3A_178 = tpu.memref_slice %arg7[%mul3A_177] : memref<10240xi32, #tpu.memory_space<vmem>> -> memref<64xi32, #tpu.memory_space<vmem>>
        %dma_start3A_179 = arith.constant 0 : i32
        %dma_start3A_180 = arith.constant 0 : i32
        %dma_start3A_181 = tpu.memref_slice %arg2[%dma_start3A_179, %dma_start3A_180] : memref<20000x128xf32, #tpu.memory_space<hbm>> -> memref<20000x128xf32, #tpu.memory_space<hbm>>
        tpu.enqueue_indirect_dma source(%dma_start3A_181 : memref<20000x128xf32, #tpu.memory_space<hbm>>) target(%arg15 : memref<64x128xf32, #tpu.memory_space<vmem>>) offsets(%dma_start3A_178 : memref<64xi32, #tpu.memory_space<vmem>>) semaphore(%arg20 : memref<!tpu.dma_semaphore, #tpu.memory_space<semaphore_mem>>)
      } else {
      }
      %mul3A_76 = arith.constant 64 : i32
      %mul3A_77 = arith.muli %add3A_69, %mul3A_76 : i32
      %dma_wait3A_78 = tpu.memref_slice %arg7[%mul3A_77] : memref<10240xi32, #tpu.memory_space<vmem>> -> memref<64xi32, #tpu.memory_space<vmem>>
      %dma_wait3A_79 = arith.constant 0 : i32
      %dma_wait3A_80 = arith.constant 0 : i32
      %dma_wait3A_81 = tpu.memref_slice %arg2[%dma_wait3A_79, %dma_wait3A_80] : memref<20000x128xf32, #tpu.memory_space<hbm>> -> memref<20000x128xf32, #tpu.memory_space<hbm>>
      tpu.wait_indirect_dma semaphore(%arg17 : memref<!tpu.dma_semaphore, #tpu.memory_space<semaphore_mem>>) src(%dma_wait3A_81 : memref<20000x128xf32, #tpu.memory_space<hbm>>) dst(%arg12 : memref<64x128xf32, #tpu.memory_space<vmem>>)
      %mul3A_82 = arith.constant 10240 : i32
      %mul3A_83 = arith.muli %arg1, %mul3A_82 : i32
      %dma_wait3A_84 = tpu.memref_slice %arg4[%mul3A_83] : memref<163840xi32, #tpu.memory_space<hbm>> -> memref<64xi32, #tpu.memory_space<hbm>>
      %dma_wait3A_85 = tpu.memref_slice %arg4[%mul3A_83] : memref<163840xi32, #tpu.memory_space<hbm>> -> memref<64xi32, #tpu.memory_space<hbm>>
      tpu.wait_dma2 semaphore(%arg21 : memref<!tpu.dma_semaphore, #tpu.memory_space<semaphore_mem>>) src(%dma_wait3A_85 : memref<64xi32, #tpu.memory_space<hbm>>) dst(%arg8 : memref<64xi32, #tpu.memory_space<vmem>>)
      %dma_start3A_86 = arith.constant 0 : i32
      %dma_start3A_87 = arith.constant 0 : i32
      %dma_start3A_88 = tpu.memref_slice %arg16[%dma_start3A_86, %dma_start3A_87] : memref<10240x128xf32, #tpu.memory_space<vmem_shared>> -> memref<10240x128xf32, #tpu.memory_space<vmem_shared>>
      tpu.enqueue_indirect_dma source(%arg12 : memref<64x128xf32, #tpu.memory_space<vmem>>) target(%dma_start3A_88 : memref<10240x128xf32, #tpu.memory_space<vmem_shared>>) offsets(%arg8 : memref<64xi32, #tpu.memory_space<vmem>>) semaphore(%arg25 : memref<!tpu.dma_semaphore, #tpu.memory_space<semaphore_mem>>) {add = true}
      %mul3A_89 = arith.constant 4 : i32
      %mul3A_90 = arith.muli %mul3A_89, %scan3A_65 : i32
      %add3A_91 = arith.constant 1 : i32
      %add3A_92 = arith.addi %mul3A_90, %add3A_91 : i32
      %add3A_93 = arith.constant 3 : i32
      %add3A_94 = arith.addi %add3A_92, %add3A_93 : i32
      %lt3A_95 = arith.constant 160 : i32
      %lt3A_96 = arith.cmpi slt, %add3A_94, %lt3A_95 : i32
      %convert_element_type3A_97 = arith.extui %lt3A_96 : i1 to i32
      %cond3A_98 = arith.constant 0 : i32
      %cond3A_99 = arith.cmpi ne, %convert_element_type3A_97, %cond3A_98 : i32
      scf.if %cond3A_99 {
        %ge3A = arith.constant 1 : i32
        %ge3A_161 = arith.cmpi sge, %add3A_92, %ge3A : i32
        %convert_element_type3A_162 = arith.extui %ge3A_161 : i1 to i32
        %cond3A_163 = arith.constant 0 : i32
        %cond3A_164 = arith.cmpi ne, %convert_element_type3A_162, %cond3A_163 : i32
        scf.if %cond3A_164 {
          %dma_wait3A_182 = arith.constant 0 : i32
          %dma_wait3A_183 = arith.constant 0 : i32
          %dma_wait3A_184 = tpu.memref_slice %arg16[%dma_wait3A_182, %dma_wait3A_183] : memref<10240x128xf32, #tpu.memory_space<vmem_shared>> -> memref<10240x128xf32, #tpu.memory_space<vmem_shared>>
          tpu.wait_indirect_dma semaphore(%arg25 : memref<!tpu.dma_semaphore, #tpu.memory_space<semaphore_mem>>) src(%arg12 : memref<64x128xf32, #tpu.memory_space<vmem>>) dst(%dma_wait3A_184 : memref<10240x128xf32, #tpu.memory_space<vmem_shared>>)
        } else {
        }
        %mul3A_165 = arith.constant 10240 : i32
        %mul3A_166 = arith.muli %arg1, %mul3A_165 : i32
        %add3A_167 = arith.constant 3 : i32
        %add3A_168 = arith.addi %add3A_92, %add3A_167 : i32
        %mul3A_169 = arith.constant 64 : i32
        %mul3A_170 = arith.muli %add3A_168, %mul3A_169 : i32
        %add3A_171 = arith.addi %mul3A_166, %mul3A_170 : i32
        %dma_start3A_172 = tpu.memref_slice %arg4[%add3A_171] : memref<163840xi32, #tpu.memory_space<hbm>> -> memref<64xi32, #tpu.memory_space<hbm>>
        %dma_start3A_173 = tpu.memref_slice %arg4[%add3A_171] : memref<163840xi32, #tpu.memory_space<hbm>> -> memref<64xi32, #tpu.memory_space<hbm>>
        tpu.enqueue_dma source(%dma_start3A_173 : memref<64xi32, #tpu.memory_space<hbm>>) target(%arg8 : memref<64xi32, #tpu.memory_space<vmem>>) target_semaphore(%arg21 : memref<!tpu.dma_semaphore, #tpu.memory_space<semaphore_mem>>)
        %add3A_174 = arith.constant 3 : i32
        %add3A_175 = arith.addi %add3A_92, %add3A_174 : i32
        %mul3A_176 = arith.constant 64 : i32
        %mul3A_177 = arith.muli %add3A_175, %mul3A_176 : i32
        %dma_start3A_178 = tpu.memref_slice %arg7[%mul3A_177] : memref<10240xi32, #tpu.memory_space<vmem>> -> memref<64xi32, #tpu.memory_space<vmem>>
        %dma_start3A_179 = arith.constant 0 : i32
        %dma_start3A_180 = arith.constant 0 : i32
        %dma_start3A_181 = tpu.memref_slice %arg2[%dma_start3A_179, %dma_start3A_180] : memref<20000x128xf32, #tpu.memory_space<hbm>> -> memref<20000x128xf32, #tpu.memory_space<hbm>>
        tpu.enqueue_indirect_dma source(%dma_start3A_181 : memref<20000x128xf32, #tpu.memory_space<hbm>>) target(%arg12 : memref<64x128xf32, #tpu.memory_space<vmem>>) offsets(%dma_start3A_178 : memref<64xi32, #tpu.memory_space<vmem>>) semaphore(%arg17 : memref<!tpu.dma_semaphore, #tpu.memory_space<semaphore_mem>>)
      } else {
      }
      %mul3A_100 = arith.constant 64 : i32
      %mul3A_101 = arith.muli %add3A_92, %mul3A_100 : i32
      %dma_wait3A_102 = tpu.memref_slice %arg7[%mul3A_101] : memref<10240xi32, #tpu.memory_space<vmem>> -> memref<64xi32, #tpu.memory_space<vmem>>
      %dma_wait3A_103 = arith.constant 0 : i32
      %dma_wait3A_104 = arith.constant 0 : i32
      %dma_wait3A_105 = tpu.memref_slice %arg2[%dma_wait3A_103, %dma_wait3A_104] : memref<20000x128xf32, #tpu.memory_space<hbm>> -> memref<20000x128xf32, #tpu.memory_space<hbm>>
      tpu.wait_indirect_dma semaphore(%arg18 : memref<!tpu.dma_semaphore, #tpu.memory_space<semaphore_mem>>) src(%dma_wait3A_105 : memref<20000x128xf32, #tpu.memory_space<hbm>>) dst(%arg13 : memref<64x128xf32, #tpu.memory_space<vmem>>)
      %mul3A_106 = arith.constant 10240 : i32
      %mul3A_107 = arith.muli %arg1, %mul3A_106 : i32
      %dma_wait3A_108 = tpu.memref_slice %arg4[%mul3A_107] : memref<163840xi32, #tpu.memory_space<hbm>> -> memref<64xi32, #tpu.memory_space<hbm>>
      %dma_wait3A_109 = tpu.memref_slice %arg4[%mul3A_107] : memref<163840xi32, #tpu.memory_space<hbm>> -> memref<64xi32, #tpu.memory_space<hbm>>
      tpu.wait_dma2 semaphore(%arg22 : memref<!tpu.dma_semaphore, #tpu.memory_space<semaphore_mem>>) src(%dma_wait3A_109 : memref<64xi32, #tpu.memory_space<hbm>>) dst(%arg9 : memref<64xi32, #tpu.memory_space<vmem>>)
      %dma_start3A_110 = arith.constant 0 : i32
      %dma_start3A_111 = arith.constant 0 : i32
      %dma_start3A_112 = tpu.memref_slice %arg16[%dma_start3A_110, %dma_start3A_111] : memref<10240x128xf32, #tpu.memory_space<vmem_shared>> -> memref<10240x128xf32, #tpu.memory_space<vmem_shared>>
      tpu.enqueue_indirect_dma source(%arg13 : memref<64x128xf32, #tpu.memory_space<vmem>>) target(%dma_start3A_112 : memref<10240x128xf32, #tpu.memory_space<vmem_shared>>) offsets(%arg9 : memref<64xi32, #tpu.memory_space<vmem>>) semaphore(%arg26 : memref<!tpu.dma_semaphore, #tpu.memory_space<semaphore_mem>>) {add = true}
      %mul3A_113 = arith.constant 4 : i32
      %mul3A_114 = arith.muli %mul3A_113, %scan3A_65 : i32
      %add3A_115 = arith.constant 2 : i32
      %add3A_116 = arith.addi %mul3A_114, %add3A_115 : i32
      %add3A_117 = arith.constant 3 : i32
      %add3A_118 = arith.addi %add3A_116, %add3A_117 : i32
      %lt3A_119 = arith.constant 160 : i32
      %lt3A_120 = arith.cmpi slt, %add3A_118, %lt3A_119 : i32
      %convert_element_type3A_121 = arith.extui %lt3A_120 : i1 to i32
      %cond3A_122 = arith.constant 0 : i32
      %cond3A_123 = arith.cmpi ne, %convert_element_type3A_121, %cond3A_122 : i32
      scf.if %cond3A_123 {
        %ge3A = arith.constant 1 : i32
        %ge3A_161 = arith.cmpi sge, %add3A_116, %ge3A : i32
        %convert_element_type3A_162 = arith.extui %ge3A_161 : i1 to i32
        %cond3A_163 = arith.constant 0 : i32
        %cond3A_164 = arith.cmpi ne, %convert_element_type3A_162, %cond3A_163 : i32
        scf.if %cond3A_164 {
          %dma_wait3A_182 = arith.constant 0 : i32
          %dma_wait3A_183 = arith.constant 0 : i32
          %dma_wait3A_184 = tpu.memref_slice %arg16[%dma_wait3A_182, %dma_wait3A_183] : memref<10240x128xf32, #tpu.memory_space<vmem_shared>> -> memref<10240x128xf32, #tpu.memory_space<vmem_shared>>
          tpu.wait_indirect_dma semaphore(%arg26 : memref<!tpu.dma_semaphore, #tpu.memory_space<semaphore_mem>>) src(%arg13 : memref<64x128xf32, #tpu.memory_space<vmem>>) dst(%dma_wait3A_184 : memref<10240x128xf32, #tpu.memory_space<vmem_shared>>)
        } else {
        }
        %mul3A_165 = arith.constant 10240 : i32
        %mul3A_166 = arith.muli %arg1, %mul3A_165 : i32
        %add3A_167 = arith.constant 3 : i32
        %add3A_168 = arith.addi %add3A_116, %add3A_167 : i32
        %mul3A_169 = arith.constant 64 : i32
        %mul3A_170 = arith.muli %add3A_168, %mul3A_169 : i32
        %add3A_171 = arith.addi %mul3A_166, %mul3A_170 : i32
        %dma_start3A_172 = tpu.memref_slice %arg4[%add3A_171] : memref<163840xi32, #tpu.memory_space<hbm>> -> memref<64xi32, #tpu.memory_space<hbm>>
        %dma_start3A_173 = tpu.memref_slice %arg4[%add3A_171] : memref<163840xi32, #tpu.memory_space<hbm>> -> memref<64xi32, #tpu.memory_space<hbm>>
        tpu.enqueue_dma source(%dma_start3A_173 : memref<64xi32, #tpu.memory_space<hbm>>) target(%arg9 : memref<64xi32, #tpu.memory_space<vmem>>) target_semaphore(%arg22 : memref<!tpu.dma_semaphore, #tpu.memory_space<semaphore_mem>>)
        %add3A_174 = arith.constant 3 : i32
        %add3A_175 = arith.addi %add3A_116, %add3A_174 : i32
        %mul3A_176 = arith.constant 64 : i32
        %mul3A_177 = arith.muli %add3A_175, %mul3A_176 : i32
        %dma_start3A_178 = tpu.memref_slice %arg7[%mul3A_177] : memref<10240xi32, #tpu.memory_space<vmem>> -> memref<64xi32, #tpu.memory_space<vmem>>
        %dma_start3A_179 = arith.constant 0 : i32
        %dma_start3A_180 = arith.constant 0 : i32
        %dma_start3A_181 = tpu.memref_slice %arg2[%dma_start3A_179, %dma_start3A_180] : memref<20000x128xf32, #tpu.memory_space<hbm>> -> memref<20000x128xf32, #tpu.memory_space<hbm>>
        tpu.enqueue_indirect_dma source(%dma_start3A_181 : memref<20000x128xf32, #tpu.memory_space<hbm>>) target(%arg13 : memref<64x128xf32, #tpu.memory_space<vmem>>) offsets(%dma_start3A_178 : memref<64xi32, #tpu.memory_space<vmem>>) semaphore(%arg18 : memref<!tpu.dma_semaphore, #tpu.memory_space<semaphore_mem>>)
      } else {
      }
      %mul3A_124 = arith.constant 64 : i32
      %mul3A_125 = arith.muli %add3A_116, %mul3A_124 : i32
      %dma_wait3A_126 = tpu.memref_slice %arg7[%mul3A_125] : memref<10240xi32, #tpu.memory_space<vmem>> -> memref<64xi32, #tpu.memory_space<vmem>>
      %dma_wait3A_127 = arith.constant 0 : i32
      %dma_wait3A_128 = arith.constant 0 : i32
      %dma_wait3A_129 = tpu.memref_slice %arg2[%dma_wait3A_127, %dma_wait3A_128] : memref<20000x128xf32, #tpu.memory_space<hbm>> -> memref<20000x128xf32, #tpu.memory_space<hbm>>
      tpu.wait_indirect_dma semaphore(%arg19 : memref<!tpu.dma_semaphore, #tpu.memory_space<semaphore_mem>>) src(%dma_wait3A_129 : memref<20000x128xf32, #tpu.memory_space<hbm>>) dst(%arg14 : memref<64x128xf32, #tpu.memory_space<vmem>>)
      %mul3A_130 = arith.constant 10240 : i32
      %mul3A_131 = arith.muli %arg1, %mul3A_130 : i32
      %dma_wait3A_132 = tpu.memref_slice %arg4[%mul3A_131] : memref<163840xi32, #tpu.memory_space<hbm>> -> memref<64xi32, #tpu.memory_space<hbm>>
      %dma_wait3A_133 = tpu.memref_slice %arg4[%mul3A_131] : memref<163840xi32, #tpu.memory_space<hbm>> -> memref<64xi32, #tpu.memory_space<hbm>>
      tpu.wait_dma2 semaphore(%arg23 : memref<!tpu.dma_semaphore, #tpu.memory_space<semaphore_mem>>) src(%dma_wait3A_133 : memref<64xi32, #tpu.memory_space<hbm>>) dst(%arg10 : memref<64xi32, #tpu.memory_space<vmem>>)
      %dma_start3A_134 = arith.constant 0 : i32
      %dma_start3A_135 = arith.constant 0 : i32
      %dma_start3A_136 = tpu.memref_slice %arg16[%dma_start3A_134, %dma_start3A_135] : memref<10240x128xf32, #tpu.memory_space<vmem_shared>> -> memref<10240x128xf32, #tpu.memory_space<vmem_shared>>
      tpu.enqueue_indirect_dma source(%arg14 : memref<64x128xf32, #tpu.memory_space<vmem>>) target(%dma_start3A_136 : memref<10240x128xf32, #tpu.memory_space<vmem_shared>>) offsets(%arg10 : memref<64xi32, #tpu.memory_space<vmem>>) semaphore(%arg27 : memref<!tpu.dma_semaphore, #tpu.memory_space<semaphore_mem>>) {add = true}
      %mul3A_137 = arith.constant 4 : i32
      %mul3A_138 = arith.muli %mul3A_137, %scan3A_65 : i32
      %add3A_139 = arith.constant 3 : i32
      %add3A_140 = arith.addi %mul3A_138, %add3A_139 : i32
      %add3A_141 = arith.constant 3 : i32
      %add3A_142 = arith.addi %add3A_140, %add3A_141 : i32
      %lt3A_143 = arith.constant 160 : i32
      %lt3A_144 = arith.cmpi slt, %add3A_142, %lt3A_143 : i32
      %convert_element_type3A_145 = arith.extui %lt3A_144 : i1 to i32
      %cond3A_146 = arith.constant 0 : i32
      %cond3A_147 = arith.cmpi ne, %convert_element_type3A_145, %cond3A_146 : i32
      scf.if %cond3A_147 {
        %ge3A = arith.constant 1 : i32
        %ge3A_161 = arith.cmpi sge, %add3A_140, %ge3A : i32
        %convert_element_type3A_162 = arith.extui %ge3A_161 : i1 to i32
        %cond3A_163 = arith.constant 0 : i32
        %cond3A_164 = arith.cmpi ne, %convert_element_type3A_162, %cond3A_163 : i32
        scf.if %cond3A_164 {
          %dma_wait3A_182 = arith.constant 0 : i32
          %dma_wait3A_183 = arith.constant 0 : i32
          %dma_wait3A_184 = tpu.memref_slice %arg16[%dma_wait3A_182, %dma_wait3A_183] : memref<10240x128xf32, #tpu.memory_space<vmem_shared>> -> memref<10240x128xf32, #tpu.memory_space<vmem_shared>>
          tpu.wait_indirect_dma semaphore(%arg27 : memref<!tpu.dma_semaphore, #tpu.memory_space<semaphore_mem>>) src(%arg14 : memref<64x128xf32, #tpu.memory_space<vmem>>) dst(%dma_wait3A_184 : memref<10240x128xf32, #tpu.memory_space<vmem_shared>>)
        } else {
        }
        %mul3A_165 = arith.constant 10240 : i32
        %mul3A_166 = arith.muli %arg1, %mul3A_165 : i32
        %add3A_167 = arith.constant 3 : i32
        %add3A_168 = arith.addi %add3A_140, %add3A_167 : i32
        %mul3A_169 = arith.constant 64 : i32
        %mul3A_170 = arith.muli %add3A_168, %mul3A_169 : i32
        %add3A_171 = arith.addi %mul3A_166, %mul3A_170 : i32
        %dma_start3A_172 = tpu.memref_slice %arg4[%add3A_171] : memref<163840xi32, #tpu.memory_space<hbm>> -> memref<64xi32, #tpu.memory_space<hbm>>
        %dma_start3A_173 = tpu.memref_slice %arg4[%add3A_171] : memref<163840xi32, #tpu.memory_space<hbm>> -> memref<64xi32, #tpu.memory_space<hbm>>
        tpu.enqueue_dma source(%dma_start3A_173 : memref<64xi32, #tpu.memory_space<hbm>>) target(%arg10 : memref<64xi32, #tpu.memory_space<vmem>>) target_semaphore(%arg23 : memref<!tpu.dma_semaphore, #tpu.memory_space<semaphore_mem>>)
        %add3A_174 = arith.constant 3 : i32
        %add3A_175 = arith.addi %add3A_140, %add3A_174 : i32
        %mul3A_176 = arith.constant 64 : i32
        %mul3A_177 = arith.muli %add3A_175, %mul3A_176 : i32
        %dma_start3A_178 = tpu.memref_slice %arg7[%mul3A_177] : memref<10240xi32, #tpu.memory_space<vmem>> -> memref<64xi32, #tpu.memory_space<vmem>>
        %dma_start3A_179 = arith.constant 0 : i32
        %dma_start3A_180 = arith.constant 0 : i32
        %dma_start3A_181 = tpu.memref_slice %arg2[%dma_start3A_179, %dma_start3A_180] : memref<20000x128xf32, #tpu.memory_space<hbm>> -> memref<20000x128xf32, #tpu.memory_space<hbm>>
        tpu.enqueue_indirect_dma source(%dma_start3A_181 : memref<20000x128xf32, #tpu.memory_space<hbm>>) target(%arg14 : memref<64x128xf32, #tpu.memory_space<vmem>>) offsets(%dma_start3A_178 : memref<64xi32, #tpu.memory_space<vmem>>) semaphore(%arg19 : memref<!tpu.dma_semaphore, #tpu.memory_space<semaphore_mem>>)
      } else {
      }
      %mul3A_148 = arith.constant 64 : i32
      %mul3A_149 = arith.muli %add3A_140, %mul3A_148 : i32
      %dma_wait3A_150 = tpu.memref_slice %arg7[%mul3A_149] : memref<10240xi32, #tpu.memory_space<vmem>> -> memref<64xi32, #tpu.memory_space<vmem>>
      %dma_wait3A_151 = arith.constant 0 : i32
      %dma_wait3A_152 = arith.constant 0 : i32
      %dma_wait3A_153 = tpu.memref_slice %arg2[%dma_wait3A_151, %dma_wait3A_152] : memref<20000x128xf32, #tpu.memory_space<hbm>> -> memref<20000x128xf32, #tpu.memory_space<hbm>>
      tpu.wait_indirect_dma semaphore(%arg20 : memref<!tpu.dma_semaphore, #tpu.memory_space<semaphore_mem>>) src(%dma_wait3A_153 : memref<20000x128xf32, #tpu.memory_space<hbm>>) dst(%arg15 : memref<64x128xf32, #tpu.memory_space<vmem>>)
      %mul3A_154 = arith.constant 10240 : i32
      %mul3A_155 = arith.muli %arg1, %mul3A_154 : i32
      %dma_wait3A_156 = tpu.memref_slice %arg4[%mul3A_155] : memref<163840xi32, #tpu.memory_space<hbm>> -> memref<64xi32, #tpu.memory_space<hbm>>
      %dma_wait3A_157 = tpu.memref_slice %arg4[%mul3A_155] : memref<163840xi32, #tpu.memory_space<hbm>> -> memref<64xi32, #tpu.memory_space<hbm>>
      tpu.wait_dma2 semaphore(%arg24 : memref<!tpu.dma_semaphore, #tpu.memory_space<semaphore_mem>>) src(%dma_wait3A_157 : memref<64xi32, #tpu.memory_space<hbm>>) dst(%arg11 : memref<64xi32, #tpu.memory_space<vmem>>)
      %dma_start3A_158 = arith.constant 0 : i32
      %dma_start3A_159 = arith.constant 0 : i32
      %dma_start3A_160 = tpu.memref_slice %arg16[%dma_start3A_158, %dma_start3A_159] : memref<10240x128xf32, #tpu.memory_space<vmem_shared>> -> memref<10240x128xf32, #tpu.memory_space<vmem_shared>>
      tpu.enqueue_indirect_dma source(%arg15 : memref<64x128xf32, #tpu.memory_space<vmem>>) target(%dma_start3A_160 : memref<10240x128xf32, #tpu.memory_space<vmem_shared>>) offsets(%arg11 : memref<64xi32, #tpu.memory_space<vmem>>) semaphore(%arg28 : memref<!tpu.dma_semaphore, #tpu.memory_space<semaphore_mem>>) {add = true}
    }
    %scan3A_43 = arith.constant 40 : i32
    %dma_wait3A = arith.constant 0 : i32
    %dma_wait3A_44 = arith.constant 0 : i32
    %dma_wait3A_45 = tpu.memref_slice %arg16[%dma_wait3A, %dma_wait3A_44] : memref<10240x128xf32, #tpu.memory_space<vmem_shared>> -> memref<10240x128xf32, #tpu.memory_space<vmem_shared>>
    tpu.wait_indirect_dma semaphore(%arg25 : memref<!tpu.dma_semaphore, #tpu.memory_space<semaphore_mem>>) src(%arg12 : memref<64x128xf32, #tpu.memory_space<vmem>>) dst(%dma_wait3A_45 : memref<10240x128xf32, #tpu.memory_space<vmem_shared>>)
    %dma_wait3A_46 = arith.constant 0 : i32
    %dma_wait3A_47 = arith.constant 0 : i32
    %dma_wait3A_48 = tpu.memref_slice %arg16[%dma_wait3A_46, %dma_wait3A_47] : memref<10240x128xf32, #tpu.memory_space<vmem_shared>> -> memref<10240x128xf32, #tpu.memory_space<vmem_shared>>
    tpu.wait_indirect_dma semaphore(%arg26 : memref<!tpu.dma_semaphore, #tpu.memory_space<semaphore_mem>>) src(%arg13 : memref<64x128xf32, #tpu.memory_space<vmem>>) dst(%dma_wait3A_48 : memref<10240x128xf32, #tpu.memory_space<vmem_shared>>)
    %dma_wait3A_49 = arith.constant 0 : i32
    %dma_wait3A_50 = arith.constant 0 : i32
    %dma_wait3A_51 = tpu.memref_slice %arg16[%dma_wait3A_49, %dma_wait3A_50] : memref<10240x128xf32, #tpu.memory_space<vmem_shared>> -> memref<10240x128xf32, #tpu.memory_space<vmem_shared>>
    tpu.wait_indirect_dma semaphore(%arg27 : memref<!tpu.dma_semaphore, #tpu.memory_space<semaphore_mem>>) src(%arg14 : memref<64x128xf32, #tpu.memory_space<vmem>>) dst(%dma_wait3A_51 : memref<10240x128xf32, #tpu.memory_space<vmem_shared>>)
    %dma_wait3A_52 = arith.constant 0 : i32
    %dma_wait3A_53 = arith.constant 0 : i32
    %dma_wait3A_54 = tpu.memref_slice %arg16[%dma_wait3A_52, %dma_wait3A_53] : memref<10240x128xf32, #tpu.memory_space<vmem_shared>> -> memref<10240x128xf32, #tpu.memory_space<vmem_shared>>
    tpu.wait_indirect_dma semaphore(%arg28 : memref<!tpu.dma_semaphore, #tpu.memory_space<semaphore_mem>>) src(%arg15 : memref<64x128xf32, #tpu.memory_space<vmem>>) dst(%dma_wait3A_54 : memref<10240x128xf32, #tpu.memory_space<vmem_shared>>)
    %barrier3A_55 = arith.constant 0 : index
    tpu.barrier barrier_id(%barrier3A_55)
    %mul3A_56 = arith.constant 624 : i32
    %mul3A_57 = arith.muli %arg1, %mul3A_56 : i32
    %mul3A_58 = arith.constant 10000 : i32
    %mul3A_59 = arith.muli %arg0, %mul3A_58 : i32
    %mul3A_60 = arith.constant 624 : i32
    %mul3A_61 = arith.muli %arg1, %mul3A_60 : i32
    %add3A_62 = arith.addi %mul3A_59, %mul3A_61 : i32
    "tpu.region"() ({
      %run_scoped3A = tpu.sem_alloc : memref<!tpu.dma_semaphore, #tpu.memory_space<semaphore_mem>>
      %dma_start3A_65 = arith.constant 0 : i32
      %dma_start3A_66 = tpu.memref_slice %arg6[%add3A_62, %dma_start3A_65] : memref<20000x128xf32, #tpu.memory_space<hbm>> -> memref<624x128xf32, #tpu.memory_space<hbm>>
      %dma_start3A_67 = arith.constant 0 : i32
      %dma_start3A_68 = tpu.memref_slice %arg16[%mul3A_57, %dma_start3A_67] : memref<10240x128xf32, #tpu.memory_space<vmem_shared>> -> memref<624x128xf32, #tpu.memory_space<vmem_shared>>
      tpu.enqueue_dma source(%dma_start3A_68 : memref<624x128xf32, #tpu.memory_space<vmem_shared>>) target(%dma_start3A_66 : memref<624x128xf32, #tpu.memory_space<hbm>>) target_semaphore(%run_scoped3A : memref<!tpu.dma_semaphore, #tpu.memory_space<semaphore_mem>>)
      %dma_wait3A_69 = arith.constant 0 : i32
      %dma_wait3A_70 = tpu.memref_slice %arg6[%add3A_62, %dma_wait3A_69] : memref<20000x128xf32, #tpu.memory_space<hbm>> -> memref<624x128xf32, #tpu.memory_space<hbm>>
      %dma_wait3A_71 = arith.constant 0 : i32
      %dma_wait3A_72 = tpu.memref_slice %arg16[%mul3A_57, %dma_wait3A_71] : memref<10240x128xf32, #tpu.memory_space<vmem_shared>> -> memref<624x128xf32, #tpu.memory_space<vmem_shared>>
      tpu.wait_dma2 semaphore(%run_scoped3A : memref<!tpu.dma_semaphore, #tpu.memory_space<semaphore_mem>>) src(%dma_wait3A_72 : memref<624x128xf32, #tpu.memory_space<vmem_shared>>) dst(%dma_wait3A_70 : memref<624x128xf32, #tpu.memory_space<hbm>>)
      tpu.yield
    }) : () -> ()
    %eq3A = arith.constant 15 : i32
    %eq3A_63 = arith.cmpi eq, %arg1, %eq3A : i32
    %convert_element_type3A = arith.extui %eq3A_63 : i1 to i32
    %cond3A = arith.constant 0 : i32
    %cond3A_64 = arith.cmpi ne, %convert_element_type3A, %cond3A : i32
    scf.if %cond3A_64 {
      %mul3A_65 = arith.constant 10000 : i32
      %mul3A_66 = arith.muli %arg0, %mul3A_65 : i32
      %add3A_67 = arith.constant 9984 : i32
      %add3A_68 = arith.addi %mul3A_66, %add3A_67 : i32
      "tpu.region"() ({
        %run_scoped3A = tpu.sem_alloc : memref<!tpu.dma_semaphore, #tpu.memory_space<semaphore_mem>>
        %dma_start3A_69 = arith.constant 0 : i32
        %dma_start3A_70 = tpu.memref_slice %arg6[%add3A_68, %dma_start3A_69] : memref<20000x128xf32, #tpu.memory_space<hbm>> -> memref<16x128xf32, #tpu.memory_space<hbm>>
        %dma_start3A_71 = arith.constant 9984 : i32
        %dma_start3A_72 = arith.constant 0 : i32
        %dma_start3A_73 = tpu.memref_slice %arg16[%dma_start3A_71, %dma_start3A_72] : memref<10240x128xf32, #tpu.memory_space<vmem_shared>> -> memref<16x128xf32, #tpu.memory_space<vmem_shared>>
        tpu.enqueue_dma source(%dma_start3A_73 : memref<16x128xf32, #tpu.memory_space<vmem_shared>>) target(%dma_start3A_70 : memref<16x128xf32, #tpu.memory_space<hbm>>) target_semaphore(%run_scoped3A : memref<!tpu.dma_semaphore, #tpu.memory_space<semaphore_mem>>)
        %dma_wait3A_74 = arith.constant 0 : i32
        %dma_wait3A_75 = tpu.memref_slice %arg6[%add3A_68, %dma_wait3A_74] : memref<20000x128xf32, #tpu.memory_space<hbm>> -> memref<16x128xf32, #tpu.memory_space<hbm>>
        %dma_wait3A_76 = arith.constant 9984 : i32
        %dma_wait3A_77 = arith.constant 0 : i32
        %dma_wait3A_78 = tpu.memref_slice %arg16[%dma_wait3A_76, %dma_wait3A_77] : memref<10240x128xf32, #tpu.memory_space<vmem_shared>> -> memref<16x128xf32, #tpu.memory_space<vmem_shared>>
        tpu.wait_dma2 semaphore(%run_scoped3A : memref<!tpu.dma_semaphore, #tpu.memory_space<semaphore_mem>>) src(%dma_wait3A_78 : memref<16x128xf32, #tpu.memory_space<vmem_shared>>) dst(%dma_wait3A_75 : memref<16x128xf32, #tpu.memory_space<hbm>>)
        tpu.yield
      }) : () -> ()
    } else {
    }
    return
  }
}

#map = affine_map<(d0, d1) -> (0, 0)>
#map1 = affine_map<(d0, d1) -> (0)>
module attributes {stable_mosaic.version = 14 : i64} {
  func.func @k(%arg0: i32, %arg1: i32, %arg2: memref<20000x128xf32, #tpu.memory_space<hbm>>, %arg3: memref<327680xi32, #tpu.memory_space<hbm>>, %arg4: memref<163840xi32, #tpu.memory_space<hbm>>, %arg5: memref<10240x128xf32, #tpu.memory_space<hbm>>, %arg6: memref<20000x128xf32, #tpu.memory_space<hbm>>, %arg7: memref<10240xi32, #tpu.memory_space<vmem>>, %arg8: memref<64xi32, #tpu.memory_space<vmem>>, %arg9: memref<64xi32, #tpu.memory_space<vmem>>, %arg10: memref<64xi32, #tpu.memory_space<vmem>>, %arg11: memref<64xi32, #tpu.memory_space<vmem>>, %arg12: memref<64x128xf32, #tpu.memory_space<vmem>>, %arg13: memref<64x128xf32, #tpu.memory_space<vmem>>, %arg14: memref<64x128xf32, #tpu.memory_space<vmem>>, %arg15: memref<64x128xf32, #tpu.memory_space<vmem>>, %arg16: memref<10240x128xf32, #tpu.memory_space<vmem_shared>>, %arg17: memref<!tpu.dma_semaphore, #tpu.memory_space<semaphore_mem>>, %arg18: memref<!tpu.dma_semaphore, #tpu.memory_space<semaphore_mem>>, %arg19: memref<!tpu.dma_semaphore, #tpu.memory_space<semaphore_mem>>, %arg20: memref<!tpu.dma_semaphore, #tpu.memory_space<semaphore_mem>>, %arg21: memref<!tpu.dma_semaphore, #tpu.memory_space<semaphore_mem>>, %arg22: memref<!tpu.dma_semaphore, #tpu.memory_space<semaphore_mem>>, %arg23: memref<!tpu.dma_semaphore, #tpu.memory_space<semaphore_mem>>, %arg24: memref<!tpu.dma_semaphore, #tpu.memory_space<semaphore_mem>>, %arg25: memref<!tpu.dma_semaphore, #tpu.memory_space<semaphore_mem>>, %arg26: memref<!tpu.dma_semaphore, #tpu.memory_space<semaphore_mem>>, %arg27: memref<!tpu.dma_semaphore, #tpu.memory_space<semaphore_mem>>, %arg28: memref<!tpu.dma_semaphore, #tpu.memory_space<semaphore_mem>>) attributes {dimension_semantics = [#tpu.dimension_semantics<core_parallel>, #tpu.dimension_semantics<subcore_parallel>], iteration_bounds = array<i64: 2, 16>, scalar_prefetch = 0 : i64, scratch_operands = 22 : i64, tpu.core_type = #tpu.core_type<sc_vector_subcore>, window_params = [{transform_indices = #map}, {transform_indices = #map1}, {transform_indices = #map1}, {transform_indices = #map}, {transform_indices = #map}]} {
    %mul3A = arith.constant 163840 : i32
    %mul3A_0 = arith.muli %arg0, %mul3A : i32
    %mul3A_1 = arith.constant 10240 : i32
    %mul3A_2 = arith.muli %arg1, %mul3A_1 : i32
    %add3A = arith.addi %mul3A_0, %mul3A_2 : i32
    "tpu.region"() ({
      %run_scoped3A = tpu.sem_alloc : memref<!tpu.dma_semaphore, #tpu.memory_space<semaphore_mem>>
      %dma_start3A_65 = tpu.memref_slice %arg3[%add3A] : memref<327680xi32, #tpu.memory_space<hbm>> -> memref<10240xi32, #tpu.memory_space<hbm>>
      %dma_start3A_66 = tpu.memref_slice %arg3[%add3A] : memref<327680xi32, #tpu.memory_space<hbm>> -> memref<10240xi32, #tpu.memory_space<hbm>>
      tpu.enqueue_dma source(%dma_start3A_66 : memref<10240xi32, #tpu.memory_space<hbm>>) target(%arg7 : memref<10240xi32, #tpu.memory_space<vmem>>) target_semaphore(%run_scoped3A : memref<!tpu.dma_semaphore, #tpu.memory_space<semaphore_mem>>)
      %dma_wait3A_67 = tpu.memref_slice %arg3[%add3A] : memref<327680xi32, #tpu.memory_space<hbm>> -> memref<10240xi32, #tpu.memory_space<hbm>>
      %dma_wait3A_68 = tpu.memref_slice %arg3[%add3A] : memref<327680xi32, #tpu.memory_space<hbm>> -> memref<10240xi32, #tpu.memory_space<hbm>>
      tpu.wait_dma2 semaphore(%run_scoped3A : memref<!tpu.dma_semaphore, #tpu.memory_space<semaphore_mem>>) src(%dma_wait3A_68 : memref<10240xi32, #tpu.memory_space<hbm>>) dst(%arg7 : memref<10240xi32, #tpu.memory_space<vmem>>)
      tpu.yield
    }) : () -> ()
    %mul3A_3 = arith.constant 640 : i32
    %mul3A_4 = arith.muli %arg1, %mul3A_3 : i32
    %mul3A_5 = arith.constant 640 : i32
    %mul3A_6 = arith.muli %arg1, %mul3A_5 : i32
    "tpu.region"() ({
      %run_scoped3A = tpu.sem_alloc : memref<!tpu.dma_semaphore, #tpu.memory_space<semaphore_mem>>
      %dma_start3A_65 = arith.constant 0 : i32
      %dma_start3A_66 = tpu.memref_slice %arg16[%mul3A_6, %dma_start3A_65] : memref<10240x128xf32, #tpu.memory_space<vmem_shared>> -> memref<640x128xf32, #tpu.memory_space<vmem_shared>>
      %dma_start3A_67 = arith.constant 0 : i32
      %dma_start3A_68 = tpu.memref_slice %arg5[%mul3A_4, %dma_start3A_67] : memref<10240x128xf32, #tpu.memory_space<hbm>> -> memref<640x128xf32, #tpu.memory_space<hbm>>
      tpu.enqueue_dma source(%dma_start3A_68 : memref<640x128xf32, #tpu.memory_space<hbm>>) target(%dma_start3A_66 : memref<640x128xf32, #tpu.memory_space<vmem_shared>>) target_semaphore(%run_scoped3A : memref<!tpu.dma_semaphore, #tpu.memory_space<semaphore_mem>>)
      %dma_wait3A_69 = arith.constant 0 : i32
      %dma_wait3A_70 = tpu.memref_slice %arg16[%mul3A_6, %dma_wait3A_69] : memref<10240x128xf32, #tpu.memory_space<vmem_shared>> -> memref<640x128xf32, #tpu.memory_space<vmem_shared>>
      %dma_wait3A_71 = arith.constant 0 : i32
      %dma_wait3A_72 = tpu.memref_slice %arg5[%mul3A_4, %dma_wait3A_71] : memref<10240x128xf32, #tpu.memory_space<hbm>> -> memref<640x128xf32, #tpu.memory_space<hbm>>
      tpu.wait_dma2 semaphore(%run_scoped3A : memref<!tpu.dma_semaphore, #tpu.memory_space<semaphore_mem>>) src(%dma_wait3A_72 : memref<640x128xf32, #tpu.memory_space<hbm>>) dst(%dma_wait3A_70 : memref<640x128xf32, #tpu.memory_space<vmem_shared>>)
      tpu.yield
    }) : () -> ()
    %mul3A_7 = arith.constant 10240 : i32
    %mul3A_8 = arith.muli %arg1, %mul3A_7 : i32
    %add3A_9 = arith.constant 0 : i32
    %add3A_10 = arith.addi %mul3A_8, %add3A_9 : i32
    %dma_start3A = tpu.memref_slice %arg4[%add3A_10] : memref<163840xi32, #tpu.memory_space<hbm>> -> memref<64xi32, #tpu.memory_space<hbm>>
    %dma_start3A_11 = tpu.memref_slice %arg4[%add3A_10] : memref<163840xi32, #tpu.memory_space<hbm>> -> memref<64xi32, #tpu.memory_space<hbm>>
    tpu.enqueue_dma source(%dma_start3A_11 : memref<64xi32, #tpu.memory_space<hbm>>) target(%arg8 : memref<64xi32, #tpu.memory_space<vmem>>) target_semaphore(%arg21 : memref<!tpu.dma_semaphore, #tpu.memory_space<semaphore_mem>>)
    %dma_start3A_12 = arith.constant 0 : i32
    %dma_start3A_13 = tpu.memref_slice %arg7[%dma_start3A_12] : memref<10240xi32, #tpu.memory_space<vmem>> -> memref<64xi32, #tpu.memory_space<vmem>>
    %dma_start3A_14 = arith.constant 0 : i32
    %dma_start3A_15 = arith.constant 0 : i32
    %dma_start3A_16 = tpu.memref_slice %arg2[%dma_start3A_14, %dma_start3A_15] : memref<20000x128xf32, #tpu.memory_space<hbm>> -> memref<20000x128xf32, #tpu.memory_space<hbm>>
    tpu.enqueue_indirect_dma source(%dma_start3A_16 : memref<20000x128xf32, #tpu.memory_space<hbm>>) target(%arg12 : memref<64x128xf32, #tpu.memory_space<vmem>>) offsets(%dma_start3A_13 : memref<64xi32, #tpu.memory_space<vmem>>) semaphore(%arg17 : memref<!tpu.dma_semaphore, #tpu.memory_space<semaphore_mem>>)
    %mul3A_17 = arith.constant 10240 : i32
    %mul3A_18 = arith.muli %arg1, %mul3A_17 : i32
    %add3A_19 = arith.constant 64 : i32
    %add3A_20 = arith.addi %mul3A_18, %add3A_19 : i32
    %dma_start3A_21 = tpu.memref_slice %arg4[%add3A_20] : memref<163840xi32, #tpu.memory_space<hbm>> -> memref<64xi32, #tpu.memory_space<hbm>>
    %dma_start3A_22 = tpu.memref_slice %arg4[%add3A_20] : memref<163840xi32, #tpu.memory_space<hbm>> -> memref<64xi32, #tpu.memory_space<hbm>>
    tpu.enqueue_dma source(%dma_start3A_22 : memref<64xi32, #tpu.memory_space<hbm>>) target(%arg9 : memref<64xi32, #tpu.memory_space<vmem>>) target_semaphore(%arg22 : memref<!tpu.dma_semaphore, #tpu.memory_space<semaphore_mem>>)
    %dma_start3A_23 = arith.constant 64 : i32
    %dma_start3A_24 = tpu.memref_slice %arg7[%dma_start3A_23] : memref<10240xi32, #tpu.memory_space<vmem>> -> memref<64xi32, #tpu.memory_space<vmem>>
    %dma_start3A_25 = arith.constant 0 : i32
    %dma_start3A_26 = arith.constant 0 : i32
    %dma_start3A_27 = tpu.memref_slice %arg2[%dma_start3A_25, %dma_start3A_26] : memref<20000x128xf32, #tpu.memory_space<hbm>> -> memref<20000x128xf32, #tpu.memory_space<hbm>>
    tpu.enqueue_indirect_dma source(%dma_start3A_27 : memref<20000x128xf32, #tpu.memory_space<hbm>>) target(%arg13 : memref<64x128xf32, #tpu.memory_space<vmem>>) offsets(%dma_start3A_24 : memref<64xi32, #tpu.memory_space<vmem>>) semaphore(%arg18 : memref<!tpu.dma_semaphore, #tpu.memory_space<semaphore_mem>>)
    %mul3A_28 = arith.constant 10240 : i32
    %mul3A_29 = arith.muli %arg1, %mul3A_28 : i32
    %add3A_30 = arith.constant 128 : i32
    %add3A_31 = arith.addi %mul3A_29, %add3A_30 : i32
    %dma_start3A_32 = tpu.memref_slice %arg4[%add3A_31] : memref<163840xi32, #tpu.memory_space<hbm>> -> memref<64xi32, #tpu.memory_space<hbm>>
    %dma_start3A_33 = tpu.memref_slice %arg4[%add3A_31] : memref<163840xi32, #tpu.memory_space<hbm>> -> memref<64xi32, #tpu.memory_space<hbm>>
    tpu.enqueue_dma source(%dma_start3A_33 : memref<64xi32, #tpu.memory_space<hbm>>) target(%arg10 : memref<64xi32, #tpu.memory_space<vmem>>) target_semaphore(%arg23 : memref<!tpu.dma_semaphore, #tpu.memory_space<semaphore_mem>>)
    %dma_start3A_34 = arith.constant 128 : i32
    %dma_start3A_35 = tpu.memref_slice %arg7[%dma_start3A_34] : memref<10240xi32, #tpu.memory_space<vmem>> -> memref<64xi32, #tpu.memory_space<vmem>>
    %dma_start3A_36 = arith.constant 0 : i32
    %dma_start3A_37 = arith.constant 0 : i32
    %dma_start3A_38 = tpu.memref_slice %arg2[%dma_start3A_36, %dma_start3A_37] : memref<20000x128xf32, #tpu.memory_space<hbm>> -> memref<20000x128xf32, #tpu.memory_space<hbm>>
    tpu.enqueue_indirect_dma source(%dma_start3A_38 : memref<20000x128xf32, #tpu.memory_space<hbm>>) target(%arg14 : memref<64x128xf32, #tpu.memory_space<vmem>>) offsets(%dma_start3A_35 : memref<64xi32, #tpu.memory_space<vmem>>) semaphore(%arg19 : memref<!tpu.dma_semaphore, #tpu.memory_space<semaphore_mem>>)
    %barrier3A = arith.constant 0 : index
    tpu.barrier barrier_id(%barrier3A)
    %scan3A = arith.constant 0 : i32
    %scan3A_39 = arith.constant 0 : i32
    %scan3A_40 = arith.constant 40 : i32
    %scan3A_41 = arith.addi %scan3A_39, %scan3A_40 : i32
    %scan3A_42 = arith.constant 1 : i32
    scf.for %scan3A_65 = %scan3A_39 to %scan3A_41 step %scan3A_42  : i32 {
      %mul3A_66 = arith.constant 4 : i32
      %mul3A_67 = arith.muli %mul3A_66, %scan3A_65 : i32
      %add3A_68 = arith.constant 0 : i32
      %add3A_69 = arith.addi %mul3A_67, %add3A_68 : i32
      %add3A_70 = arith.constant 3 : i32
      %add3A_71 = arith.addi %add3A_69, %add3A_70 : i32
      %lt3A = arith.constant 160 : i32
      %lt3A_72 = arith.cmpi slt, %add3A_71, %lt3A : i32
      %convert_element_type3A_73 = arith.extui %lt3A_72 : i1 to i32
      %cond3A_74 = arith.constant 0 : i32
      %cond3A_75 = arith.cmpi ne, %convert_element_type3A_73, %cond3A_74 : i32
      scf.if %cond3A_75 {
        %ge3A = arith.constant 1 : i32
        %ge3A_161 = arith.cmpi sge, %add3A_69, %ge3A : i32
        %convert_element_type3A_162 = arith.extui %ge3A_161 : i1 to i32
        %cond3A_163 = arith.constant 0 : i32
        %cond3A_164 = arith.cmpi ne, %convert_element_type3A_162, %cond3A_163 : i32
        scf.if %cond3A_164 {
          %dma_wait3A_182 = arith.constant 0 : i32
          %dma_wait3A_183 = arith.constant 0 : i32
          %dma_wait3A_184 = tpu.memref_slice %arg16[%dma_wait3A_182, %dma_wait3A_183] : memref<10240x128xf32, #tpu.memory_space<vmem_shared>> -> memref<10240x128xf32, #tpu.memory_space<vmem_shared>>
          tpu.wait_indirect_dma semaphore(%arg28 : memref<!tpu.dma_semaphore, #tpu.memory_space<semaphore_mem>>) src(%arg15 : memref<64x128xf32, #tpu.memory_space<vmem>>) dst(%dma_wait3A_184 : memref<10240x128xf32, #tpu.memory_space<vmem_shared>>)
        } else {
        }
        %mul3A_165 = arith.constant 10240 : i32
        %mul3A_166 = arith.muli %arg1, %mul3A_165 : i32
        %add3A_167 = arith.constant 3 : i32
        %add3A_168 = arith.addi %add3A_69, %add3A_167 : i32
        %mul3A_169 = arith.constant 64 : i32
        %mul3A_170 = arith.muli %add3A_168, %mul3A_169 : i32
        %add3A_171 = arith.addi %mul3A_166, %mul3A_170 : i32
        %dma_start3A_172 = tpu.memref_slice %arg4[%add3A_171] : memref<163840xi32, #tpu.memory_space<hbm>> -> memref<64xi32, #tpu.memory_space<hbm>>
        %dma_start3A_173 = tpu.memref_slice %arg4[%add3A_171] : memref<163840xi32, #tpu.memory_space<hbm>> -> memref<64xi32, #tpu.memory_space<hbm>>
        tpu.enqueue_dma source(%dma_start3A_173 : memref<64xi32, #tpu.memory_space<hbm>>) target(%arg11 : memref<64xi32, #tpu.memory_space<vmem>>) target_semaphore(%arg24 : memref<!tpu.dma_semaphore, #tpu.memory_space<semaphore_mem>>)
        %add3A_174 = arith.constant 3 : i32
        %add3A_175 = arith.addi %add3A_69, %add3A_174 : i32
        %mul3A_176 = arith.constant 64 : i32
        %mul3A_177 = arith.muli %add3A_175, %mul3A_176 : i32
        %dma_start3A_178 = tpu.memref_slice %arg7[%mul3A_177] : memref<10240xi32, #tpu.memory_space<vmem>> -> memref<64xi32, #tpu.memory_space<vmem>>
        %dma_start3A_179 = arith.constant 0 : i32
        %dma_start3A_180 = arith.constant 0 : i32
        %dma_start3A_181 = tpu.memref_slice %arg2[%dma_start3A_179, %dma_start3A_180] : memref<20000x128xf32, #tpu.memory_space<hbm>> -> memref<20000x128xf32, #tpu.memory_space<hbm>>
        tpu.enqueue_indirect_dma source(%dma_start3A_181 : memref<20000x128xf32, #tpu.memory_space<hbm>>) target(%arg15 : memref<64x128xf32, #tpu.memory_space<vmem>>) offsets(%dma_start3A_178 : memref<64xi32, #tpu.memory_space<vmem>>) semaphore(%arg20 : memref<!tpu.dma_semaphore, #tpu.memory_space<semaphore_mem>>)
      } else {
      }
      %mul3A_76 = arith.constant 64 : i32
      %mul3A_77 = arith.muli %add3A_69, %mul3A_76 : i32
      %dma_wait3A_78 = tpu.memref_slice %arg7[%mul3A_77] : memref<10240xi32, #tpu.memory_space<vmem>> -> memref<64xi32, #tpu.memory_space<vmem>>
      %dma_wait3A_79 = arith.constant 0 : i32
      %dma_wait3A_80 = arith.constant 0 : i32
      %dma_wait3A_81 = tpu.memref_slice %arg2[%dma_wait3A_79, %dma_wait3A_80] : memref<20000x128xf32, #tpu.memory_space<hbm>> -> memref<20000x128xf32, #tpu.memory_space<hbm>>
      tpu.wait_indirect_dma semaphore(%arg17 : memref<!tpu.dma_semaphore, #tpu.memory_space<semaphore_mem>>) src(%dma_wait3A_81 : memref<20000x128xf32, #tpu.memory_space<hbm>>) dst(%arg12 : memref<64x128xf32, #tpu.memory_space<vmem>>)
      %mul3A_82 = arith.constant 10240 : i32
      %mul3A_83 = arith.muli %arg1, %mul3A_82 : i32
      %dma_wait3A_84 = tpu.memref_slice %arg4[%mul3A_83] : memref<163840xi32, #tpu.memory_space<hbm>> -> memref<64xi32, #tpu.memory_space<hbm>>
      %dma_wait3A_85 = tpu.memref_slice %arg4[%mul3A_83] : memref<163840xi32, #tpu.memory_space<hbm>> -> memref<64xi32, #tpu.memory_space<hbm>>
      tpu.wait_dma2 semaphore(%arg21 : memref<!tpu.dma_semaphore, #tpu.memory_space<semaphore_mem>>) src(%dma_wait3A_85 : memref<64xi32, #tpu.memory_space<hbm>>) dst(%arg8 : memref<64xi32, #tpu.memory_space<vmem>>)
      %dma_start3A_86 = arith.constant 0 : i32
      %dma_start3A_87 = arith.constant 0 : i32
      %dma_start3A_88 = tpu.memref_slice %arg16[%dma_start3A_86, %dma_start3A_87] : memref<10240x128xf32, #tpu.memory_space<vmem_shared>> -> memref<10240x128xf32, #tpu.memory_space<vmem_shared>>
      tpu.enqueue_indirect_dma source(%arg12 : memref<64x128xf32, #tpu.memory_space<vmem>>) target(%dma_start3A_88 : memref<10240x128xf32, #tpu.memory_space<vmem_shared>>) offsets(%arg8 : memref<64xi32, #tpu.memory_space<vmem>>) semaphore(%arg25 : memref<!tpu.dma_semaphore, #tpu.memory_space<semaphore_mem>>) {add = true}
      %mul3A_89 = arith.constant 4 : i32
      %mul3A_90 = arith.muli %mul3A_89, %scan3A_65 : i32
      %add3A_91 = arith.constant 1 : i32
      %add3A_92 = arith.addi %mul3A_90, %add3A_91 : i32
      %add3A_93 = arith.constant 3 : i32
      %add3A_94 = arith.addi %add3A_92, %add3A_93 : i32
      %lt3A_95 = arith.constant 160 : i32
      %lt3A_96 = arith.cmpi slt, %add3A_94, %lt3A_95 : i32
      %convert_element_type3A_97 = arith.extui %lt3A_96 : i1 to i32
      %cond3A_98 = arith.constant 0 : i32
      %cond3A_99 = arith.cmpi ne, %convert_element_type3A_97, %cond3A_98 : i32
      scf.if %cond3A_99 {
        %ge3A = arith.constant 1 : i32
        %ge3A_161 = arith.cmpi sge, %add3A_92, %ge3A : i32
        %convert_element_type3A_162 = arith.extui %ge3A_161 : i1 to i32
        %cond3A_163 = arith.constant 0 : i32
        %cond3A_164 = arith.cmpi ne, %convert_element_type3A_162, %cond3A_163 : i32
        scf.if %cond3A_164 {
          %dma_wait3A_182 = arith.constant 0 : i32
          %dma_wait3A_183 = arith.constant 0 : i32
          %dma_wait3A_184 = tpu.memref_slice %arg16[%dma_wait3A_182, %dma_wait3A_183] : memref<10240x128xf32, #tpu.memory_space<vmem_shared>> -> memref<10240x128xf32, #tpu.memory_space<vmem_shared>>
          tpu.wait_indirect_dma semaphore(%arg25 : memref<!tpu.dma_semaphore, #tpu.memory_space<semaphore_mem>>) src(%arg12 : memref<64x128xf32, #tpu.memory_space<vmem>>) dst(%dma_wait3A_184 : memref<10240x128xf32, #tpu.memory_space<vmem_shared>>)
        } else {
        }
        %mul3A_165 = arith.constant 10240 : i32
        %mul3A_166 = arith.muli %arg1, %mul3A_165 : i32
        %add3A_167 = arith.constant 3 : i32
        %add3A_168 = arith.addi %add3A_92, %add3A_167 : i32
        %mul3A_169 = arith.constant 64 : i32
        %mul3A_170 = arith.muli %add3A_168, %mul3A_169 : i32
        %add3A_171 = arith.addi %mul3A_166, %mul3A_170 : i32
        %dma_start3A_172 = tpu.memref_slice %arg4[%add3A_171] : memref<163840xi32, #tpu.memory_space<hbm>> -> memref<64xi32, #tpu.memory_space<hbm>>
        %dma_start3A_173 = tpu.memref_slice %arg4[%add3A_171] : memref<163840xi32, #tpu.memory_space<hbm>> -> memref<64xi32, #tpu.memory_space<hbm>>
        tpu.enqueue_dma source(%dma_start3A_173 : memref<64xi32, #tpu.memory_space<hbm>>) target(%arg8 : memref<64xi32, #tpu.memory_space<vmem>>) target_semaphore(%arg21 : memref<!tpu.dma_semaphore, #tpu.memory_space<semaphore_mem>>)
        %add3A_174 = arith.constant 3 : i32
        %add3A_175 = arith.addi %add3A_92, %add3A_174 : i32
        %mul3A_176 = arith.constant 64 : i32
        %mul3A_177 = arith.muli %add3A_175, %mul3A_176 : i32
        %dma_start3A_178 = tpu.memref_slice %arg7[%mul3A_177] : memref<10240xi32, #tpu.memory_space<vmem>> -> memref<64xi32, #tpu.memory_space<vmem>>
        %dma_start3A_179 = arith.constant 0 : i32
        %dma_start3A_180 = arith.constant 0 : i32
        %dma_start3A_181 = tpu.memref_slice %arg2[%dma_start3A_179, %dma_start3A_180] : memref<20000x128xf32, #tpu.memory_space<hbm>> -> memref<20000x128xf32, #tpu.memory_space<hbm>>
        tpu.enqueue_indirect_dma source(%dma_start3A_181 : memref<20000x128xf32, #tpu.memory_space<hbm>>) target(%arg12 : memref<64x128xf32, #tpu.memory_space<vmem>>) offsets(%dma_start3A_178 : memref<64xi32, #tpu.memory_space<vmem>>) semaphore(%arg17 : memref<!tpu.dma_semaphore, #tpu.memory_space<semaphore_mem>>)
      } else {
      }
      %mul3A_100 = arith.constant 64 : i32
      %mul3A_101 = arith.muli %add3A_92, %mul3A_100 : i32
      %dma_wait3A_102 = tpu.memref_slice %arg7[%mul3A_101] : memref<10240xi32, #tpu.memory_space<vmem>> -> memref<64xi32, #tpu.memory_space<vmem>>
      %dma_wait3A_103 = arith.constant 0 : i32
      %dma_wait3A_104 = arith.constant 0 : i32
      %dma_wait3A_105 = tpu.memref_slice %arg2[%dma_wait3A_103, %dma_wait3A_104] : memref<20000x128xf32, #tpu.memory_space<hbm>> -> memref<20000x128xf32, #tpu.memory_space<hbm>>
      tpu.wait_indirect_dma semaphore(%arg18 : memref<!tpu.dma_semaphore, #tpu.memory_space<semaphore_mem>>) src(%dma_wait3A_105 : memref<20000x128xf32, #tpu.memory_space<hbm>>) dst(%arg13 : memref<64x128xf32, #tpu.memory_space<vmem>>)
      %mul3A_106 = arith.constant 10240 : i32
      %mul3A_107 = arith.muli %arg1, %mul3A_106 : i32
      %dma_wait3A_108 = tpu.memref_slice %arg4[%mul3A_107] : memref<163840xi32, #tpu.memory_space<hbm>> -> memref<64xi32, #tpu.memory_space<hbm>>
      %dma_wait3A_109 = tpu.memref_slice %arg4[%mul3A_107] : memref<163840xi32, #tpu.memory_space<hbm>> -> memref<64xi32, #tpu.memory_space<hbm>>
      tpu.wait_dma2 semaphore(%arg22 : memref<!tpu.dma_semaphore, #tpu.memory_space<semaphore_mem>>) src(%dma_wait3A_109 : memref<64xi32, #tpu.memory_space<hbm>>) dst(%arg9 : memref<64xi32, #tpu.memory_space<vmem>>)
      %dma_start3A_110 = arith.constant 0 : i32
      %dma_start3A_111 = arith.constant 0 : i32
      %dma_start3A_112 = tpu.memref_slice %arg16[%dma_start3A_110, %dma_start3A_111] : memref<10240x128xf32, #tpu.memory_space<vmem_shared>> -> memref<10240x128xf32, #tpu.memory_space<vmem_shared>>
      tpu.enqueue_indirect_dma source(%arg13 : memref<64x128xf32, #tpu.memory_space<vmem>>) target(%dma_start3A_112 : memref<10240x128xf32, #tpu.memory_space<vmem_shared>>) offsets(%arg9 : memref<64xi32, #tpu.memory_space<vmem>>) semaphore(%arg26 : memref<!tpu.dma_semaphore, #tpu.memory_space<semaphore_mem>>) {add = true}
      %mul3A_113 = arith.constant 4 : i32
      %mul3A_114 = arith.muli %mul3A_113, %scan3A_65 : i32
      %add3A_115 = arith.constant 2 : i32
      %add3A_116 = arith.addi %mul3A_114, %add3A_115 : i32
      %add3A_117 = arith.constant 3 : i32
      %add3A_118 = arith.addi %add3A_116, %add3A_117 : i32
      %lt3A_119 = arith.constant 160 : i32
      %lt3A_120 = arith.cmpi slt, %add3A_118, %lt3A_119 : i32
      %convert_element_type3A_121 = arith.extui %lt3A_120 : i1 to i32
      %cond3A_122 = arith.constant 0 : i32
      %cond3A_123 = arith.cmpi ne, %convert_element_type3A_121, %cond3A_122 : i32
      scf.if %cond3A_123 {
        %ge3A = arith.constant 1 : i32
        %ge3A_161 = arith.cmpi sge, %add3A_116, %ge3A : i32
        %convert_element_type3A_162 = arith.extui %ge3A_161 : i1 to i32
        %cond3A_163 = arith.constant 0 : i32
        %cond3A_164 = arith.cmpi ne, %convert_element_type3A_162, %cond3A_163 : i32
        scf.if %cond3A_164 {
          %dma_wait3A_182 = arith.constant 0 : i32
          %dma_wait3A_183 = arith.constant 0 : i32
          %dma_wait3A_184 = tpu.memref_slice %arg16[%dma_wait3A_182, %dma_wait3A_183] : memref<10240x128xf32, #tpu.memory_space<vmem_shared>> -> memref<10240x128xf32, #tpu.memory_space<vmem_shared>>
          tpu.wait_indirect_dma semaphore(%arg26 : memref<!tpu.dma_semaphore, #tpu.memory_space<semaphore_mem>>) src(%arg13 : memref<64x128xf32, #tpu.memory_space<vmem>>) dst(%dma_wait3A_184 : memref<10240x128xf32, #tpu.memory_space<vmem_shared>>)
        } else {
        }
        %mul3A_165 = arith.constant 10240 : i32
        %mul3A_166 = arith.muli %arg1, %mul3A_165 : i32
        %add3A_167 = arith.constant 3 : i32
        %add3A_168 = arith.addi %add3A_116, %add3A_167 : i32
        %mul3A_169 = arith.constant 64 : i32
        %mul3A_170 = arith.muli %add3A_168, %mul3A_169 : i32
        %add3A_171 = arith.addi %mul3A_166, %mul3A_170 : i32
        %dma_start3A_172 = tpu.memref_slice %arg4[%add3A_171] : memref<163840xi32, #tpu.memory_space<hbm>> -> memref<64xi32, #tpu.memory_space<hbm>>
        %dma_start3A_173 = tpu.memref_slice %arg4[%add3A_171] : memref<163840xi32, #tpu.memory_space<hbm>> -> memref<64xi32, #tpu.memory_space<hbm>>
        tpu.enqueue_dma source(%dma_start3A_173 : memref<64xi32, #tpu.memory_space<hbm>>) target(%arg9 : memref<64xi32, #tpu.memory_space<vmem>>) target_semaphore(%arg22 : memref<!tpu.dma_semaphore, #tpu.memory_space<semaphore_mem>>)
        %add3A_174 = arith.constant 3 : i32
        %add3A_175 = arith.addi %add3A_116, %add3A_174 : i32
        %mul3A_176 = arith.constant 64 : i32
        %mul3A_177 = arith.muli %add3A_175, %mul3A_176 : i32
        %dma_start3A_178 = tpu.memref_slice %arg7[%mul3A_177] : memref<10240xi32, #tpu.memory_space<vmem>> -> memref<64xi32, #tpu.memory_space<vmem>>
        %dma_start3A_179 = arith.constant 0 : i32
        %dma_start3A_180 = arith.constant 0 : i32
        %dma_start3A_181 = tpu.memref_slice %arg2[%dma_start3A_179, %dma_start3A_180] : memref<20000x128xf32, #tpu.memory_space<hbm>> -> memref<20000x128xf32, #tpu.memory_space<hbm>>
        tpu.enqueue_indirect_dma source(%dma_start3A_181 : memref<20000x128xf32, #tpu.memory_space<hbm>>) target(%arg13 : memref<64x128xf32, #tpu.memory_space<vmem>>) offsets(%dma_start3A_178 : memref<64xi32, #tpu.memory_space<vmem>>) semaphore(%arg18 : memref<!tpu.dma_semaphore, #tpu.memory_space<semaphore_mem>>)
      } else {
      }
      %mul3A_124 = arith.constant 64 : i32
      %mul3A_125 = arith.muli %add3A_116, %mul3A_124 : i32
      %dma_wait3A_126 = tpu.memref_slice %arg7[%mul3A_125] : memref<10240xi32, #tpu.memory_space<vmem>> -> memref<64xi32, #tpu.memory_space<vmem>>
      %dma_wait3A_127 = arith.constant 0 : i32
      %dma_wait3A_128 = arith.constant 0 : i32
      %dma_wait3A_129 = tpu.memref_slice %arg2[%dma_wait3A_127, %dma_wait3A_128] : memref<20000x128xf32, #tpu.memory_space<hbm>> -> memref<20000x128xf32, #tpu.memory_space<hbm>>
      tpu.wait_indirect_dma semaphore(%arg19 : memref<!tpu.dma_semaphore, #tpu.memory_space<semaphore_mem>>) src(%dma_wait3A_129 : memref<20000x128xf32, #tpu.memory_space<hbm>>) dst(%arg14 : memref<64x128xf32, #tpu.memory_space<vmem>>)
      %mul3A_130 = arith.constant 10240 : i32
      %mul3A_131 = arith.muli %arg1, %mul3A_130 : i32
      %dma_wait3A_132 = tpu.memref_slice %arg4[%mul3A_131] : memref<163840xi32, #tpu.memory_space<hbm>> -> memref<64xi32, #tpu.memory_space<hbm>>
      %dma_wait3A_133 = tpu.memref_slice %arg4[%mul3A_131] : memref<163840xi32, #tpu.memory_space<hbm>> -> memref<64xi32, #tpu.memory_space<hbm>>
      tpu.wait_dma2 semaphore(%arg23 : memref<!tpu.dma_semaphore, #tpu.memory_space<semaphore_mem>>) src(%dma_wait3A_133 : memref<64xi32, #tpu.memory_space<hbm>>) dst(%arg10 : memref<64xi32, #tpu.memory_space<vmem>>)
      %dma_start3A_134 = arith.constant 0 : i32
      %dma_start3A_135 = arith.constant 0 : i32
      %dma_start3A_136 = tpu.memref_slice %arg16[%dma_start3A_134, %dma_start3A_135] : memref<10240x128xf32, #tpu.memory_space<vmem_shared>> -> memref<10240x128xf32, #tpu.memory_space<vmem_shared>>
      tpu.enqueue_indirect_dma source(%arg14 : memref<64x128xf32, #tpu.memory_space<vmem>>) target(%dma_start3A_136 : memref<10240x128xf32, #tpu.memory_space<vmem_shared>>) offsets(%arg10 : memref<64xi32, #tpu.memory_space<vmem>>) semaphore(%arg27 : memref<!tpu.dma_semaphore, #tpu.memory_space<semaphore_mem>>) {add = true}
      %mul3A_137 = arith.constant 4 : i32
      %mul3A_138 = arith.muli %mul3A_137, %scan3A_65 : i32
      %add3A_139 = arith.constant 3 : i32
      %add3A_140 = arith.addi %mul3A_138, %add3A_139 : i32
      %add3A_141 = arith.constant 3 : i32
      %add3A_142 = arith.addi %add3A_140, %add3A_141 : i32
      %lt3A_143 = arith.constant 160 : i32
      %lt3A_144 = arith.cmpi slt, %add3A_142, %lt3A_143 : i32
      %convert_element_type3A_145 = arith.extui %lt3A_144 : i1 to i32
      %cond3A_146 = arith.constant 0 : i32
      %cond3A_147 = arith.cmpi ne, %convert_element_type3A_145, %cond3A_146 : i32
      scf.if %cond3A_147 {
        %ge3A = arith.constant 1 : i32
        %ge3A_161 = arith.cmpi sge, %add3A_140, %ge3A : i32
        %convert_element_type3A_162 = arith.extui %ge3A_161 : i1 to i32
        %cond3A_163 = arith.constant 0 : i32
        %cond3A_164 = arith.cmpi ne, %convert_element_type3A_162, %cond3A_163 : i32
        scf.if %cond3A_164 {
          %dma_wait3A_182 = arith.constant 0 : i32
          %dma_wait3A_183 = arith.constant 0 : i32
          %dma_wait3A_184 = tpu.memref_slice %arg16[%dma_wait3A_182, %dma_wait3A_183] : memref<10240x128xf32, #tpu.memory_space<vmem_shared>> -> memref<10240x128xf32, #tpu.memory_space<vmem_shared>>
          tpu.wait_indirect_dma semaphore(%arg27 : memref<!tpu.dma_semaphore, #tpu.memory_space<semaphore_mem>>) src(%arg14 : memref<64x128xf32, #tpu.memory_space<vmem>>) dst(%dma_wait3A_184 : memref<10240x128xf32, #tpu.memory_space<vmem_shared>>)
        } else {
        }
        %mul3A_165 = arith.constant 10240 : i32
        %mul3A_166 = arith.muli %arg1, %mul3A_165 : i32
        %add3A_167 = arith.constant 3 : i32
        %add3A_168 = arith.addi %add3A_140, %add3A_167 : i32
        %mul3A_169 = arith.constant 64 : i32
        %mul3A_170 = arith.muli %add3A_168, %mul3A_169 : i32
        %add3A_171 = arith.addi %mul3A_166, %mul3A_170 : i32
        %dma_start3A_172 = tpu.memref_slice %arg4[%add3A_171] : memref<163840xi32, #tpu.memory_space<hbm>> -> memref<64xi32, #tpu.memory_space<hbm>>
        %dma_start3A_173 = tpu.memref_slice %arg4[%add3A_171] : memref<163840xi32, #tpu.memory_space<hbm>> -> memref<64xi32, #tpu.memory_space<hbm>>
        tpu.enqueue_dma source(%dma_start3A_173 : memref<64xi32, #tpu.memory_space<hbm>>) target(%arg10 : memref<64xi32, #tpu.memory_space<vmem>>) target_semaphore(%arg23 : memref<!tpu.dma_semaphore, #tpu.memory_space<semaphore_mem>>)
        %add3A_174 = arith.constant 3 : i32
        %add3A_175 = arith.addi %add3A_140, %add3A_174 : i32
        %mul3A_176 = arith.constant 64 : i32
        %mul3A_177 = arith.muli %add3A_175, %mul3A_176 : i32
        %dma_start3A_178 = tpu.memref_slice %arg7[%mul3A_177] : memref<10240xi32, #tpu.memory_space<vmem>> -> memref<64xi32, #tpu.memory_space<vmem>>
        %dma_start3A_179 = arith.constant 0 : i32
        %dma_start3A_180 = arith.constant 0 : i32
        %dma_start3A_181 = tpu.memref_slice %arg2[%dma_start3A_179, %dma_start3A_180] : memref<20000x128xf32, #tpu.memory_space<hbm>> -> memref<20000x128xf32, #tpu.memory_space<hbm>>
        tpu.enqueue_indirect_dma source(%dma_start3A_181 : memref<20000x128xf32, #tpu.memory_space<hbm>>) target(%arg14 : memref<64x128xf32, #tpu.memory_space<vmem>>) offsets(%dma_start3A_178 : memref<64xi32, #tpu.memory_space<vmem>>) semaphore(%arg19 : memref<!tpu.dma_semaphore, #tpu.memory_space<semaphore_mem>>)
      } else {
      }
      %mul3A_148 = arith.constant 64 : i32
      %mul3A_149 = arith.muli %add3A_140, %mul3A_148 : i32
      %dma_wait3A_150 = tpu.memref_slice %arg7[%mul3A_149] : memref<10240xi32, #tpu.memory_space<vmem>> -> memref<64xi32, #tpu.memory_space<vmem>>
      %dma_wait3A_151 = arith.constant 0 : i32
      %dma_wait3A_152 = arith.constant 0 : i32
      %dma_wait3A_153 = tpu.memref_slice %arg2[%dma_wait3A_151, %dma_wait3A_152] : memref<20000x128xf32, #tpu.memory_space<hbm>> -> memref<20000x128xf32, #tpu.memory_space<hbm>>
      tpu.wait_indirect_dma semaphore(%arg20 : memref<!tpu.dma_semaphore, #tpu.memory_space<semaphore_mem>>) src(%dma_wait3A_153 : memref<20000x128xf32, #tpu.memory_space<hbm>>) dst(%arg15 : memref<64x128xf32, #tpu.memory_space<vmem>>)
      %mul3A_154 = arith.constant 10240 : i32
      %mul3A_155 = arith.muli %arg1, %mul3A_154 : i32
      %dma_wait3A_156 = tpu.memref_slice %arg4[%mul3A_155] : memref<163840xi32, #tpu.memory_space<hbm>> -> memref<64xi32, #tpu.memory_space<hbm>>
      %dma_wait3A_157 = tpu.memref_slice %arg4[%mul3A_155] : memref<163840xi32, #tpu.memory_space<hbm>> -> memref<64xi32, #tpu.memory_space<hbm>>
      tpu.wait_dma2 semaphore(%arg24 : memref<!tpu.dma_semaphore, #tpu.memory_space<semaphore_mem>>) src(%dma_wait3A_157 : memref<64xi32, #tpu.memory_space<hbm>>) dst(%arg11 : memref<64xi32, #tpu.memory_space<vmem>>)
      %dma_start3A_158 = arith.constant 0 : i32
      %dma_start3A_159 = arith.constant 0 : i32
      %dma_start3A_160 = tpu.memref_slice %arg16[%dma_start3A_158, %dma_start3A_159] : memref<10240x128xf32, #tpu.memory_space<vmem_shared>> -> memref<10240x128xf32, #tpu.memory_space<vmem_shared>>
      tpu.enqueue_indirect_dma source(%arg15 : memref<64x128xf32, #tpu.memory_space<vmem>>) target(%dma_start3A_160 : memref<10240x128xf32, #tpu.memory_space<vmem_shared>>) offsets(%arg11 : memref<64xi32, #tpu.memory_space<vmem>>) semaphore(%arg28 : memref<!tpu.dma_semaphore, #tpu.memory_space<semaphore_mem>>) {add = true}
    }
    %scan3A_43 = arith.constant 40 : i32
    %dma_wait3A = arith.constant 0 : i32
    %dma_wait3A_44 = arith.constant 0 : i32
    %dma_wait3A_45 = tpu.memref_slice %arg16[%dma_wait3A, %dma_wait3A_44] : memref<10240x128xf32, #tpu.memory_space<vmem_shared>> -> memref<10240x128xf32, #tpu.memory_space<vmem_shared>>
    tpu.wait_indirect_dma semaphore(%arg25 : memref<!tpu.dma_semaphore, #tpu.memory_space<semaphore_mem>>) src(%arg12 : memref<64x128xf32, #tpu.memory_space<vmem>>) dst(%dma_wait3A_45 : memref<10240x128xf32, #tpu.memory_space<vmem_shared>>)
    %dma_wait3A_46 = arith.constant 0 : i32
    %dma_wait3A_47 = arith.constant 0 : i32
    %dma_wait3A_48 = tpu.memref_slice %arg16[%dma_wait3A_46, %dma_wait3A_47] : memref<10240x128xf32, #tpu.memory_space<vmem_shared>> -> memref<10240x128xf32, #tpu.memory_space<vmem_shared>>
    tpu.wait_indirect_dma semaphore(%arg26 : memref<!tpu.dma_semaphore, #tpu.memory_space<semaphore_mem>>) src(%arg13 : memref<64x128xf32, #tpu.memory_space<vmem>>) dst(%dma_wait3A_48 : memref<10240x128xf32, #tpu.memory_space<vmem_shared>>)
    %dma_wait3A_49 = arith.constant 0 : i32
    %dma_wait3A_50 = arith.constant 0 : i32
    %dma_wait3A_51 = tpu.memref_slice %arg16[%dma_wait3A_49, %dma_wait3A_50] : memref<10240x128xf32, #tpu.memory_space<vmem_shared>> -> memref<10240x128xf32, #tpu.memory_space<vmem_shared>>
    tpu.wait_indirect_dma semaphore(%arg27 : memref<!tpu.dma_semaphore, #tpu.memory_space<semaphore_mem>>) src(%arg14 : memref<64x128xf32, #tpu.memory_space<vmem>>) dst(%dma_wait3A_51 : memref<10240x128xf32, #tpu.memory_space<vmem_shared>>)
    %dma_wait3A_52 = arith.constant 0 : i32
    %dma_wait3A_53 = arith.constant 0 : i32
    %dma_wait3A_54 = tpu.memref_slice %arg16[%dma_wait3A_52, %dma_wait3A_53] : memref<10240x128xf32, #tpu.memory_space<vmem_shared>> -> memref<10240x128xf32, #tpu.memory_space<vmem_shared>>
    tpu.wait_indirect_dma semaphore(%arg28 : memref<!tpu.dma_semaphore, #tpu.memory_space<semaphore_mem>>) src(%arg15 : memref<64x128xf32, #tpu.memory_space<vmem>>) dst(%dma_wait3A_54 : memref<10240x128xf32, #tpu.memory_space<vmem_shared>>)
    %barrier3A_55 = arith.constant 0 : index
    tpu.barrier barrier_id(%barrier3A_55)
    %mul3A_56 = arith.constant 624 : i32
    %mul3A_57 = arith.muli %arg1, %mul3A_56 : i32
    %mul3A_58 = arith.constant 10000 : i32
    %mul3A_59 = arith.muli %arg0, %mul3A_58 : i32
    %mul3A_60 = arith.constant 624 : i32
    %mul3A_61 = arith.muli %arg1, %mul3A_60 : i32
    %add3A_62 = arith.addi %mul3A_59, %mul3A_61 : i32
    "tpu.region"() ({
      %run_scoped3A = tpu.sem_alloc : memref<!tpu.dma_semaphore, #tpu.memory_space<semaphore_mem>>
      %dma_start3A_65 = arith.constant 0 : i32
      %dma_start3A_66 = tpu.memref_slice %arg6[%add3A_62, %dma_start3A_65] : memref<20000x128xf32, #tpu.memory_space<hbm>> -> memref<624x128xf32, #tpu.memory_space<hbm>>
      %dma_start3A_67 = arith.constant 0 : i32
      %dma_start3A_68 = tpu.memref_slice %arg16[%mul3A_57, %dma_start3A_67] : memref<10240x128xf32, #tpu.memory_space<vmem_shared>> -> memref<624x128xf32, #tpu.memory_space<vmem_shared>>
      tpu.enqueue_dma source(%dma_start3A_68 : memref<624x128xf32, #tpu.memory_space<vmem_shared>>) target(%dma_start3A_66 : memref<624x128xf32, #tpu.memory_space<hbm>>) target_semaphore(%run_scoped3A : memref<!tpu.dma_semaphore, #tpu.memory_space<semaphore_mem>>)
      %dma_wait3A_69 = arith.constant 0 : i32
      %dma_wait3A_70 = tpu.memref_slice %arg6[%add3A_62, %dma_wait3A_69] : memref<20000x128xf32, #tpu.memory_space<hbm>> -> memref<624x128xf32, #tpu.memory_space<hbm>>
      %dma_wait3A_71 = arith.constant 0 : i32
      %dma_wait3A_72 = tpu.memref_slice %arg16[%mul3A_57, %dma_wait3A_71] : memref<10240x128xf32, #tpu.memory_space<vmem_shared>> -> memref<624x128xf32, #tpu.memory_space<vmem_shared>>
      tpu.wait_dma2 semaphore(%run_scoped3A : memref<!tpu.dma_semaphore, #tpu.memory_space<semaphore_mem>>) src(%dma_wait3A_72 : memref<624x128xf32, #tpu.memory_space<vmem_shared>>) dst(%dma_wait3A_70 : memref<624x128xf32, #tpu.memory_space<hbm>>)
      tpu.yield
    }) : () -> ()
    %eq3A = arith.constant 15 : i32
    %eq3A_63 = arith.cmpi eq, %arg1, %eq3A : i32
    %convert_element_type3A = arith.extui %eq3A_63 : i1 to i32
    %cond3A = arith.constant 0 : i32
    %cond3A_64 = arith.cmpi ne, %convert_element_type3A, %cond3A : i32
    scf.if %cond3A_64 {
      %mul3A_65 = arith.constant 10000 : i32
      %mul3A_66 = arith.muli %arg0, %mul3A_65 : i32
      %add3A_67 = arith.constant 9984 : i32
      %add3A_68 = arith.addi %mul3A_66, %add3A_67 : i32
      "tpu.region"() ({
        %run_scoped3A = tpu.sem_alloc : memref<!tpu.dma_semaphore, #tpu.memory_space<semaphore_mem>>
        %dma_start3A_69 = arith.constant 0 : i32
        %dma_start3A_70 = tpu.memref_slice %arg6[%add3A_68, %dma_start3A_69] : memref<20000x128xf32, #tpu.memory_space<hbm>> -> memref<16x128xf32, #tpu.memory_space<hbm>>
        %dma_start3A_71 = arith.constant 9984 : i32
        %dma_start3A_72 = arith.constant 0 : i32
        %dma_start3A_73 = tpu.memref_slice %arg16[%dma_start3A_71, %dma_start3A_72] : memref<10240x128xf32, #tpu.memory_space<vmem_shared>> -> memref<16x128xf32, #tpu.memory_space<vmem_shared>>
        tpu.enqueue_dma source(%dma_start3A_73 : memref<16x128xf32, #tpu.memory_space<vmem_shared>>) target(%dma_start3A_70 : memref<16x128xf32, #tpu.memory_space<hbm>>) target_semaphore(%run_scoped3A : memref<!tpu.dma_semaphore, #tpu.memory_space<semaphore_mem>>)
        %dma_wait3A_74 = arith.constant 0 : i32
        %dma_wait3A_75 = tpu.memref_slice %arg6[%add3A_68, %dma_wait3A_74] : memref<20000x128xf32, #tpu.memory_space<hbm>> -> memref<16x128xf32, #tpu.memory_space<hbm>>
        %dma_wait3A_76 = arith.constant 9984 : i32
        %dma_wait3A_77 = arith.constant 0 : i32
        %dma_wait3A_78 = tpu.memref_slice %arg16[%dma_wait3A_76, %dma_wait3A_77] : memref<10240x128xf32, #tpu.memory_space<vmem_shared>> -> memref<16x128xf32, #tpu.memory_space<vmem_shared>>
        tpu.wait_dma2 semaphore(%run_scoped3A : memref<!tpu.dma_semaphore, #tpu.memory_space<semaphore_mem>>) src(%dma_wait3A_78 : memref<16x128xf32, #tpu.memory_space<vmem_shared>>) dst(%dma_wait3A_75 : memref<16x128xf32, #tpu.memory_space<hbm>>)
        tpu.yield
      }) : () -> ()
    } else {
    }
    return
  }
}

module attributes {stable_mosaic.version = 14 : i64} {
  func.func @_pre_body(%arg0: i32, %arg1: i32, %arg2: memref<1000x256xf32, #tpu.memory_space<vmem>>, %arg3: memref<256x128xf32, #tpu.memory_space<vmem>>, %arg4: memref<1000x128xf32, #tpu.memory_space<vmem>>, %arg5: memref<1000x128xf32, #tpu.memory_space<vmem>>) attributes {dimension_semantics = [#tpu.dimension_semantics<arbitrary>, #tpu.dimension_semantics<arbitrary>], iteration_bounds = array<i64: 2, 10>, scalar_prefetch = 0 : i64, scratch_operands = 0 : i64, tpu.core_type = #tpu.core_type<tc>, window_params = [{transform_indices = @transform_0, window_bounds = array<i64: 1000, 256>}, {transform_indices = @transform_1, window_bounds = array<i64: 256, 128>}, {transform_indices = @transform_2, window_bounds = array<i64: 1000, 128>}, {transform_indices = @transform_3, window_bounds = array<i64: 1000, 128>}]} {
    %get3A = arith.constant 0 : index
    %get3A_0 = arith.constant 0 : index
    %get3A_1 = vector.load %arg4[%get3A, %get3A_0] : memref<1000x128xf32, #tpu.memory_space<vmem>>, vector<1000x1xf32>
    %gt3A = arith.constant 0.000000e+00 : f32
    %gt3A_2 = vector.broadcast %gt3A : f32 to vector<1000x1xf32>
    %gt3A_3 = arith.cmpf ogt, %get3A_1, %gt3A_2 : vector<1000x1xf32>
    %max3A = arith.constant 1.000000e+00 : f32
    %max3A_4 = vector.broadcast %max3A : f32 to vector<1000x1xf32>
    %max3A_5 = arith.maximumf %get3A_1, %max3A_4 : vector<1000x1xf32>
    %rsqrt3A = math.rsqrt %max3A_5 : vector<1000x1xf32>
    %jit3A = arith.constant 0.000000e+00 : f32
    %broadcast_in_dim3A = vector.broadcast %jit3A : f32 to vector<1000x1xf32>
    %select_n3A = arith.select %gt3A_3, %rsqrt3A, %broadcast_in_dim3A : vector<1000x1xi1>, vector<1000x1xf32>
    %get3A_6 = arith.constant 0 : index
    %get3A_7 = arith.constant 0 : index
    %get3A_8 = vector.load %arg2[%get3A_6, %get3A_7] : memref<1000x256xf32, #tpu.memory_space<vmem>>, vector<1000x256xf32>
    %get3A_9 = arith.constant 0 : index
    %get3A_10 = arith.constant 0 : index
    %get3A_11 = vector.load %arg3[%get3A_9, %get3A_10] : memref<256x128xf32, #tpu.memory_space<vmem>>, vector<256x128xf32>
    %dot_general3A = arith.constant dense<0.000000e+00> : vector<1000x128xf32>
    %dot_general3A_12 = tpu.matmul %get3A_8, %get3A_11, %dot_general3A {dimension_numbers = #tpu.dot_dimension_numbers<[1], [0], [0], [1], [0, 0, 1, 1], [], []>, transpose_lhs_hint = false} : vector<1000x256xf32>, vector<256x128xf32>, vector<1000x128xf32> -> vector<1000x128xf32>
    %mul3A = vector.broadcast %select_n3A : vector<1000x1xf32> to vector<1000x128xf32>
    %mul3A_13 = arith.mulf %dot_general3A_12, %mul3A : vector<1000x128xf32>
    %swap3A = arith.constant 0 : index
    %swap3A_14 = arith.constant 0 : index
    %swap3A_15 = vector.load %arg5[%swap3A, %swap3A_14] : memref<1000x128xf32, #tpu.memory_space<vmem>>, vector<1000x128xf32>
    tpu.vector_store %arg5[%swap3A, %swap3A_14], %mul3A_13 {strides = array<i32>} : memref<1000x128xf32, #tpu.memory_space<vmem>>, vector<1000x128xf32>,
    return
  }
  func.func @transform_0(%arg0: i32, %arg1: i32) -> (i32, i32) {
    %c0_i32 = arith.constant 0 : i32
    %c0_i32_0 = arith.constant 0 : i32
    return %arg1, %c0_i32 : i32, i32
  }
  func.func @transform_1(%arg0: i32, %arg1: i32) -> (i32, i32) {
    %c0_i32 = arith.constant 0 : i32
    %c0_i32_0 = arith.constant 0 : i32
    return %c0_i32, %arg0 : i32, i32
  }
  func.func @transform_2(%arg0: i32, %arg1: i32) -> (i32, i32) {
    %c0_i32 = arith.constant 0 : i32
    %c0_i32_0 = arith.constant 0 : i32
    return %arg1, %c0_i32 : i32, i32
  }
  func.func @transform_3(%arg0: i32, %arg1: i32) -> (i32, i32) {
    %mul3A = arith.constant 10 : i32
    %mul3A_0 = arith.muli %arg0, %mul3A : i32
    %add3A = arith.addi %mul3A_0, %arg1 : i32
    %c0_i32 = arith.constant 0 : i32
    %c0_i32_1 = arith.constant 0 : i32
    return %add3A, %c0_i32 : i32, i32
  }
}

module attributes {stable_mosaic.version = 14 : i64} {
  func.func @_mid_body(%arg0: i32, %arg1: i32, %arg2: memref<1000x128xf32, #tpu.memory_space<vmem>>, %arg3: memref<1000x128xf32, #tpu.memory_space<vmem>>, %arg4: memref<1000x128xf32, #tpu.memory_space<vmem>>, %arg5: memref<1x256xf32, #tpu.memory_space<vmem>>, %arg6: memref<256x128xf32, #tpu.memory_space<vmem>>, %arg7: memref<1000x128xf32, #tpu.memory_space<vmem>>) attributes {dimension_semantics = [#tpu.dimension_semantics<arbitrary>, #tpu.dimension_semantics<arbitrary>], iteration_bounds = array<i64: 2, 10>, scalar_prefetch = 0 : i64, scratch_operands = 0 : i64, tpu.core_type = #tpu.core_type<tc>, window_params = [{transform_indices = @transform_0, window_bounds = array<i64: 1000, 128>}, {transform_indices = @transform_1, window_bounds = array<i64: 1000, 128>}, {transform_indices = @transform_2, window_bounds = array<i64: 1000, 128>}, {pipeline_mode = #tpu.pipeline_mode<synchronous>, transform_indices = @transform_3, window_bounds = array<i64: 1, 256>}, {transform_indices = @transform_4, window_bounds = array<i64: 256, 128>}, {transform_indices = @transform_5, window_bounds = array<i64: 1000, 128>}]} {
    %get3A = arith.constant 0 : index
    %get3A_0 = arith.constant 0 : index
    %get3A_1 = vector.load %arg4[%get3A, %get3A_0] : memref<1000x128xf32, #tpu.memory_space<vmem>>, vector<1000x1xf32>
    %gt3A = arith.constant 0.000000e+00 : f32
    %gt3A_2 = vector.broadcast %gt3A : f32 to vector<1000x1xf32>
    %gt3A_3 = arith.cmpf ogt, %get3A_1, %gt3A_2 : vector<1000x1xf32>
    %max3A = arith.constant 1.000000e+00 : f32
    %max3A_4 = vector.broadcast %max3A : f32 to vector<1000x1xf32>
    %max3A_5 = arith.maximumf %get3A_1, %max3A_4 : vector<1000x1xf32>
    %rsqrt3A = math.rsqrt %max3A_5 : vector<1000x1xf32>
    %jit3A = arith.constant 0.000000e+00 : f32
    %broadcast_in_dim3A = vector.broadcast %jit3A : f32 to vector<1000x1xf32>
    %select_n3A = arith.select %gt3A_3, %rsqrt3A, %broadcast_in_dim3A : vector<1000x1xi1>, vector<1000x1xf32>
    %get3A_6 = arith.constant 0 : index
    %get3A_7 = arith.constant 0 : index
    %get3A_8 = vector.load %arg2[%get3A_6, %get3A_7] : memref<1000x128xf32, #tpu.memory_space<vmem>>, vector<1000x128xf32>
    %get3A_9 = arith.constant 0 : index
    %get3A_10 = arith.constant 0 : index
    %get3A_11 = vector.load %arg3[%get3A_9, %get3A_10] : memref<1000x128xf32, #tpu.memory_space<vmem>>, vector<1000x128xf32>
    %concatenate3A = tpu.concatenate %get3A_8, %get3A_11 in 1 : vector<1000x128xf32>, vector<1000x128xf32> -> vector<1000x256xf32>
    %mul3A = vector.broadcast %select_n3A : vector<1000x1xf32> to vector<1000x256xf32>
    %mul3A_12 = arith.mulf %concatenate3A, %mul3A : vector<1000x256xf32>
    %get3A_13 = arith.constant 0 : index
    %get3A_14 = arith.constant 0 : index
    %get3A_15 = vector.load %arg5[%get3A_13, %get3A_14] : memref<1x256xf32, #tpu.memory_space<vmem>>, vector<1x256xf32>
    %add3A = vector.broadcast %get3A_15 : vector<1x256xf32> to vector<1000x256xf32>
    %add3A_16 = arith.addf %mul3A_12, %add3A : vector<1000x256xf32>
    %get3A_17 = arith.constant 0 : index
    %get3A_18 = arith.constant 0 : index
    %get3A_19 = vector.load %arg6[%get3A_17, %get3A_18] : memref<256x128xf32, #tpu.memory_space<vmem>>, vector<256x128xf32>
    %dot_general3A = arith.constant dense<0.000000e+00> : vector<1000x128xf32>
    %dot_general3A_20 = tpu.matmul %add3A_16, %get3A_19, %dot_general3A {dimension_numbers = #tpu.dot_dimension_numbers<[1], [0], [0], [1], [0, 0, 1, 1], [], []>, transpose_lhs_hint = false} : vector<1000x256xf32>, vector<256x128xf32>, vector<1000x128xf32> -> vector<1000x128xf32>
    %mul3A_21 = vector.broadcast %select_n3A : vector<1000x1xf32> to vector<1000x128xf32>
    %mul3A_22 = arith.mulf %dot_general3A_20, %mul3A_21 : vector<1000x128xf32>
    %swap3A = arith.constant 0 : index
    %swap3A_23 = arith.constant 0 : index
    %swap3A_24 = vector.load %arg7[%swap3A, %swap3A_23] : memref<1000x128xf32, #tpu.memory_space<vmem>>, vector<1000x128xf32>
    tpu.vector_store %arg7[%swap3A, %swap3A_23], %mul3A_22 {strides = array<i32>} : memref<1000x128xf32, #tpu.memory_space<vmem>>, vector<1000x128xf32>,
    return
  }
  func.func @transform_0(%arg0: i32, %arg1: i32) -> (i32, i32) {
    %c0_i32 = arith.constant 0 : i32
    %c0_i32_0 = arith.constant 0 : i32
    return %arg1, %c0_i32 : i32, i32
  }
  func.func @transform_1(%arg0: i32, %arg1: i32) -> (i32, i32) {
    %add3A = arith.constant 10 : i32
    %add3A_0 = arith.addi %add3A, %arg1 : i32
    %c0_i32 = arith.constant 0 : i32
    %c0_i32_1 = arith.constant 0 : i32
    return %add3A_0, %c0_i32 : i32, i32
  }
  func.func @transform_2(%arg0: i32, %arg1: i32) -> (i32, i32) {
    %c0_i32 = arith.constant 0 : i32
    %c0_i32_0 = arith.constant 0 : i32
    return %arg1, %c0_i32 : i32, i32
  }
  func.func @transform_3(%arg0: i32, %arg1: i32) -> (i32, i32) {
    %c0_i32 = arith.constant 0 : i32
    %c0_i32_0 = arith.constant 0 : i32
    %c0_i32_1 = arith.constant 0 : i32
    return %c0_i32, %c0_i32_0 : i32, i32
  }
  func.func @transform_4(%arg0: i32, %arg1: i32) -> (i32, i32) {
    %c0_i32 = arith.constant 0 : i32
    %c0_i32_0 = arith.constant 0 : i32
    return %c0_i32, %arg0 : i32, i32
  }
  func.func @transform_5(%arg0: i32, %arg1: i32) -> (i32, i32) {
    %mul3A = arith.constant 10 : i32
    %mul3A_0 = arith.muli %arg0, %mul3A : i32
    %add3A = arith.addi %mul3A_0, %arg1 : i32
    %c0_i32 = arith.constant 0 : i32
    %c0_i32_1 = arith.constant 0 : i32
    return %add3A, %c0_i32 : i32, i32
  }
}

module attributes {stable_mosaic.version = 14 : i64} {
  func.func @_final_body(%arg0: i32, %arg1: memref<1000x128xf32, #tpu.memory_space<vmem>>, %arg2: memref<1000x128xf32, #tpu.memory_space<vmem>>, %arg3: memref<1000x128xf32, #tpu.memory_space<vmem>>, %arg4: memref<1x256xf32, #tpu.memory_space<vmem>>, %arg5: memref<1000x256xf32, #tpu.memory_space<vmem>>) attributes {dimension_semantics = [#tpu.dimension_semantics<arbitrary>], iteration_bounds = array<i64: 10>, scalar_prefetch = 0 : i64, scratch_operands = 0 : i64, tpu.core_type = #tpu.core_type<tc>, window_params = [{transform_indices = @transform_0, window_bounds = array<i64: 1000, 128>}, {transform_indices = @transform_1, window_bounds = array<i64: 1000, 128>}, {transform_indices = @transform_2, window_bounds = array<i64: 1000, 128>}, {pipeline_mode = #tpu.pipeline_mode<synchronous>, transform_indices = @transform_3, window_bounds = array<i64: 1, 256>}, {transform_indices = @transform_4, window_bounds = array<i64: 1000, 256>}]} {
    %get3A = arith.constant 0 : index
    %get3A_0 = arith.constant 0 : index
    %get3A_1 = vector.load %arg3[%get3A, %get3A_0] : memref<1000x128xf32, #tpu.memory_space<vmem>>, vector<1000x1xf32>
    %gt3A = arith.constant 0.000000e+00 : f32
    %gt3A_2 = vector.broadcast %gt3A : f32 to vector<1000x1xf32>
    %gt3A_3 = arith.cmpf ogt, %get3A_1, %gt3A_2 : vector<1000x1xf32>
    %max3A = arith.constant 1.000000e+00 : f32
    %max3A_4 = vector.broadcast %max3A : f32 to vector<1000x1xf32>
    %max3A_5 = arith.maximumf %get3A_1, %max3A_4 : vector<1000x1xf32>
    %rsqrt3A = math.rsqrt %max3A_5 : vector<1000x1xf32>
    %jit3A = arith.constant 0.000000e+00 : f32
    %broadcast_in_dim3A = vector.broadcast %jit3A : f32 to vector<1000x1xf32>
    %select_n3A = arith.select %gt3A_3, %rsqrt3A, %broadcast_in_dim3A : vector<1000x1xi1>, vector<1000x1xf32>
    %get3A_6 = arith.constant 0 : index
    %get3A_7 = arith.constant 0 : index
    %get3A_8 = vector.load %arg1[%get3A_6, %get3A_7] : memref<1000x128xf32, #tpu.memory_space<vmem>>, vector<1000x128xf32>
    %get3A_9 = arith.constant 0 : index
    %get3A_10 = arith.constant 0 : index
    %get3A_11 = vector.load %arg2[%get3A_9, %get3A_10] : memref<1000x128xf32, #tpu.memory_space<vmem>>, vector<1000x128xf32>
    %concatenate3A = tpu.concatenate %get3A_8, %get3A_11 in 1 : vector<1000x128xf32>, vector<1000x128xf32> -> vector<1000x256xf32>
    %mul3A = vector.broadcast %select_n3A : vector<1000x1xf32> to vector<1000x256xf32>
    %mul3A_12 = arith.mulf %concatenate3A, %mul3A : vector<1000x256xf32>
    %get3A_13 = arith.constant 0 : index
    %get3A_14 = arith.constant 0 : index
    %get3A_15 = vector.load %arg4[%get3A_13, %get3A_14] : memref<1x256xf32, #tpu.memory_space<vmem>>, vector<1x256xf32>
    %add3A = vector.broadcast %get3A_15 : vector<1x256xf32> to vector<1000x256xf32>
    %add3A_16 = arith.addf %mul3A_12, %add3A : vector<1000x256xf32>
    %swap3A = arith.constant 0 : index
    %swap3A_17 = arith.constant 0 : index
    %swap3A_18 = vector.load %arg5[%swap3A, %swap3A_17] : memref<1000x256xf32, #tpu.memory_space<vmem>>, vector<1000x256xf32>
    tpu.vector_store %arg5[%swap3A, %swap3A_17], %add3A_16 {strides = array<i32>} : memref<1000x256xf32, #tpu.memory_space<vmem>>, vector<1000x256xf32>,
    return
  }
  func.func @transform_0(%arg0: i32) -> (i32, i32) {
    %c0_i32 = arith.constant 0 : i32
    %c0_i32_0 = arith.constant 0 : i32
    return %arg0, %c0_i32 : i32, i32
  }
  func.func @transform_1(%arg0: i32) -> (i32, i32) {
    %add3A = arith.constant 10 : i32
    %add3A_0 = arith.addi %add3A, %arg0 : i32
    %c0_i32 = arith.constant 0 : i32
    %c0_i32_1 = arith.constant 0 : i32
    return %add3A_0, %c0_i32 : i32, i32
  }
  func.func @transform_2(%arg0: i32) -> (i32, i32) {
    %c0_i32 = arith.constant 0 : i32
    %c0_i32_0 = arith.constant 0 : i32
    return %arg0, %c0_i32 : i32, i32
  }
  func.func @transform_3(%arg0: i32) -> (i32, i32) {
    %c0_i32 = arith.constant 0 : i32
    %c0_i32_0 = arith.constant 0 : i32
    %c0_i32_1 = arith.constant 0 : i32
    return %c0_i32, %c0_i32_0 : i32, i32
  }
  func.func @transform_4(%arg0: i32) -> (i32, i32) {
    %c0_i32 = arith.constant 0 : i32
    %c0_i32_0 = arith.constant 0 : i32
    return %arg0, %c0_i32 : i32, i32
  }
}

</mosaic_0001>

<sc_bundles>
// kernel: kernel.10.cloned.1.call-start
scs
__scs_entry_jumppad:
0x0: {  	(pc) =	sbr.rel $0x88, $3  }
0x1: {  	(tag) =	ssettag $0x0;
	lr =	simm.s32 $0x1  }
0x2: {  	[smem:$0x3F99] =	sst lr;
	_ =	strace $0xD0000000  }
0x3: {  	_ = 	snop  }
0x4: {  	_ = 	snop  }
0x5: {  	_ = 	snop  }
0x6: {  	_ = 	snop  }
0x7: {  	_ = 	snop  }
__scs_overlays_trampoline_lowered:
0x8: {  	[smem:$0x3FA8] =	sst s0  }
0x9: {  	[smem:$0x3FA9] =	sst s1  }
0xa: {  	[smem:$0x3FAA] =	sst s2  }
0xb: {  	[smem:$0x3FAB] =	sst s3  }
0xc: {  	[smem:$0x3FAC] =	sst s4  }
0xd: {  	[smem:$0x3FAD] =	sst s5  }
0xe: {  	[smem:$0x3FAE] =	sst s6  }
0xf: {  	[smem:$0x3FAF] =	sst s7  }
0x10: {  	[smem:$0x3FB0] =	sst s8  }
0x11: {  	[smem:$0x3FB1] =	sst s9;
	s0 =	simm.s32 @!p0 $0x0  }
0x12: {  	s1 =	sld [smem:$0x3F97];
	s0 =	simm.s32 @p0 $0x1  }
0x13: {  	[smem:$0x3FB2] =	sst s0;
	s0 =	simm.s32 @!p1 $0x0  }
0x14: {  	s2 =	sld [smem:$0x3F96];
	s0 =	simm.s32 @p1 $0x1  }
0x15: {  	[smem:$0x3FB3] =	sst s0;
	s0 =	simm.s32 @!p2 $0x0  }
0x16: {  	s3 =	sld [smem:$0x3FDB];
	s0 =	simm.s32 @p2 $0x1  }
0x17: {  	s4 =	simm.s32 $0x1BF5;
	[smem:$0x3FB5] =	sst s0  }
0x18: {  	s0 =	sld [smem:$0x3F98];
	_ =	swait.ge [sflag:s4], $0x0  }
0x19: {  	s7 =	sld [smem:$0x3F99]  }
0x1a: {  	s8 =	sadd.s32 $0xFFFFE003, lr  }
0x1b: {  	s9 =	sadd.s32 $0xFFFFFEF7, lr;
	s5 =	simm.s32 $0xFFFFFFFF;
	p2 =	slt.u32 s8, $0xFFFFF086  }
0x1c: {  	p1 =	slt.u32 s9, $0xF7A;
	s5 =	simm.s32 @!p2 $0x0  }
0x1d: {  	s5 =	simm.s32 @p1 $0x1;
	p0 =	seq.s32 s7, s2  }
0x1e: {  	s7 =	smul.u32 @!p0 $0xF7A, s2;
	p2 =	seq.s32 @!p0 s5, $0x0  }
0x1f: {  	s9 =	smul.u32 $0xF7A, s1;
	s8 =	simm.s32 @!p0 $0x1BF5;
	p2 =	por !p2, p0  }
0x20: {  	[sflag:s8] =	ssyncset.s32 @!p0 $0xFFFFF086;
	s6 =	sadd.s32 @!p0 s3, s7;
	s7 =	simm.s32 @!p0 $0x108  }
0x21: {  	s3 =	sadd.s32 s3, s9;
	s6 =	sadd.s32 @!p0 $0x88, s6;
	s7 =	simm.s32 @p2 $0x1082  }
0x22: {  	[simem:s7], [sflag:s8] =	dma.local @!p0 [hbm:s6], $0xF7A  }
0x23: {  	s9 =	sor.u32 $0xD0000000, s2;
	s6 =	simm.s32 $0x108;
	_ =	swait.ge @!p0 [sflag:s8], $0x0  }
0x24: {  	s3 =	sadd.s32 $0x88, s3;
	s6 =	simm.s32 @!p1 $0x1082;
	[sflag:s4] =	ssyncset.s32 $0xFFFFF086  }
0x25: {  	[simem:s6], [sflag:s4] =	dma.local [hbm:s3], $0xF7A  }
0x26: {  	[smem:$0x3F99] =	sst s1;
	(tag) =	ssettag s2;
	_ =	strace s9  }
0x27: {  	s1 =	sld [smem:$0x3FA9]  }
0x28: {  	s2 =	sld [smem:$0x3FAA]  }
0x29: {  	s4 =	sld [smem:$0x3FAC]  }
0x2a: {  	p0 =	seq.s32 s5, $0x0;
	s5 =	sld [smem:$0x3FAD]  }
0x2b: {  	s6 =	sld [smem:$0x3FAE]  }
0x2c: {  	s7 =	sld [smem:$0x3FAF]  }
0x2d: {  	s3 =	simm.s32 $0x108;
	s8 =	sld [smem:$0x3FB0]  }
0x2e: {  	s3 =	simm.s32 @!p0 $0x1082;
	s9 =	sld [smem:$0x3FB1]  }
0x2f: {  	lr =	sadd.s32 s0, s3;
	s0 =	sld [smem:$0x3FA8]  }
0x30: {  	s3 =	sld [smem:$0x3FAB]  }
0x31: {  	[smem:$0x3FB4] =	sst s10  }
0x32: {  	s10 =	sld [smem:$0x3FB2];
	_ =	sdelay $0x3  }
0x33: {  	p0 =	seq.s32 s10, $0x1;
	s10 =	sld [smem:$0x3FB4];
	_ =	sdelay $0x3  }
0x34: {  	[smem:$0x3FB4] =	sst s10  }
0x35: {  	s10 =	sld [smem:$0x3FB3];
	_ =	sdelay $0x3  }
0x36: {  	p1 =	seq.s32 s10, $0x1;
	s10 =	sld [smem:$0x3FB4];
	_ =	sdelay $0x3  }
0x37: {  	[smem:$0x3FB4] =	sst s10  }
0x38: {  	s10 =	sld [smem:$0x3FB5]  }
0x39: {  	_ = 	snop;
	(pc) =	sbr.ind lr, $3  }
0x3a: {  	_ = 	snop  }
0x3b: {  	_ = 	snop  }
0x3c: {  	p2 =	seq.s32 s10, $0x1;
	s10 =	sld [smem:$0x3FB4]  }
0x3d: {  	_ =	shalt  }
0x3e: {  	_ =	shalt  }
0x3f: {  	_ =	shalt  }
0x40: {  	_ =	shalt  }
0x41: {  	_ =	shalt  }
0x42: {  	_ =	shalt  }
0x43: {  	_ =	shalt  }
0x44: {  	_ =	shalt  }
0x45: {  	_ =	shalt  }
0x46: {  	_ =	shalt  }
0x47: {  	_ =	shalt  }
0x48: {  	_ =	shalt  }
0x49: {  	_ =	shalt  }
0x4a: {  	_ =	shalt  }
0x4b: {  	_ =	shalt  }
0x4c: {  	_ =	shalt  }
0x4d: {  	_ =	shalt  }
0x4e: {  	_ =	shalt  }
0x4f: {  	_ =	shalt  }
0x50: {  	_ =	shalt  }
0x51: {  	_ =	shalt  }
0x52: {  	_ =	shalt  }
0x53: {  	_ =	shalt  }
0x54: {  	_ =	shalt  }
0x55: {  	_ =	shalt  }
0x56: {  	_ =	shalt  }
0x57: {  	_ =	shalt  }
0x58: {  	_ =	shalt  }
0x59: {  	_ =	shalt  }
0x5a: {  	_ =	shalt  }
0x5b: {  	_ =	shalt  }
0x5c: {  	_ =	shalt  }
0x5d: {  	_ =	shalt  }
0x5e: {  	_ =	shalt  }
0x5f: {  	_ =	shalt  }
0x60: {  	_ =	shalt  }
0x61: {  	_ =	shalt  }
0x62: {  	_ =	shalt  }
0x63: {  	_ =	shalt  }
0x64: {  	_ =	shalt  }
0x65: {  	_ =	shalt  }
0x66: {  	_ =	shalt  }
0x67: {  	_ =	shalt  }
0x68: {  	_ =	shalt  }
0x69: {  	_ =	shalt  }
0x6a: {  	_ =	shalt  }
0x6b: {  	_ =	shalt  }
0x6c: {  	_ =	shalt  }
0x6d: {  	_ =	shalt  }
0x6e: {  	_ =	shalt  }
0x6f: {  	_ =	shalt  }
0x70: {  	_ =	shalt  }
0x71: {  	_ =	shalt  }
0x72: {  	_ =	shalt  }
0x73: {  	_ =	shalt  }
0x74: {  	_ =	shalt  }
0x75: {  	_ =	shalt  }
0x76: {  	_ =	shalt  }
0x77: {  	_ =	shalt  }
0x78: {  	_ =	shalt  }
0x79: {  	_ =	shalt  }
0x7a: {  	_ =	shalt  }
0x7b: {  	_ =	shalt  }
0x7c: {  	_ =	shalt  }
0x7d: {  	_ =	shalt  }
0x7e: {  	_ =	shalt  }
0x7f: {  	_ =	shalt  }
0x80: {  	_ =	shalt  }
0x81: {  	_ =	shalt  }
0x82: {  	_ =	shalt  }
0x83: {  	_ =	shalt  }
0x84: {  	_ =	shalt  }
0x85: {  	_ =	shalt  }
0x86: {  	_ =	shalt  }
0x87: {  	_ =	shalt  }
.Lfunc_end0:
.L_simem_size_0:
called_computation_lowered:
.L_overlay_start_0:
0x88: {  	s2 =	sld [smem:$0x3FD9]  }
0x89: {  	s3 =	sld [smem:$0x3FFE];
	_ =	sdelay $0x1  }
0x8a: {  	s1 =	srdreg.scid  }
0x8b: {  	s0 =	sand.u32 $0x1, s1  }
0x8c: {  	s17 =	sshll.u32 s0, $0xA;
	s2 =	sadd.s32 s3, s2  }
0x8d: {  	s2 =	sadd.s32 s2, s17  }
0x8e: {  	[smem:$0x3FC0] =	sst s2  }
0x8f: {  	_ = 	snop  }
0x90: {  	s2 =	sld [smem:$0x3FD0];
	(tm) =	ssettm $0x1  }
0x91: {  	s18 =	sld [smem:$0x3FFB];
	_ =	sdelay $0x3  }
0x92: {  	_ =	strace s18  }
0x93: {  	s3 =	sld [smem:$0x3FFC];
	_ =	sdelay $0x3  }
0x94: {  	_ =	strace s3  }
0x95: {  	s3 =	sld [smem:$0x3FFD];
	_ =	sdelay $0x3  }
0x96: {  	_ =	strace s3  }
0x97: {  	_ =	strace $0x8FFFFFFF  }
0x98: {  	s19 =	sld [smem:$0x3FDB];
	_ =	sdelay $0x1  }
0x99: {  	s4 =	simm.s32 $_scs_section_size  }
0x9a: {  	s5 =	simm.s32 $_size__tile_overlayer_lowered;
	s6 =	simm.s32 $_tile_overlayer_lowered  }
0x9b: {  	s22 =	simm.s32 $0x1BFF;
	s21 =	sshll.u32 s6, $0x1;
	s3 =	sadd.s32 s4, s19  }
0x9c: {  	s7 =	simm.s32 $0x0;
	s20 =	sshll.u32 s5, $0x1;
	s5 =	sadd.s32 s21, s3  }
0x9d: {  	[timem:s7], [sflag:s22] =	dma.local [hbm:s5], s20  }
0x9e: {  	_ =	swait.ge [sflag:s22], s20  }
0x9f: {  	s4 =	ssub.s32 $0x0, s20;
	[sflag:s22] =	ssyncset.done $0x0  }
0xa0: {  	[sflag:s22] =	ssyncadd.s32 s4;
	_ =	sdelay $0x1  }
0xa1: {  	s23 =	simm.s32 $0x1B8B  }
0xa2: {  	_ =	swait.ge [sflag:s23], $0x1  }
0xa3: {  	[sflag:s23] =	ssyncset.done $0x0  }
0xa4: {  	s25 =	simm.s32 $0x1B8E;
	s24 =	sld [smem:$0x3FFE];
	[sflag:s23] =	ssyncadd.s32 $0xFFFFFFFF  }
0xa5: {  	s26 =	simm.s32 $execute0_lowered;
	[smem:$0x3FD2] =	sst s25  }
0xa6: {  	s5 =	sshll.u32 s26, $0x1;
	_ =	strace $0x80000046;
	[dreg:$0x1] =	wrdreg $0xFFFFFFFF  }
0xa7: {  	s28 =	simm.s32 $_size_execute0_lowered;
	s3 =	sadd.s32 s3, s5;
	[dreg:$0x0] =	wrdreg $0x0  }
0xa8: {  	s5 =	sshll.u32 s28, $0x1;
	[dreg:$0x2] =	wrdreg s3  }
0xa9: {  	[dreg:$0x3] =	wrdreg s5  }
0xaa: {  	[dreg:$0x4] =	wrdreg $0xC0  }
0xab: {  	_ =	task [dreg:s7], $0x5FFFF  }
0xac: {  	[dreg:$0x1] =	wrdreg $0xFFFFFFFF  }
0xad: {  	[dreg:$0x0] =	wrdreg $0x60  }
0xae: {  	[dreg:$0x2] =	wrdreg s24  }
0xaf: {  	[dreg:$0x3] =	wrdreg s2  }
0xb0: {  	[dreg:$0x4] =	wrdreg $0x70000  }
0xb1: {  	[dreg:$0x5] =	wrdreg $0x9  }
0xb2: {  	_ =	task.clear_ibuf [dreg:s7], $0x6FFFF;
	_ =	strace $0x90000046  }
0xb3: {  	s29 =	simm.s32 $0x9;
	_ =	strace $0x80000048  }
0xb4: {  	_ =	swait.ge [sflag:s29], $0x1  }
0xb5: {  	[sflag:s29] =	ssyncadd.s32 $0xFFFFFFFF  }
0xb6: {  	_ =	strace $0x90000048  }
0xb7: {  	_ =	sfence  }
0xb8: {  	s30 =	sld [smem:$0x0];
	_ =	sdelay $0x2  }
0xb9: {  	s31 =	sshll.u32 s1, $0xD;
	s1 =	sshrl.u32 s1, $0x2  }
0xba: {  	s3 =	sand.u32 $0x4000, s31;
	s1 =	sadd.s32 s1, s30  }
0xbb: {  	s0 =	sor.u32 s3, s0;
	s1 =	sshll.u32 s1, $0x11  }
0xbc: {  	s0 =	sor.u32 s1, s0  }
0xbd: {  	s0 =	sadd.s32 $0x8F2B, s0  }
0xbe: {  	[sflag:s0] =	ssyncadd.remote.s32 $0x1  }
0xbf: {  	_ =	sfence.sel $0xFFFF  }
0xc0: {  	[dreg:$0x0] =	wrdreg $0xFFFFFFFF;
	(pc) =	sbr.abs _section_cstart, $3  }
0xc1: {  	[dreg:$0x1] =	wrdreg $0xFFFFFFFF  }
0xc2: {  	_ =	task.clear_ibuf [dreg:s7], $0x2FFFF;
	_ =	strace $0x9FFFFFFF  }
0xc3: {  	(tm) =	ssettm $0x7FFFFFFF  }
tec
execute0_lowered:
.L_overlay_start_1:
0x0: {  	(tag) =	ssettag $0x1  }
0x1: {  	s4 =	rddreg [dreg:$0x0]  }
0x2: {  	s8 =	rddreg [dreg:$0x1]  }
0x3: {  	s2 =	rddreg [dreg:$0x2]  }
0x4: {  	s0 =	rddreg [dreg:$0x3];
	s1 =	stileid.u32  }
0x5: {  	s3 =	simm.s32 $0x0;
	s6 =	srdreg.scid;
	s13 =	simm.s32 $0x5000  }
0x6: {  	s14 =	simm.s32 $0x40;
	s15 =	simm.s32 $0x80;
	s5 =	smul.u32 $0xA00, s1  }
0x7: {  	s16 =	simm.s32 $0x100;
	s17 =	simm.s32 $0x180;
	s7 =	smul.u32 $0x2800, s1  }
0x8: {  	s19 =	simm.s32 $0x2;
	s20 =	simm.s32 $0x3;
	s10 =	smul.u32 $0x50000, s1  }
0x9: {  	s21 =	simm.s32 $0x4;
	s24 =	simm.s32 $0x0;
	s11 =	smul.u32 $0x4E000, s1  }
0xa: {  	[smem:$0x7FF] =	sst s3;
	s18 =	sand.u32 $0x1, s6;
	s29 =	smul.u32 $0x2700, s1  }
0xb: {  	s23 =	sadd.s32 $0x138000, s2;
	s31 =	sshll.u32 s1, $0x6;
	_ =	strace $0x80000047  }
0xc: {  	s6 =	ssub.s32 $0x2, s18;
	p0 =	sne.s32 s18, $0x0;
	s18 =	simm.s32 $0x1  }
0xd: {  	s5 =	sadd.s32 s5, s4;
	s7 =	sadd.s32 s7, s4;
	s9 =	sshrl.u32 s6, $0x1  }
0xe: {  	s4 =	sadd.s32 $0x11000, s4;
	s28 =	sshrl.u32 s10, $0x2;
	s30 =	sshrl.u32 s11, $0x2  }
0xf: {  	s10 =	simm.s32 $0x5;
	s11 =	sor.u32 $0x1C05, s31;
	p1 =	sne.s32 @!p0 s1, $0xF  }
0x10: {  	s9 =	ssub.s32 s6, s9;
	s5 =	sadd.s32 $0x7000, s5;
	s12 =	sadd.s32 s28, s2  }
0x11: {  	s6 =	sadd.s32 $0x11400, s7;
	s22 =	sadd.s32 s30, s2;
	s7 =	sadd.s32 s8, s29  }
0x12: {  	s8 =	sadd.s32 $0x27000, s8;
	p1 =	por p1, p0;
	s9 =	smax.u32 s9, $0x1  }
0x13: {  	s12 =	sshrl.u32 s12, $0x3;
	s22 =	sshrl.u32 @!p0 s22, $0x3;
	s23 =	sshrl.u32 @!p1 s23, $0x3  }
.LBB2_1:
0x14: {  	[tilespmem:s3], [sflag:$0x5] =	stream.linear.gather [hbm4b:s5+s3], $0x5000, $0x38;
	[tilespmem:$0x1B000] =	vst v63  }
0x15: {  	_ =	swait.ge [sflag:s10], $0x5000  }
0x16: {  	[sflag:s10] =	ssyncset.done $0x0  }
0x17: {  	[sflag:s10] =	ssyncadd.s32 $0xFFFFB000  }
0x18: {  	[spmem:s12], [sflag:s11] =	dma.local [hbm:s6], $0x2800  }
0x19: {  	_ =	swait.ge [sflag:s10], $0x2800  }
0x1a: {  	[sflag:s10] =	ssyncset.done $0x0  }
0x1b: {  	[sflag:s10] =	ssyncadd.s32 $0xFFFFD800  }
0x1c: {  	[tilespmem:s13], [sflag:$0x5] =	stream.linear.gather [hbm4b:s4+s3], $0x2000, $0x38;
	[tilespmem:$0x1B000] =	vst v63  }
0x1d: {  	_ =	swait.ge [sflag:s10], $0x2000  }
0x1e: {  	[sflag:s10] =	ssyncset.done $0x0  }
0x1f: {  	[sflag:s10] =	ssyncadd.s32 $0xFFFFE000  }
0x20: {  	[bflag:$0x0] =	sbarrier.arrive $0xFFFF  }
0x21: {  	[spmem:s2] =	stream.indirect.scatter.add.f32 [tilespmem:s13], [sflag:$0x1], $0x80, s3, s14, $0xb8;
	[tilespmem:$0x1B000] =	vst v63  }
0x22: {  	_ = 	snop  }
0x23: {  	[spmem:s2] =	stream.indirect.scatter.add.f32 [tilespmem:s13], [sflag:$0x2], $0x80, s15, s14, $0xb8;
	[tilespmem:$0x1B000] =	vst v63  }
0x24: {  	_ = 	snop  }
0x25: {  	[spmem:s2] =	stream.indirect.scatter.add.f32 [tilespmem:s13], [sflag:$0x3], $0x80, s16, s14, $0xb8;
	[tilespmem:$0x1B000] =	vst v63  }
0x26: {  	_ = 	snop  }
0x27: {  	[spmem:s2] =	stream.indirect.scatter.add.f32 [tilespmem:s13], [sflag:$0x4], $0x80, s17, s14, $0xb8;
	[tilespmem:$0x1B000] =	vst v63  }
0x28: {  	_ =	swait.ge [sflag:s18], $0x2000  }
0x29: {  	[sflag:s18] =	ssyncset.done $0x0  }
0x2a: {  	s25 =	simm.s32 $0x200;
	[sflag:s18] =	ssyncadd.s32 $0xFFFFE000  }
0x2b: {  	[spmem:s2] =	stream.indirect.scatter.add.f32 [tilespmem:s13], [sflag:$0x1], $0x80, s25, s14, $0xb8;
	[tilespmem:$0x1B000] =	vst v63  }
0x2c: {  	_ =	swait.ge [sflag:s19], $0x2000  }
0x2d: {  	[sflag:s19] =	ssyncset.done $0x0  }
0x2e: {  	s30 =	simm.s32 $0x280;
	[sflag:s19] =	ssyncadd.s32 $0xFFFFE000  }
0x2f: {  	[spmem:s2] =	stream.indirect.scatter.add.f32 [tilespmem:s13], [sflag:$0x2], $0x80, s30, s14, $0xb8;
	[tilespmem:$0x1B000] =	vst v63  }
0x30: {  	_ =	swait.ge [sflag:s20], $0x2000  }
0x31: {  	[sflag:s20] =	ssyncset.done $0x0  }
0x32: {  	s31 =	simm.s32 $0x300;
	[sflag:s20] =	ssyncadd.s32 $0xFFFFE000  }
0x33: {  	[spmem:s2] =	stream.indirect.scatter.add.f32 [tilespmem:s13], [sflag:$0x3], $0x80, s31, s14, $0xb8;
	[tilespmem:$0x1B000] =	vst v63  }
0x34: {  	_ =	swait.ge [sflag:s21], $0x2000  }
0x35: {  	[sflag:s21] =	ssyncset.done $0x0  }
0x36: {  	s26 =	simm.s32 $0x380;
	s25 =	simm.s32 $0xFFFED000;
	[sflag:s21] =	ssyncadd.s32 $0xFFFFE000  }
.LBB2_2:
0x37: {  	[spmem:s2] =	stream.indirect.scatter.add.f32 [tilespmem:s13], [sflag:$0x4], $0x80, s26, s14, $0xb8;
	[tilespmem:$0x1B000] =	vst v63  }
0x38: {  	s26 =	smov.u32 s25  }
0x39: {  	p2 =	sne.s32 s25, $0xFFFFF800;
	s25 =	sadd.s32 $0x800, s25;
	_ =	swait.ge [sflag:s18], $0x2000  }
0x3a: {  	s26 =	sshra.s32 s26, $0x2;
	[sflag:s18] =	ssyncset.done $0x0  }
0x3b: {  	s28 =	sadd.s32 $0x5000, s26;
	[sflag:s18] =	ssyncadd.s32 $0xFFFFE000  }
0x3c: {  	[spmem:s2] =	stream.indirect.scatter.add.f32 [tilespmem:s13], [sflag:$0x1], $0x80, s28, s14, $0xb8;
	[tilespmem:$0x1B000] =	vst v63  }
0x3d: {  	_ =	swait.ge [sflag:s19], $0x2000  }
0x3e: {  	[sflag:s19] =	ssyncset.done $0x0  }
0x3f: {  	s28 =	sadd.s32 $0x5080, s26;
	[sflag:s19] =	ssyncadd.s32 $0xFFFFE000  }
0x40: {  	[spmem:s2] =	stream.indirect.scatter.add.f32 [tilespmem:s13], [sflag:$0x2], $0x80, s28, s14, $0xb8;
	[tilespmem:$0x1B000] =	vst v63  }
0x41: {  	_ =	swait.ge [sflag:s20], $0x2000  }
0x42: {  	[sflag:s20] =	ssyncset.done $0x0  }
.Ltmp0:
0x43: {  	s28 =	sadd.s32 $0x5100, s26;
	[sflag:s20] =	ssyncadd.s32 $0xFFFFE000;
	(pc) =	sbr.rel @p2 .LBB2_2-.Ltmp0, $4  }
0x44: {  	[spmem:s2] =	stream.indirect.scatter.add.f32 [tilespmem:s13], [sflag:$0x3], $0x80, s28, s14, $0xb8;
	[tilespmem:$0x1B000] =	vst v63  }
0x45: {  	_ =	swait.ge [sflag:s21], $0x2000  }
0x46: {  	[sflag:s21] =	ssyncset.done $0x0  }
0x47: {  	s26 =	sadd.s32 $0x5180, s26;
	[sflag:s21] =	ssyncadd.s32 $0xFFFFE000  }
0x48: {  	[spmem:s2] =	stream.indirect.scatter.add.f32 [tilespmem:s13], [sflag:$0x4], $0x80, s26, s14, $0xb8;
	[tilespmem:$0x1B000] =	vst v63  }
0x49: {  	_ =	swait.ge [sflag:s18], $0x2000  }
0x4a: {  	[sflag:s18] =	ssyncset.done $0x0  }
0x4b: {  	[sflag:s18] =	ssyncadd.s32 $0xFFFFE000  }
0x4c: {  	_ =	swait.ge [sflag:s19], $0x2000  }
0x4d: {  	[sflag:s19] =	ssyncset.done $0x0  }
0x4e: {  	[sflag:s19] =	ssyncadd.s32 $0xFFFFE000  }
0x4f: {  	_ =	swait.ge [sflag:s20], $0x2000  }
0x50: {  	[sflag:s20] =	ssyncset.done $0x0  }
0x51: {  	[sflag:s20] =	ssyncadd.s32 $0xFFFFE000  }
0x52: {  	_ =	swait.ge [sflag:s21], $0x2000  }
0x53: {  	[sflag:s21] =	ssyncset.done $0x0  }
0x54: {  	[sflag:s21] =	ssyncadd.s32 $0xFFFFE000  }
0x55: {  	s25 =	simm.s32 @!p0 $0x5;
	[bflag:$0x0] =	sbarrier.arrive $0xFFFF  }
0x56: {  	[hbm:s7], [sflag:s11] =	dma.local @!p0 [spmem:s22], $0x2700  }
0x57: {  	s24 =	sadd.s32 $0x1, s24;
	_ =	swait.ge @!p0 [sflag:s25], $0x2700  }
0x58: {  	p2 =	sne.s32 s24, s9;
	[sflag:s25] =	ssyncset.done @!p0 $0x0  }
.Ltmp1:
0x59: {  	[sflag:s25] =	ssyncadd.s32 @!p0 $0xFFFFD900;
	s25 =	simm.s32 @!p1 $0x5;
	(pc) =	sbr.rel @p2 .LBB2_1-.Ltmp1, $4  }
0x5a: {  	[hbm:s8], [sflag:s11] =	dma.local @!p1 [spmem:s23], $0x100  }
0x5b: {  	_ =	swait.ge @!p1 [sflag:s25], $0x100  }
0x5c: {  	[sflag:s25] =	ssyncset.done @!p1 $0x0  }
0x5d: {  	[sflag:s25] =	ssyncadd.s32 @!p1 $0xFFFFFF00  }
0x5e: {  	_ =	sfence.sel $0x180000  }
0x5f: {  	[bflag:$0x0] =	sbarrier.arrive $0xFFFF  }
0x60: {  	p0 =	sne.s32 s1, $0x0;
	_ =	strace $0x90000047  }
0x61: {  	s0 =	sadd.s32 @!p0 $0x100000, s0;
	[bflag:$0x2] =	sbarrier.arrive $0xFFFF  }
0x62: {  	[sflag:s0] =	ssyncadd.tile.s32 @!p0 $0x1;
	_ =	shalt  }
.Lfunc_end2:
_tile_overlayer_lowered:
.L_overlay_start_2:
0x63: {  	(tag) =	ssettag $0x2  }
0x64: {  	s0 =	rddreg [dreg:$0x0];
	s2 =	stileid.u32  }
0x65: {  	s1 =	rddreg [dreg:$0x1];
	p0 =	sne.s32 s2, $0x0  }
0x66: {  	s3 =	rddreg [dreg:$0x2];
	[bflag:$0x3] =	sbarrier.arrive $0xFFFF;
	s2 =	simm.s32 @!p0 $0x1C05  }
0x67: {  	[timem:s3], [sflag:s2] =	dma.local @!p0 [hbm:s0], s1  }
0x68: {  	s0 =	simm.s32 @!p0 $0x5  }
0x69: {  	_ =	swait.ge @!p0 [sflag:s0], s1  }
0x6a: {  	s1 =	ssub.s32 @!p0 $0x0, s1;
	[sflag:s0] =	ssyncset.done @!p0 $0x0  }
0x6b: {  	[sflag:s0] =	ssyncadd.s32 @!p0 s1  }
0x6c: {  	[bflag:$0x3] =	sbarrier.arrive $0xFFFF  }
0x6d: {  	_ =	shalt  }

// kernel: kernel.13.cloned.1.call-start
scs
__scs_entry_jumppad:
0x0: {  	(pc) =	sbr.rel $0x88, $3  }
0x1: {  	(tag) =	ssettag $0x0;
	lr =	simm.s32 $0x1  }
0x2: {  	[smem:$0x3F99] =	sst lr;
	_ =	strace $0xD0000000  }
0x3: {  	_ = 	snop  }
0x4: {  	_ = 	snop  }
0x5: {  	_ = 	snop  }
0x6: {  	_ = 	snop  }
0x7: {  	_ = 	snop  }
__scs_overlays_trampoline_lowered:
0x8: {  	[smem:$0x3FA8] =	sst s0  }
0x9: {  	[smem:$0x3FA9] =	sst s1  }
0xa: {  	[smem:$0x3FAA] =	sst s2  }
0xb: {  	[smem:$0x3FAB] =	sst s3  }
0xc: {  	[smem:$0x3FAC] =	sst s4  }
0xd: {  	[smem:$0x3FAD] =	sst s5  }
0xe: {  	[smem:$0x3FAE] =	sst s6  }
0xf: {  	[smem:$0x3FAF] =	sst s7  }
0x10: {  	[smem:$0x3FB0] =	sst s8  }
0x11: {  	[smem:$0x3FB1] =	sst s9;
	s0 =	simm.s32 @!p0 $0x0  }
0x12: {  	s1 =	sld [smem:$0x3F97];
	s0 =	simm.s32 @p0 $0x1  }
0x13: {  	[smem:$0x3FB2] =	sst s0;
	s0 =	simm.s32 @!p1 $0x0  }
0x14: {  	s2 =	sld [smem:$0x3F96];
	s0 =	simm.s32 @p1 $0x1  }
0x15: {  	[smem:$0x3FB3] =	sst s0;
	s0 =	simm.s32 @!p2 $0x0  }
0x16: {  	s3 =	sld [smem:$0x3FDB];
	s0 =	simm.s32 @p2 $0x1  }
0x17: {  	s4 =	simm.s32 $0x1BF5;
	[smem:$0x3FB5] =	sst s0  }
0x18: {  	s0 =	sld [smem:$0x3F98];
	_ =	swait.ge [sflag:s4], $0x0  }
0x19: {  	s7 =	sld [smem:$0x3F99]  }
0x1a: {  	s8 =	sadd.s32 $0xFFFFE003, lr  }
0x1b: {  	s9 =	sadd.s32 $0xFFFFFEF7, lr;
	s5 =	simm.s32 $0xFFFFFFFF;
	p2 =	slt.u32 s8, $0xFFFFF086  }
0x1c: {  	p1 =	slt.u32 s9, $0xF7A;
	s5 =	simm.s32 @!p2 $0x0  }
0x1d: {  	s5 =	simm.s32 @p1 $0x1;
	p0 =	seq.s32 s7, s2  }
0x1e: {  	s7 =	smul.u32 @!p0 $0xF7A, s2;
	p2 =	seq.s32 @!p0 s5, $0x0  }
0x1f: {  	s9 =	smul.u32 $0xF7A, s1;
	s8 =	simm.s32 @!p0 $0x1BF5;
	p2 =	por !p2, p0  }
0x20: {  	[sflag:s8] =	ssyncset.s32 @!p0 $0xFFFFF086;
	s6 =	sadd.s32 @!p0 s3, s7;
	s7 =	simm.s32 @!p0 $0x108  }
0x21: {  	s3 =	sadd.s32 s3, s9;
	s6 =	sadd.s32 @!p0 $0x88, s6;
	s7 =	simm.s32 @p2 $0x1082  }
0x22: {  	[simem:s7], [sflag:s8] =	dma.local @!p0 [hbm:s6], $0xF7A  }
0x23: {  	s9 =	sor.u32 $0xD0000000, s2;
	s6 =	simm.s32 $0x108;
	_ =	swait.ge @!p0 [sflag:s8], $0x0  }
0x24: {  	s3 =	sadd.s32 $0x88, s3;
	s6 =	simm.s32 @!p1 $0x1082;
	[sflag:s4] =	ssyncset.s32 $0xFFFFF086  }
0x25: {  	[simem:s6], [sflag:s4] =	dma.local [hbm:s3], $0xF7A  }
0x26: {  	[smem:$0x3F99] =	sst s1;
	(tag) =	ssettag s2;
	_ =	strace s9  }
0x27: {  	s1 =	sld [smem:$0x3FA9]  }
0x28: {  	s2 =	sld [smem:$0x3FAA]  }
0x29: {  	s4 =	sld [smem:$0x3FAC]  }
0x2a: {  	p0 =	seq.s32 s5, $0x0;
	s5 =	sld [smem:$0x3FAD]  }
0x2b: {  	s6 =	sld [smem:$0x3FAE]  }
0x2c: {  	s7 =	sld [smem:$0x3FAF]  }
0x2d: {  	s3 =	simm.s32 $0x108;
	s8 =	sld [smem:$0x3FB0]  }
0x2e: {  	s3 =	simm.s32 @!p0 $0x1082;
	s9 =	sld [smem:$0x3FB1]  }
0x2f: {  	lr =	sadd.s32 s0, s3;
	s0 =	sld [smem:$0x3FA8]  }
0x30: {  	s3 =	sld [smem:$0x3FAB]  }
0x31: {  	[smem:$0x3FB4] =	sst s10  }
0x32: {  	s10 =	sld [smem:$0x3FB2];
	_ =	sdelay $0x3  }
0x33: {  	p0 =	seq.s32 s10, $0x1;
	s10 =	sld [smem:$0x3FB4];
	_ =	sdelay $0x3  }
0x34: {  	[smem:$0x3FB4] =	sst s10  }
0x35: {  	s10 =	sld [smem:$0x3FB3];
	_ =	sdelay $0x3  }
0x36: {  	p1 =	seq.s32 s10, $0x1;
	s10 =	sld [smem:$0x3FB4];
	_ =	sdelay $0x3  }
0x37: {  	[smem:$0x3FB4] =	sst s10  }
0x38: {  	s10 =	sld [smem:$0x3FB5]  }
0x39: {  	_ = 	snop;
	(pc) =	sbr.ind lr, $3  }
0x3a: {  	_ = 	snop  }
0x3b: {  	_ = 	snop  }
0x3c: {  	p2 =	seq.s32 s10, $0x1;
	s10 =	sld [smem:$0x3FB4]  }
0x3d: {  	_ =	shalt  }
0x3e: {  	_ =	shalt  }
0x3f: {  	_ =	shalt  }
0x40: {  	_ =	shalt  }
0x41: {  	_ =	shalt  }
0x42: {  	_ =	shalt  }
0x43: {  	_ =	shalt  }
0x44: {  	_ =	shalt  }
0x45: {  	_ =	shalt  }
0x46: {  	_ =	shalt  }
0x47: {  	_ =	shalt  }
0x48: {  	_ =	shalt  }
0x49: {  	_ =	shalt  }
0x4a: {  	_ =	shalt  }
0x4b: {  	_ =	shalt  }
0x4c: {  	_ =	shalt  }
0x4d: {  	_ =	shalt  }
0x4e: {  	_ =	shalt  }
0x4f: {  	_ =	shalt  }
0x50: {  	_ =	shalt  }
0x51: {  	_ =	shalt  }
0x52: {  	_ =	shalt  }
0x53: {  	_ =	shalt  }
0x54: {  	_ =	shalt  }
0x55: {  	_ =	shalt  }
0x56: {  	_ =	shalt  }
0x57: {  	_ =	shalt  }
0x58: {  	_ =	shalt  }
0x59: {  	_ =	shalt  }
0x5a: {  	_ =	shalt  }
0x5b: {  	_ =	shalt  }
0x5c: {  	_ =	shalt  }
0x5d: {  	_ =	shalt  }
0x5e: {  	_ =	shalt  }
0x5f: {  	_ =	shalt  }
0x60: {  	_ =	shalt  }
0x61: {  	_ =	shalt  }
0x62: {  	_ =	shalt  }
0x63: {  	_ =	shalt  }
0x64: {  	_ =	shalt  }
0x65: {  	_ =	shalt  }
0x66: {  	_ =	shalt  }
0x67: {  	_ =	shalt  }
0x68: {  	_ =	shalt  }
0x69: {  	_ =	shalt  }
0x6a: {  	_ =	shalt  }
0x6b: {  	_ =	shalt  }
0x6c: {  	_ =	shalt  }
0x6d: {  	_ =	shalt  }
0x6e: {  	_ =	shalt  }
0x6f: {  	_ =	shalt  }
0x70: {  	_ =	shalt  }
0x71: {  	_ =	shalt  }
0x72: {  	_ =	shalt  }
0x73: {  	_ =	shalt  }
0x74: {  	_ =	shalt  }
0x75: {  	_ =	shalt  }
0x76: {  	_ =	shalt  }
0x77: {  	_ =	shalt  }
0x78: {  	_ =	shalt  }
0x79: {  	_ =	shalt  }
0x7a: {  	_ =	shalt  }
0x7b: {  	_ =	shalt  }
0x7c: {  	_ =	shalt  }
0x7d: {  	_ =	shalt  }
0x7e: {  	_ =	shalt  }
0x7f: {  	_ =	shalt  }
0x80: {  	_ =	shalt  }
0x81: {  	_ =	shalt  }
0x82: {  	_ =	shalt  }
0x83: {  	_ =	shalt  }
0x84: {  	_ =	shalt  }
0x85: {  	_ =	shalt  }
0x86: {  	_ =	shalt  }
0x87: {  	_ =	shalt  }
.Lfunc_end0:
.L_simem_size_0:
called_computation.1_lowered:
.L_overlay_start_0:
0x88: {  	s2 =	sld [smem:$0x3FD9]  }
0x89: {  	s3 =	sld [smem:$0x3FFE];
	_ =	sdelay $0x1  }
0x8a: {  	s1 =	srdreg.scid  }
0x8b: {  	s0 =	sand.u32 $0x1, s1  }
0x8c: {  	s17 =	sshll.u32 s0, $0xA;
	s2 =	sadd.s32 s3, s2  }
0x8d: {  	s2 =	sadd.s32 s2, s17  }
0x8e: {  	[smem:$0x3FC0] =	sst s2  }
0x8f: {  	_ = 	snop  }
0x90: {  	s2 =	sld [smem:$0x3FD0];
	(tm) =	ssettm $0x1  }
0x91: {  	s18 =	sld [smem:$0x3FFB];
	_ =	sdelay $0x3  }
0x92: {  	_ =	strace s18  }
0x93: {  	s3 =	sld [smem:$0x3FFC];
	_ =	sdelay $0x3  }
0x94: {  	_ =	strace s3  }
0x95: {  	s3 =	sld [smem:$0x3FFD];
	_ =	sdelay $0x3  }
0x96: {  	_ =	strace s3  }
0x97: {  	_ =	strace $0x8FFFFFFF  }
0x98: {  	s19 =	sld [smem:$0x3FDB];
	_ =	sdelay $0x1  }
0x99: {  	s4 =	simm.s32 $_scs_section_size  }
0x9a: {  	s5 =	simm.s32 $_size__tile_overlayer_lowered;
	s6 =	simm.s32 $_tile_overlayer_lowered  }
0x9b: {  	s22 =	simm.s32 $0x1BFF;
	s21 =	sshll.u32 s6, $0x1;
	s3 =	sadd.s32 s4, s19  }
0x9c: {  	s7 =	simm.s32 $0x0;
	s20 =	sshll.u32 s5, $0x1;
	s5 =	sadd.s32 s21, s3  }
0x9d: {  	[timem:s7], [sflag:s22] =	dma.local [hbm:s5], s20  }
0x9e: {  	_ =	swait.ge [sflag:s22], s20  }
0x9f: {  	s4 =	ssub.s32 $0x0, s20;
	[sflag:s22] =	ssyncset.done $0x0  }
0xa0: {  	[sflag:s22] =	ssyncadd.s32 s4;
	_ =	sdelay $0x1  }
0xa1: {  	s23 =	simm.s32 $0x1B8B  }
0xa2: {  	_ =	swait.ge [sflag:s23], $0x1  }
0xa3: {  	[sflag:s23] =	ssyncset.done $0x0  }
0xa4: {  	s25 =	simm.s32 $0x1B8E;
	s24 =	sld [smem:$0x3FFE];
	[sflag:s23] =	ssyncadd.s32 $0xFFFFFFFF  }
0xa5: {  	s26 =	simm.s32 $execute0_lowered;
	[smem:$0x3FD2] =	sst s25  }
0xa6: {  	s5 =	sshll.u32 s26, $0x1;
	_ =	strace $0x80000049;
	[dreg:$0x1] =	wrdreg $0xFFFFFFFF  }
0xa7: {  	s28 =	simm.s32 $_size_execute0_lowered;
	s3 =	sadd.s32 s3, s5;
	[dreg:$0x0] =	wrdreg $0x0  }
0xa8: {  	s5 =	sshll.u32 s28, $0x1;
	[dreg:$0x2] =	wrdreg s3  }
0xa9: {  	[dreg:$0x3] =	wrdreg s5  }
0xaa: {  	[dreg:$0x4] =	wrdreg $0xC0  }
0xab: {  	_ =	task [dreg:s7], $0x5FFFF  }
0xac: {  	[dreg:$0x1] =	wrdreg $0xFFFFFFFF  }
0xad: {  	[dreg:$0x0] =	wrdreg $0x60  }
0xae: {  	[dreg:$0x2] =	wrdreg s2  }
0xaf: {  	[dreg:$0x3] =	wrdreg s24  }
0xb0: {  	[dreg:$0x4] =	wrdreg $0xAA000  }
0xb1: {  	[dreg:$0x5] =	wrdreg $0x9  }
0xb2: {  	_ =	task.clear_ibuf [dreg:s7], $0x6FFFF;
	_ =	strace $0x90000049  }
0xb3: {  	s29 =	simm.s32 $0x9;
	_ =	strace $0x8000004B  }
0xb4: {  	_ =	swait.ge [sflag:s29], $0x1  }
0xb5: {  	[sflag:s29] =	ssyncadd.s32 $0xFFFFFFFF  }
0xb6: {  	_ =	strace $0x9000004B  }
0xb7: {  	_ =	sfence  }
0xb8: {  	s30 =	sld [smem:$0x0];
	_ =	sdelay $0x2  }
0xb9: {  	s31 =	sshll.u32 s1, $0xD;
	s1 =	sshrl.u32 s1, $0x2  }
0xba: {  	s3 =	sand.u32 $0x4000, s31;
	s1 =	sadd.s32 s1, s30  }
0xbb: {  	s0 =	sor.u32 s3, s0;
	s1 =	sshll.u32 s1, $0x11  }
0xbc: {  	s0 =	sor.u32 s1, s0  }
0xbd: {  	s0 =	sadd.s32 $0x8F2B, s0  }
0xbe: {  	[sflag:s0] =	ssyncadd.remote.s32 $0x1  }
0xbf: {  	_ =	sfence.sel $0xFFFF  }
0xc0: {  	[dreg:$0x0] =	wrdreg $0xFFFFFFFF;
	(pc) =	sbr.abs _section_cstart, $3  }
0xc1: {  	[dreg:$0x1] =	wrdreg $0xFFFFFFFF  }
0xc2: {  	_ =	task.clear_ibuf [dreg:s7], $0x2FFFF;
	_ =	strace $0x9FFFFFFF  }
0xc3: {  	(tm) =	ssettm $0x7FFFFFFF  }
tec
execute0_lowered:
.L_overlay_start_1:
0x0: {  	(tag) =	ssettag $0x1  }
0x1: {  	s1 =	rddreg [dreg:$0x0]  }
0x2: {  	s0 =	srdreg.scid;
	s16 =	stileid.u32  }
0x3: {  	s2 =	rddreg [dreg:$0x1];
	s5 =	smul.u32 $0x2800, s16  }
0x4: {  	s3 =	rddreg [dreg:$0x2];
	s4 =	simm.s32 $0x0;
	s11 =	smul.u32 $0x50000, s16  }
0x5: {  	s28 =	simm.s32 $0x2980;
	s29 =	simm.s32 $0x8A00;
	s14 =	smul.u32 $0x4E000, s16  }
0x6: {  	s30 =	simm.s32 $0x1;
	s31 =	simm.s32 $0x5;
	s12 =	smul.u32 $0x2700, s16  }
0x7: {  	s0 =	sand.u32 $0x1, s0;
	[smem:$0x7FF] =	sst s4;
	s21 =	smul.u32 $0x500, s16  }
0x8: {  	s7 =	sadd.s32 $0x2000, s2;
	s24 =	sshll.u32 s16, $0x6;
	s6 =	smul.u32 $0x28000, s0  }
0x9: {  	p0 =	sne.s32 s16, $0xF;
	_ =	strace $0x8000004A;
	s17 =	smul.u32 $0x27100, s0  }
0xa: {  	s8 =	ssub.s32 $0x2, s0;
	s0 =	smul.u32 $0x138800, s0;
	s9 =	sadd.s32 s5, s2  }
0xb: {  	s10 =	sshrl.u32 s8, $0x1;
	s15 =	sshrl.u32 s11, $0x2;
	s19 =	sshrl.u32 s14, $0x2  }
0xc: {  	s22 =	sadd.s32 s21, s7;
	s14 =	simm.s32 $0xD;
	s21 =	simm.s32 $0x8  }
0xd: {  	s6 =	sadd.s32 s5, s6;
	s8 =	ssub.s32 s8, s10;
	s5 =	sshrl.u32 s5, $0x3  }
0xe: {  	s9 =	sadd.s32 $0x11400, s9;
	s20 =	sadd.s32 s12, s17;
	s0 =	sshrl.u32 s0, $0x3  }
0xf: {  	s13 =	sadd.s32 $0x18, s22;
	s17 =	simm.s32 $0x2800;
	s22 =	simm.s32 $0x2900  }
0x10: {  	s6 =	sshrl.u32 s6, $0x3;
	[dreg:$0x5] =	wrdreg s9;
	s5 =	sadd.s32 s7, s5  }
0x11: {  	s23 =	smax.u32 s8, $0x1;
	s6 =	sadd.s32 s6, s2;
	[dreg:$0x6] =	wrdreg s5  }
0x12: {  	s2 =	sadd.s32 $0x43400, s2;
	s18 =	sadd.s32 $0x8, s5;
	[dreg:$0xb] =	wrdreg s23  }
0x13: {  	s5 =	sadd.s32 $0x10, s5;
	s6 =	sadd.s32 $0x39400, s6;
	[dreg:$0x7] =	wrdreg s18  }
0x14: {  	[dreg:$0x8] =	wrdreg s5;
	s5 =	sadd.s32 s19, s3;
	s9 =	sadd.s32 s2, s20  }
0x15: {  	s0 =	sadd.s32 s2, s0;
	s2 =	sadd.s32 $0x138000, s3;
	s18 =	simm.s32 $0x40  }
0x16: {  	s19 =	simm.s32 $0x2A00;
	s20 =	simm.s32 $0x4;
	[dreg:$0x4] =	wrdreg s6  }
0x17: {  	s6 =	sadd.s32 s15, s3;
	[dreg:$0x9] =	wrdreg s9;
	s0 =	sadd.s32 $0x27000, s0  }
0x18: {  	s15 =	sor.u32 $0x1C0D, s24;
	s26 =	sshrl.u32 s5, $0x3;
	[dreg:$0xa] =	wrdreg s0  }
0x19: {  	s9 =	simm.s32 $0x0;
	s25 =	sshrl.u32 s6, $0x3;
	[dreg:$0xd] =	wrdreg s26  }
0x1a: {  	s0 =	sshrl.u32 @!p0 s2, $0x3;
	s26 =	simm.s32 $0x6A00;
	[dreg:$0xc] =	wrdreg s25  }
0x1b: {  	s2 =	simm.s32 $0x3;
	[dreg:$0xe] =	wrdreg s0;
	s0 =	simm.s32 $0x7  }
.LBB2_1:
0x1c: {  	s5 =	rddreg [dreg:$0x4]  }
0x1d: {  	[tilespmem:s4], [sflag:$0xD] =	stream.linear.gather [hbm4b:s5+s4], $0x2800, $0x38;
	[tilespmem:$0x1EA00] =	vst v63  }
0x1e: {  	_ =	swait.ge [sflag:s14], $0x2800  }
0x1f: {  	[sflag:s14] =	ssyncset.done $0x0;
	s8 =	rddreg [dreg:$0x5]  }
0x20: {  	s6 =	rddreg [dreg:$0xc];
	[sflag:s14] =	ssyncadd.s32 $0xFFFFD800  }
0x21: {  	[spmem:s6], [sflag:s15] =	dma.local [hbm:s8], $0x2800  }
0x22: {  	_ =	swait.ge [sflag:s14], $0x2800  }
0x23: {  	[sflag:s14] =	ssyncset.done $0x0  }
0x24: {  	s10 =	rddreg [dreg:$0x6];
	[sflag:s14] =	ssyncadd.s32 $0xFFFFD800  }
0x25: {  	[tilespmem:s17], [sflag:$0x5] =	stream.linear.gather [hbm4b:s10+s4], $0x40, $0x38;
	[tilespmem:$0x1EA00] =	vst v63  }
0x26: {  	_ = 	snop  }
0x27: {  	[tilespmem:s19], [sflag:$0x1] =	stream.indirect.gather [hbm4b:s1+s18], $0x80, s4, s18, $0xb8;
	[tilespmem:$0x1EA00] =	vst v63  }
0x28: {  	s12 =	simm.s32 $0x2880;
	s11 =	rddreg [dreg:$0x7]  }
0x29: {  	[tilespmem:s12], [sflag:$0x6] =	stream.linear.gather [hbm4b:s11+s4], $0x40, $0x38;
	[tilespmem:$0x1EA00] =	vst v63  }
0x2a: {  	s16 =	simm.s32 $0x4A00  }
0x2b: {  	[tilespmem:s16], [sflag:$0x2] =	stream.indirect.gather [hbm4b:s1+s18], $0x80, s18, s18, $0xb8;
	[tilespmem:$0x1EA00] =	vst v63  }
0x2c: {  	p1 =	por $0x1, $0x1;
	s23 =	rddreg [dreg:$0x8]  }
0x2d: {  	[tilespmem:s22], [sflag:$0x7] =	stream.linear.gather [hbm4b:s23+s4], $0x40, $0x38;
	[tilespmem:$0x1EA00] =	vst v63  }
0x2e: {  	s24 =	simm.s32 $0x80;
	p1 =	por p1, p1  }
0x2f: {  	[tilespmem:s26], [sflag:$0x3] =	stream.indirect.gather [hbm4b:s1+s18], $0x80, s24, s18, $0xb8;
	[tilespmem:$0x1EA00] =	vst v63  }
0x30: {  	s7 =	simm.s32 @!p1 $0xC;
	[bflag:$0x0] =	sbarrier.arrive $0xFFFF  }
0x31: {  	_ =	swait.ge @!p1 [sflag:s7], $0x2000  }
0x32: {  	[sflag:s7] =	ssyncset.done @!p1 $0x0  }
0x33: {  	[sflag:s7] =	ssyncadd.s32 @!p1 $0xFFFFE000  }
0x34: {  	[tilespmem:s28], [sflag:$0x8] =	stream.linear.gather [hbm4b:s13+s4], $0x40, $0x38;
	[tilespmem:$0x1EA00] =	vst v63  }
0x35: {  	s25 =	simm.s32 $0xC0  }
0x36: {  	[tilespmem:s29], [sflag:$0x4] =	stream.indirect.gather [hbm4b:s1+s18], $0x80, s25, s18, $0xb8;
	[tilespmem:$0x1EA00] =	vst v63  }
0x37: {  	_ =	swait.ge [sflag:s30], $0x2000  }
0x38: {  	[sflag:s30] =	ssyncset.done $0x0  }
0x39: {  	[sflag:s30] =	ssyncadd.s32 $0xFFFFE000  }
0x3a: {  	_ =	swait.ge [sflag:s31], $0x40  }
0x3b: {  	p1 =	por $0x0, $0x0;
	[sflag:s31] =	ssyncset.done $0x0  }
0x3c: {  	s7 =	simm.s32 @p1 $0x2;
	[sflag:s31] =	ssyncadd.s32 $0xFFFFFFC0  }
0x3d: {  	[spmem:s3] =	stream.indirect.scatter.add.f32 [tilespmem:s19], [sflag:$0x9], $0x80, s17, s18, $0xb8;
	[tilespmem:$0x1EA00] =	vst v63  }
0x3e: {  	_ =	swait.ge @p1 [sflag:s7], $0x2000  }
0x3f: {  	[sflag:s7] =	ssyncset.done @p1 $0x0  }
0x40: {  	s10 =	simm.s32 @p1 $0x6;
	[sflag:s7] =	ssyncadd.s32 @p1 $0xFFFFE000  }
0x41: {  	_ =	swait.ge @p1 [sflag:s10], $0x40  }
0x42: {  	s11 =	simm.s32 @p1 $0x40;
	s12 =	simm.s32 @p1 $0x2880;
	[sflag:s10] =	ssyncset.done @p1 $0x0  }
0x43: {  	s7 =	simm.s32 @p1 $0x4A00;
	[sflag:s10] =	ssyncadd.s32 @p1 $0xFFFFFFC0;
	s10 =	simm.s32 @!p1 $0x9  }
0x44: {  	[spmem:s3] =	stream.indirect.scatter.add.f32 @p1 [tilespmem:s7], [sflag:$0xA], $0x80, s12, s11, $0xb8;
	[tilespmem:$0x1EA00] =	vst v63  }
0x45: {  	_ =	swait.ge @!p1 [sflag:s10], $0x2000  }
0x46: {  	s16 =	simm.s32 @!p1 $0x0;
	s7 =	simm.s32 @!p1 $0x100;
	[sflag:s10] =	ssyncset.done @!p1 $0x0  }
0x47: {  	s11 =	simm.s32 @!p1 $0x2800;
	s12 =	sadd.s32 @!p1 $0x8, s13;
	[sflag:s10] =	ssyncadd.s32 @!p1 $0xFFFFE000  }
0x48: {  	[tilespmem:s11], [sflag:$0x5] =	stream.linear.gather @!p1 [hbm4b:s12+s16], $0x40, $0x38;
	[tilespmem:$0x1EA00] =	vst v63  }
0x49: {  	s10 =	simm.s32 @!p1 $0x40;
	s11 =	simm.s32 @!p1 $0x2A00;
	s12 =	simm.s32 @!p1 $0x2  }
0x4a: {  	[tilespmem:s11], [sflag:$0x1] =	stream.indirect.gather @!p1 [hbm4b:s1+s10], $0x80, s7, s10, $0xb8;
	[tilespmem:$0x1EA00] =	vst v63  }
0x4b: {  	_ =	swait.ge @!p1 [sflag:s12], $0x2000  }
0x4c: {  	[sflag:s12] =	ssyncset.done @!p1 $0x0  }
0x4d: {  	s7 =	simm.s32 @!p1 $0x6;
	[sflag:s12] =	ssyncadd.s32 @!p1 $0xFFFFE000  }
0x4e: {  	_ =	swait.ge @!p1 [sflag:s7], $0x40  }
0x4f: {  	s11 =	simm.s32 @!p1 $0x2880;
	[sflag:s7] =	ssyncset.done @!p1 $0x0  }
0x50: {  	s12 =	simm.s32 @!p1 $0x4A00;
	[sflag:s7] =	ssyncadd.s32 @!p1 $0xFFFFFFC0;
	s7 =	simm.s32 @!p1 $0xA  }
0x51: {  	[spmem:s3] =	stream.indirect.scatter.add.f32 @!p1 [tilespmem:s12], [sflag:$0xA], $0x80, s11, s10, $0xb8;
	[tilespmem:$0x1EA00] =	vst v63  }
0x52: {  	_ =	swait.ge @!p1 [sflag:s7], $0x2000  }
0x53: {  	[sflag:s7] =	ssyncset.done @!p1 $0x0  }
0x54: {  	[sflag:s7] =	ssyncadd.s32 @!p1 $0xFFFFE000;
	s7 =	sadd.s32 @!p1 $0x10, s13  }
0x55: {  	[tilespmem:s11], [sflag:$0x6] =	stream.linear.gather @!p1 [hbm4b:s7+s16], $0x40, $0x38;
	[tilespmem:$0x1EA00] =	vst v63  }
0x56: {  	s7 =	simm.s32 @!p1 $0x140  }
0x57: {  	[tilespmem:s12], [sflag:$0x2] =	stream.indirect.gather @!p1 [hbm4b:s1+s10], $0x80, s7, s10, $0xb8;
	[tilespmem:$0x1EA00] =	vst v63  }
0x58: {  	_ =	swait.ge [sflag:s2], $0x2000  }
0x59: {  	[sflag:s2] =	ssyncset.done $0x0  }
0x5a: {  	[sflag:s2] =	ssyncadd.s32 $0xFFFFE000  }
0x5b: {  	_ =	swait.ge [sflag:s0], $0x40  }
0x5c: {  	[sflag:s0] =	ssyncset.done $0x0  }
0x5d: {  	s7 =	simm.s32 @!p1 $0xB;
	[sflag:s0] =	ssyncadd.s32 $0xFFFFFFC0  }
0x5e: {  	[spmem:s3] =	stream.indirect.scatter.add.f32 [tilespmem:s26], [sflag:$0xB], $0x80, s22, s18, $0xb8;
	[tilespmem:$0x1EA00] =	vst v63  }
0x5f: {  	_ =	swait.ge @!p1 [sflag:s7], $0x2000  }
0x60: {  	[sflag:s7] =	ssyncset.done @!p1 $0x0  }
0x61: {  	s11 =	sadd.s32 @!p1 $0x18, s13;
	[sflag:s7] =	ssyncadd.s32 @!p1 $0xFFFFE000;
	s7 =	simm.s32 @!p1 $0x2900  }
0x62: {  	[tilespmem:s7], [sflag:$0x7] =	stream.linear.gather @!p1 [hbm4b:s11+s16], $0x40, $0x38;
	[tilespmem:$0x1EA00] =	vst v63  }
0x63: {  	s7 =	simm.s32 @!p1 $0x180;
	s11 =	simm.s32 @!p1 $0x6A00  }
0x64: {  	[tilespmem:s11], [sflag:$0x3] =	stream.indirect.gather @!p1 [hbm4b:s1+s10], $0x80, s7, s10, $0xb8;
	[tilespmem:$0x1EA00] =	vst v63  }
0x65: {  	_ =	swait.ge [sflag:s20], $0x2000  }
0x66: {  	[sflag:s20] =	ssyncset.done $0x0  }
0x67: {  	p6 =	por $0x0, $0x0;
	s12 =	simm.s32 $0x800;
	[sflag:s20] =	ssyncadd.s32 $0xFFFFE000  }
0x68: {  	s11 =	simm.s32 $0x400;
	p1 =	por p6, p6;
	_ =	swait.ge [sflag:s21], $0x40  }
0x69: {  	s10 =	sadd.s32 $0x20, s13;
	s7 =	simm.s32 @!p1 $0xC;
	[sflag:s21] =	ssyncset.done $0x0  }
.LBB2_2:
0x6a: {  	p3 =	seq.s32 s12, $0x0  }
0x6b: {  	[sflag:s21] =	ssyncadd.s32 $0xFFFFFFC0;
	s16 =	smov.u32 s12;
	s12 =	sadd.s32 $0x400, s12  }
0x6c: {  	[spmem:s3] =	stream.indirect.scatter.add.f32 [tilespmem:s29], [sflag:$0xC], $0x80, s28, s18, $0xb8;
	[tilespmem:$0x1EA00] =	vst v63  }
0x6d: {  	p2 =	sne.s32 s12, $0xA000;
	_ =	swait.ge @!p1 [sflag:s7], $0x2000  }
0x6e: {  	[sflag:s7] =	ssyncset.done @!p1 $0x0  }
0x6f: {  	[sflag:s7] =	ssyncadd.s32 @!p1 $0xFFFFE000;
	s7 =	sshra.s32 s11, $0x2;
	p1 =	por p3, p3  }
0x70: {  	[tilespmem:s28], [sflag:$0x8] =	stream.linear.gather [hbm4b:s10+s4], $0x40, $0x38;
	[tilespmem:$0x1EA00] =	vst v63  }
0x71: {  	s7 =	sadd.s32 $0xC0, s7  }
0x72: {  	[tilespmem:s29], [sflag:$0x4] =	stream.indirect.gather [hbm4b:s1+s18], $0x80, s7, s18, $0xb8;
	[tilespmem:$0x1EA00] =	vst v63  }
0x73: {  	_ =	swait.ge [sflag:s30], $0x2000  }
0x74: {  	[sflag:s30] =	ssyncset.done $0x0  }
0x75: {  	[sflag:s30] =	ssyncadd.s32 $0xFFFFE000  }
0x76: {  	_ =	swait.ge [sflag:s31], $0x40  }
0x77: {  	[sflag:s31] =	ssyncset.done $0x0  }
0x78: {  	p3 =	seq.s32 s11, $0x9C00;
	[sflag:s31] =	ssyncadd.s32 $0xFFFFFFC0  }
0x79: {  	[spmem:s3] =	stream.indirect.scatter.add.f32 [tilespmem:s19], [sflag:$0x9], $0x80, s17, s18, $0xb8;
	[tilespmem:$0x1EA00] =	vst v63  }
0x7a: {  	s24 =	sshra.s32 @!p3 s11, $0x2;
	s11 =	smov.u32 s16;
	s7 =	simm.s32 @p3 $0x2  }
0x7b: {  	s23 =	sadd.s32 @!p3 $0x100, s24;
	s25 =	sadd.s32 @!p3 $0x140, s24;
	_ =	swait.ge @p3 [sflag:s7], $0x2000  }
0x7c: {  	s5 =	simm.s32 @p3 $0x6;
	s16 =	sadd.s32 @!p3 $0x180, s24;
	[sflag:s7] =	ssyncset.done @p3 $0x0  }
0x7d: {  	[sflag:s7] =	ssyncadd.s32 @p3 $0xFFFFE000  }
0x7e: {  	s7 =	simm.s32 @p3 $0x4A00;
	_ =	swait.ge @p3 [sflag:s5], $0x40  }
0x7f: {  	s6 =	simm.s32 @p3 $0x2880;
	s24 =	simm.s32 @p3 $0x40;
	[sflag:s5] =	ssyncset.done @p3 $0x0  }
0x80: {  	[sflag:s5] =	ssyncadd.s32 @p3 $0xFFFFFFC0;
	s5 =	simm.s32 @!p3 $0x9  }
0x81: {  	[spmem:s3] =	stream.indirect.scatter.add.f32 @p3 [tilespmem:s7], [sflag:$0xA], $0x80, s6, s24, $0xb8;
	[tilespmem:$0x1EA00] =	vst v63  }
0x82: {  	s6 =	simm.s32 @!p3 $0x2800;
	_ =	swait.ge @!p3 [sflag:s5], $0x2000  }
0x83: {  	s8 =	sadd.s32 @!p3 $0x8, s10;
	s7 =	simm.s32 @!p3 $0x0;
	[sflag:s5] =	ssyncset.done @!p3 $0x0  }
0x84: {  	s24 =	simm.s32 @!p3 $0x40;
	[sflag:s5] =	ssyncadd.s32 @!p3 $0xFFFFE000;
	s5 =	simm.s32 @!p3 $0x2A00  }
0x85: {  	[tilespmem:s6], [sflag:$0x5] =	stream.linear.gather @!p3 [hbm4b:s8+s7], $0x40, $0x38;
	[tilespmem:$0x1EA00] =	vst v63  }
0x86: {  	s6 =	simm.s32 @!p3 $0x2  }
0x87: {  	[tilespmem:s5], [sflag:$0x1] =	stream.indirect.gather @!p3 [hbm4b:s1+s24], $0x80, s23, s24, $0xb8;
	[tilespmem:$0x1EA00] =	vst v63  }
0x88: {  	_ =	swait.ge @!p3 [sflag:s6], $0x2000  }
0x89: {  	s5 =	simm.s32 @!p3 $0x6;
	[sflag:s6] =	ssyncset.done @!p3 $0x0  }
0x8a: {  	[sflag:s6] =	ssyncadd.s32 @!p3 $0xFFFFE000  }
0x8b: {  	_ =	swait.ge @!p3 [sflag:s5], $0x40  }
0x8c: {  	s8 =	simm.s32 @!p3 $0x4A00;
	s6 =	simm.s32 @!p3 $0x2880;
	[sflag:s5] =	ssyncset.done @!p3 $0x0  }
0x8d: {  	[sflag:s5] =	ssyncadd.s32 @!p3 $0xFFFFFFC0;
	s5 =	simm.s32 @!p3 $0xA  }
0x8e: {  	[spmem:s3] =	stream.indirect.scatter.add.f32 @!p3 [tilespmem:s8], [sflag:$0xA], $0x80, s6, s24, $0xb8;
	[tilespmem:$0x1EA00] =	vst v63  }
0x8f: {  	_ =	swait.ge @!p3 [sflag:s5], $0x2000  }
0x90: {  	s23 =	sadd.s32 @!p3 $0x10, s10;
	[sflag:s5] =	ssyncset.done @!p3 $0x0  }
0x91: {  	[sflag:s5] =	ssyncadd.s32 @!p3 $0xFFFFE000  }
0x92: {  	[tilespmem:s6], [sflag:$0x6] =	stream.linear.gather @!p3 [hbm4b:s23+s7], $0x40, $0x38;
	[tilespmem:$0x1EA00] =	vst v63  }
0x93: {  	_ = 	snop  }
0x94: {  	[tilespmem:s8], [sflag:$0x2] =	stream.indirect.gather @!p3 [hbm4b:s1+s24], $0x80, s25, s24, $0xb8;
	[tilespmem:$0x1EA00] =	vst v63  }
0x95: {  	_ =	swait.ge [sflag:s2], $0x2000  }
0x96: {  	[sflag:s2] =	ssyncset.done $0x0  }
0x97: {  	[sflag:s2] =	ssyncadd.s32 $0xFFFFE000  }
0x98: {  	_ =	swait.ge [sflag:s0], $0x40  }
0x99: {  	[sflag:s0] =	ssyncset.done $0x0  }
0x9a: {  	s5 =	simm.s32 @!p3 $0xB;
	[sflag:s0] =	ssyncadd.s32 $0xFFFFFFC0  }
0x9b: {  	[spmem:s3] =	stream.indirect.scatter.add.f32 [tilespmem:s26], [sflag:$0xB], $0x80, s22, s18, $0xb8;
	[tilespmem:$0x1EA00] =	vst v63  }
0x9c: {  	_ =	swait.ge @!p3 [sflag:s5], $0x2000  }
0x9d: {  	s6 =	sadd.s32 @!p3 $0x18, s10;
	s8 =	simm.s32 @!p3 $0x2900;
	[sflag:s5] =	ssyncset.done @!p3 $0x0  }
0x9e: {  	[sflag:s5] =	ssyncadd.s32 @!p3 $0xFFFFE000;
	s5 =	simm.s32 @!p3 $0x6A00  }
0x9f: {  	[tilespmem:s8], [sflag:$0x7] =	stream.linear.gather @!p3 [hbm4b:s6+s7], $0x40, $0x38;
	[tilespmem:$0x1EA00] =	vst v63  }
0xa0: {  	_ = 	snop  }
0xa1: {  	[tilespmem:s5], [sflag:$0x3] =	stream.indirect.gather @!p3 [hbm4b:s1+s24], $0x80, s16, s24, $0xb8;
	[tilespmem:$0x1EA00] =	vst v63  }
.Ltmp0:
0xa2: {  	_ =	swait.ge [sflag:s20], $0x2000;
	(pc) =	sbr.rel @p2 .LBB2_2-.Ltmp0, $4  }
0xa3: {  	[sflag:s20] =	ssyncset.done $0x0  }
0xa4: {  	[sflag:s20] =	ssyncadd.s32 $0xFFFFE000  }
0xa5: {  	_ =	swait.ge [sflag:s21], $0x40  }
0xa6: {  	s10 =	sadd.s32 $0x20, s10;
	s7 =	simm.s32 @!p1 $0xC;
	[sflag:s21] =	ssyncset.done $0x0  }
0xa7: {  	[sflag:s21] =	ssyncadd.s32 $0xFFFFFFC0  }
0xa8: {  	[spmem:s3] =	stream.indirect.scatter.add.f32 [tilespmem:s29], [sflag:$0xC], $0x80, s28, s18, $0xb8;
	[tilespmem:$0x1EA00] =	vst v63  }
0xa9: {  	_ =	swait.ge @!p1 [sflag:s7], $0x2000  }
0xaa: {  	[sflag:s7] =	ssyncset.done @!p1 $0x0  }
0xab: {  	s5 =	sshra.s32 s11, $0x2;
	[sflag:s7] =	ssyncadd.s32 @!p1 $0xFFFFE000  }
0xac: {  	[tilespmem:s28], [sflag:$0x8] =	stream.linear.gather [hbm4b:s10+s4], $0x40, $0x38;
	[tilespmem:$0x1EA00] =	vst v63  }
0xad: {  	s5 =	sadd.s32 $0xC0, s5  }
0xae: {  	[tilespmem:s29], [sflag:$0x4] =	stream.indirect.gather [hbm4b:s1+s18], $0x80, s5, s18, $0xb8;
	[tilespmem:$0x1EA00] =	vst v63  }
0xaf: {  	_ =	swait.ge [sflag:s30], $0x2000  }
0xb0: {  	[sflag:s30] =	ssyncset.done $0x0  }
0xb1: {  	[sflag:s30] =	ssyncadd.s32 $0xFFFFE000  }
0xb2: {  	_ =	swait.ge [sflag:s31], $0x40  }
0xb3: {  	p1 =	seq.s32 s11, $0x9C00;
	[sflag:s31] =	ssyncset.done $0x0  }
0xb4: {  	s5 =	simm.s32 @p1 $0x2;
	[sflag:s31] =	ssyncadd.s32 $0xFFFFFFC0  }
0xb5: {  	[spmem:s3] =	stream.indirect.scatter.add.f32 [tilespmem:s19], [sflag:$0x9], $0x80, s17, s18, $0xb8;
	[tilespmem:$0x1EA00] =	vst v63  }
0xb6: {  	_ =	swait.ge @p1 [sflag:s5], $0x2000  }
0xb7: {  	[sflag:s5] =	ssyncset.done @p1 $0x0  }
0xb8: {  	s6 =	simm.s32 @p1 $0x6;
	[sflag:s5] =	ssyncadd.s32 @p1 $0xFFFFE000  }
0xb9: {  	_ =	swait.ge @p1 [sflag:s6], $0x40  }
0xba: {  	s7 =	simm.s32 @p1 $0x40;
	s8 =	simm.s32 @p1 $0x2880;
	[sflag:s6] =	ssyncset.done @p1 $0x0  }
0xbb: {  	s5 =	simm.s32 @p1 $0x4A00;
	[sflag:s6] =	ssyncadd.s32 @p1 $0xFFFFFFC0;
	s6 =	simm.s32 @!p1 $0x9  }
0xbc: {  	[spmem:s3] =	stream.indirect.scatter.add.f32 @p1 [tilespmem:s5], [sflag:$0xA], $0x80, s8, s7, $0xb8;
	[tilespmem:$0x1EA00] =	vst v63  }
0xbd: {  	s12 =	simm.s32 @!p1 $0x0;
	_ =	swait.ge @!p1 [sflag:s6], $0x2000  }
0xbe: {  	s5 =	sshra.s32 @!p1 s11, $0x2;
	s8 =	simm.s32 @!p1 $0x2800;
	[sflag:s6] =	ssyncset.done @!p1 $0x0  }
0xbf: {  	s11 =	sadd.s32 @!p1 $0x8, s10;
	s7 =	sadd.s32 @!p1 $0x100, s5;
	[sflag:s6] =	ssyncadd.s32 @!p1 $0xFFFFE000  }
0xc0: {  	[tilespmem:s8], [sflag:$0x5] =	stream.linear.gather @!p1 [hbm4b:s11+s12], $0x40, $0x38;
	[tilespmem:$0x1EA00] =	vst v63  }
0xc1: {  	s6 =	simm.s32 @!p1 $0x40;
	s8 =	simm.s32 @!p1 $0x2A00;
	s11 =	simm.s32 @!p1 $0x2  }
0xc2: {  	[tilespmem:s8], [sflag:$0x1] =	stream.indirect.gather @!p1 [hbm4b:s1+s6], $0x80, s7, s6, $0xb8;
	[tilespmem:$0x1EA00] =	vst v63  }
0xc3: {  	_ =	swait.ge @!p1 [sflag:s11], $0x2000  }
0xc4: {  	[sflag:s11] =	ssyncset.done @!p1 $0x0  }
0xc5: {  	s7 =	simm.s32 @!p1 $0x6;
	[sflag:s11] =	ssyncadd.s32 @!p1 $0xFFFFE000  }
0xc6: {  	_ =	swait.ge @!p1 [sflag:s7], $0x40  }
0xc7: {  	s8 =	simm.s32 @!p1 $0x2880;
	[sflag:s7] =	ssyncset.done @!p1 $0x0  }
0xc8: {  	s11 =	simm.s32 @!p1 $0x4A00;
	[sflag:s7] =	ssyncadd.s32 @!p1 $0xFFFFFFC0;
	s7 =	simm.s32 @!p1 $0xA  }
0xc9: {  	[spmem:s3] =	stream.indirect.scatter.add.f32 @!p1 [tilespmem:s11], [sflag:$0xA], $0x80, s8, s6, $0xb8;
	[tilespmem:$0x1EA00] =	vst v63  }
0xca: {  	_ =	swait.ge @!p1 [sflag:s7], $0x2000  }
0xcb: {  	[sflag:s7] =	ssyncset.done @!p1 $0x0  }
0xcc: {  	[sflag:s7] =	ssyncadd.s32 @!p1 $0xFFFFE000;
	s7 =	sadd.s32 @!p1 $0x10, s10  }
0xcd: {  	[tilespmem:s8], [sflag:$0x6] =	stream.linear.gather @!p1 [hbm4b:s7+s12], $0x40, $0x38;
	[tilespmem:$0x1EA00] =	vst v63  }
0xce: {  	s7 =	sadd.s32 @!p1 $0x140, s5  }
0xcf: {  	[tilespmem:s11], [sflag:$0x2] =	stream.indirect.gather @!p1 [hbm4b:s1+s6], $0x80, s7, s6, $0xb8;
	[tilespmem:$0x1EA00] =	vst v63  }
0xd0: {  	_ =	swait.ge [sflag:s2], $0x2000  }
0xd1: {  	[sflag:s2] =	ssyncset.done $0x0  }
0xd2: {  	[sflag:s2] =	ssyncadd.s32 $0xFFFFE000  }
0xd3: {  	_ =	swait.ge [sflag:s0], $0x40  }
0xd4: {  	[sflag:s0] =	ssyncset.done $0x0  }
0xd5: {  	s7 =	simm.s32 @!p1 $0xB;
	[sflag:s0] =	ssyncadd.s32 $0xFFFFFFC0  }
0xd6: {  	[spmem:s3] =	stream.indirect.scatter.add.f32 [tilespmem:s26], [sflag:$0xB], $0x80, s22, s18, $0xb8;
	[tilespmem:$0x1EA00] =	vst v63  }
0xd7: {  	_ =	swait.ge @!p1 [sflag:s7], $0x2000  }
0xd8: {  	[sflag:s7] =	ssyncset.done @!p1 $0x0  }
0xd9: {  	s8 =	sadd.s32 @!p1 $0x18, s10;
	[sflag:s7] =	ssyncadd.s32 @!p1 $0xFFFFE000;
	s7 =	simm.s32 @!p1 $0x2900  }
0xda: {  	[tilespmem:s7], [sflag:$0x7] =	stream.linear.gather @!p1 [hbm4b:s8+s12], $0x40, $0x38;
	[tilespmem:$0x1EA00] =	vst v63  }
0xdb: {  	s5 =	sadd.s32 @!p1 $0x180, s5;
	s7 =	simm.s32 @!p1 $0x6A00  }
0xdc: {  	[tilespmem:s7], [sflag:$0x3] =	stream.indirect.gather @!p1 [hbm4b:s1+s6], $0x80, s5, s6, $0xb8;
	[tilespmem:$0x1EA00] =	vst v63  }
0xdd: {  	_ =	swait.ge [sflag:s20], $0x2000  }
0xde: {  	[sflag:s20] =	ssyncset.done $0x0  }
0xdf: {  	[sflag:s20] =	ssyncadd.s32 $0xFFFFE000  }
0xe0: {  	_ =	swait.ge [sflag:s21], $0x40  }
0xe1: {  	[sflag:s21] =	ssyncset.done $0x0  }
0xe2: {  	s10 =	simm.s32 $0x9;
	[sflag:s21] =	ssyncadd.s32 $0xFFFFFFC0  }
0xe3: {  	[spmem:s3] =	stream.indirect.scatter.add.f32 [tilespmem:s29], [sflag:$0xC], $0x80, s28, s18, $0xb8;
	[tilespmem:$0x1EA00] =	vst v63  }
0xe4: {  	_ =	swait.ge [sflag:s10], $0x2000  }
0xe5: {  	[sflag:s10] =	ssyncset.done $0x0  }
0xe6: {  	s11 =	simm.s32 $0xA;
	[sflag:s10] =	ssyncadd.s32 $0xFFFFE000  }
0xe7: {  	_ =	swait.ge [sflag:s11], $0x2000  }
0xe8: {  	[sflag:s11] =	ssyncset.done $0x0  }
0xe9: {  	s12 =	simm.s32 $0xB;
	[sflag:s11] =	ssyncadd.s32 $0xFFFFE000  }
0xea: {  	_ =	swait.ge [sflag:s12], $0x2000  }
0xeb: {  	[sflag:s12] =	ssyncset.done $0x0  }
0xec: {  	s16 =	simm.s32 $0xC;
	[sflag:s12] =	ssyncadd.s32 $0xFFFFE000  }
0xed: {  	_ =	swait.ge [sflag:s16], $0x2000  }
0xee: {  	[sflag:s16] =	ssyncset.done $0x0  }
0xef: {  	[sflag:s16] =	ssyncadd.s32 $0xFFFFE000  }
0xf0: {  	[bflag:$0x0] =	sbarrier.arrive $0xFFFF  }
0xf1: {  	s23 =	rddreg [dreg:$0x9]  }
0xf2: {  	s24 =	rddreg [dreg:$0xd]  }
0xf3: {  	[hbm:s23], [sflag:s15] =	dma.local [spmem:s24], $0x2700  }
0xf4: {  	_ =	swait.ge [sflag:s14], $0x2700  }
0xf5: {  	[sflag:s14] =	ssyncset.done $0x0;
	s5 =	rddreg [dreg:$0xa]  }
0xf6: {  	s6 =	rddreg [dreg:$0xe];
	[sflag:s14] =	ssyncadd.s32 $0xFFFFD900  }
0xf7: {  	[hbm:s5], [sflag:s15] =	dma.local @!p0 [spmem:s6], $0x100  }
0xf8: {  	s5 =	simm.s32 @!p0 $0xD  }
0xf9: {  	_ =	swait.ge @!p0 [sflag:s5], $0x100  }
0xfa: {  	s9 =	sadd.s32 $0x1, s9;
	s25 =	rddreg [dreg:$0xb]  }
0xfb: {  	p1 =	sne.s32 s9, s25  }
.Ltmp1:
0xfc: {  	_ = 	snop;
	(pc) =	sbr.rel @p1 .LBB2_1-.Ltmp1, $3  }
0xfd: {  	_ =	sdelay $0x1  }
0xfe: {  	[sflag:s5] =	ssyncset.done @!p0 $0x0  }
0xff: {  	[sflag:s5] =	ssyncadd.s32 @!p0 $0xFFFFFF00  }
0x100: {  	_ =	sfence.sel $0x180000  }
0x101: {  	[bflag:$0x0] =	sbarrier.arrive $0xFFFF  }
0x102: {  	_ =	strace $0x9000004A  }
0x103: {  	s0 =	stileid.u32;
	[bflag:$0x2] =	sbarrier.arrive $0xFFFF  }
0x104: {  	p0 =	sne.s32 s0, $0x0;
	s0 =	rddreg [dreg:$0x3]  }
0x105: {  	s0 =	sadd.s32 @!p0 $0x100000, s0  }
0x106: {  	[sflag:s0] =	ssyncadd.tile.s32 @!p0 $0x1;
	_ =	shalt  }
.Lfunc_end2:
_tile_overlayer_lowered:
.L_overlay_start_2:
0x107: {  	(tag) =	ssettag $0x2  }
0x108: {  	s0 =	rddreg [dreg:$0x0];
	s2 =	stileid.u32  }
0x109: {  	s1 =	rddreg [dreg:$0x1];
	p0 =	sne.s32 s2, $0x0  }
0x10a: {  	s3 =	rddreg [dreg:$0x2];
	[bflag:$0x3] =	sbarrier.arrive $0xFFFF;
	s2 =	simm.s32 @!p0 $0x1C0D  }
0x10b: {  	[timem:s3], [sflag:s2] =	dma.local @!p0 [hbm:s0], s1  }
0x10c: {  	s0 =	simm.s32 @!p0 $0xD  }
0x10d: {  	_ =	swait.ge @!p0 [sflag:s0], s1  }
0x10e: {  	s1 =	ssub.s32 @!p0 $0x0, s1;
	[sflag:s0] =	ssyncset.done @!p0 $0x0  }
0x10f: {  	[sflag:s0] =	ssyncadd.s32 @!p0 s1  }
0x110: {  	[bflag:$0x3] =	sbarrier.arrive $0xFFFF  }
0x111: {  	_ =	shalt  }

// kernel: kernel.16.cloned.1.call-start
scs
__scs_entry_jumppad:
0x0: {  	(pc) =	sbr.rel $0x88, $3  }
0x1: {  	(tag) =	ssettag $0x0;
	lr =	simm.s32 $0x1  }
0x2: {  	[smem:$0x3F99] =	sst lr;
	_ =	strace $0xD0000000  }
0x3: {  	_ = 	snop  }
0x4: {  	_ = 	snop  }
0x5: {  	_ = 	snop  }
0x6: {  	_ = 	snop  }
0x7: {  	_ = 	snop  }
__scs_overlays_trampoline_lowered:
0x8: {  	[smem:$0x3FA8] =	sst s0  }
0x9: {  	[smem:$0x3FA9] =	sst s1  }
0xa: {  	[smem:$0x3FAA] =	sst s2  }
0xb: {  	[smem:$0x3FAB] =	sst s3  }
0xc: {  	[smem:$0x3FAC] =	sst s4  }
0xd: {  	[smem:$0x3FAD] =	sst s5  }
0xe: {  	[smem:$0x3FAE] =	sst s6  }
0xf: {  	[smem:$0x3FAF] =	sst s7  }
0x10: {  	[smem:$0x3FB0] =	sst s8  }
0x11: {  	[smem:$0x3FB1] =	sst s9;
	s0 =	simm.s32 @!p0 $0x0  }
0x12: {  	s1 =	sld [smem:$0x3F97];
	s0 =	simm.s32 @p0 $0x1  }
0x13: {  	[smem:$0x3FB2] =	sst s0;
	s0 =	simm.s32 @!p1 $0x0  }
0x14: {  	s2 =	sld [smem:$0x3F96];
	s0 =	simm.s32 @p1 $0x1  }
0x15: {  	[smem:$0x3FB3] =	sst s0;
	s0 =	simm.s32 @!p2 $0x0  }
0x16: {  	s3 =	sld [smem:$0x3FDB];
	s0 =	simm.s32 @p2 $0x1  }
0x17: {  	s4 =	simm.s32 $0x1BF5;
	[smem:$0x3FB5] =	sst s0  }
0x18: {  	s0 =	sld [smem:$0x3F98];
	_ =	swait.ge [sflag:s4], $0x0  }
0x19: {  	s7 =	sld [smem:$0x3F99]  }
0x1a: {  	s8 =	sadd.s32 $0xFFFFE003, lr  }
0x1b: {  	s9 =	sadd.s32 $0xFFFFFEF7, lr;
	s5 =	simm.s32 $0xFFFFFFFF;
	p2 =	slt.u32 s8, $0xFFFFF086  }
0x1c: {  	p1 =	slt.u32 s9, $0xF7A;
	s5 =	simm.s32 @!p2 $0x0  }
0x1d: {  	s5 =	simm.s32 @p1 $0x1;
	p0 =	seq.s32 s7, s2  }
0x1e: {  	s7 =	smul.u32 @!p0 $0xF7A, s2;
	p2 =	seq.s32 @!p0 s5, $0x0  }
0x1f: {  	s9 =	smul.u32 $0xF7A, s1;
	s8 =	simm.s32 @!p0 $0x1BF5;
	p2 =	por !p2, p0  }
0x20: {  	[sflag:s8] =	ssyncset.s32 @!p0 $0xFFFFF086;
	s6 =	sadd.s32 @!p0 s3, s7;
	s7 =	simm.s32 @!p0 $0x108  }
0x21: {  	s3 =	sadd.s32 s3, s9;
	s6 =	sadd.s32 @!p0 $0x88, s6;
	s7 =	simm.s32 @p2 $0x1082  }
0x22: {  	[simem:s7], [sflag:s8] =	dma.local @!p0 [hbm:s6], $0xF7A  }
0x23: {  	s9 =	sor.u32 $0xD0000000, s2;
	s6 =	simm.s32 $0x108;
	_ =	swait.ge @!p0 [sflag:s8], $0x0  }
0x24: {  	s3 =	sadd.s32 $0x88, s3;
	s6 =	simm.s32 @!p1 $0x1082;
	[sflag:s4] =	ssyncset.s32 $0xFFFFF086  }
0x25: {  	[simem:s6], [sflag:s4] =	dma.local [hbm:s3], $0xF7A  }
0x26: {  	[smem:$0x3F99] =	sst s1;
	(tag) =	ssettag s2;
	_ =	strace s9  }
0x27: {  	s1 =	sld [smem:$0x3FA9]  }
0x28: {  	s2 =	sld [smem:$0x3FAA]  }
0x29: {  	s4 =	sld [smem:$0x3FAC]  }
0x2a: {  	p0 =	seq.s32 s5, $0x0;
	s5 =	sld [smem:$0x3FAD]  }
0x2b: {  	s6 =	sld [smem:$0x3FAE]  }
0x2c: {  	s7 =	sld [smem:$0x3FAF]  }
0x2d: {  	s3 =	simm.s32 $0x108;
	s8 =	sld [smem:$0x3FB0]  }
0x2e: {  	s3 =	simm.s32 @!p0 $0x1082;
	s9 =	sld [smem:$0x3FB1]  }
0x2f: {  	lr =	sadd.s32 s0, s3;
	s0 =	sld [smem:$0x3FA8]  }
0x30: {  	s3 =	sld [smem:$0x3FAB]  }
0x31: {  	[smem:$0x3FB4] =	sst s10  }
0x32: {  	s10 =	sld [smem:$0x3FB2];
	_ =	sdelay $0x3  }
0x33: {  	p0 =	seq.s32 s10, $0x1;
	s10 =	sld [smem:$0x3FB4];
	_ =	sdelay $0x3  }
0x34: {  	[smem:$0x3FB4] =	sst s10  }
0x35: {  	s10 =	sld [smem:$0x3FB3];
	_ =	sdelay $0x3  }
0x36: {  	p1 =	seq.s32 s10, $0x1;
	s10 =	sld [smem:$0x3FB4];
	_ =	sdelay $0x3  }
0x37: {  	[smem:$0x3FB4] =	sst s10  }
0x38: {  	s10 =	sld [smem:$0x3FB5]  }
0x39: {  	_ = 	snop;
	(pc) =	sbr.ind lr, $3  }
0x3a: {  	_ = 	snop  }
0x3b: {  	_ = 	snop  }
0x3c: {  	p2 =	seq.s32 s10, $0x1;
	s10 =	sld [smem:$0x3FB4]  }
0x3d: {  	_ =	shalt  }
0x3e: {  	_ =	shalt  }
0x3f: {  	_ =	shalt  }
0x40: {  	_ =	shalt  }
0x41: {  	_ =	shalt  }
0x42: {  	_ =	shalt  }
0x43: {  	_ =	shalt  }
0x44: {  	_ =	shalt  }
0x45: {  	_ =	shalt  }
0x46: {  	_ =	shalt  }
0x47: {  	_ =	shalt  }
0x48: {  	_ =	shalt  }
0x49: {  	_ =	shalt  }
0x4a: {  	_ =	shalt  }
0x4b: {  	_ =	shalt  }
0x4c: {  	_ =	shalt  }
0x4d: {  	_ =	shalt  }
0x4e: {  	_ =	shalt  }
0x4f: {  	_ =	shalt  }
0x50: {  	_ =	shalt  }
0x51: {  	_ =	shalt  }
0x52: {  	_ =	shalt  }
0x53: {  	_ =	shalt  }
0x54: {  	_ =	shalt  }
0x55: {  	_ =	shalt  }
0x56: {  	_ =	shalt  }
0x57: {  	_ =	shalt  }
0x58: {  	_ =	shalt  }
0x59: {  	_ =	shalt  }
0x5a: {  	_ =	shalt  }
0x5b: {  	_ =	shalt  }
0x5c: {  	_ =	shalt  }
0x5d: {  	_ =	shalt  }
0x5e: {  	_ =	shalt  }
0x5f: {  	_ =	shalt  }
0x60: {  	_ =	shalt  }
0x61: {  	_ =	shalt  }
0x62: {  	_ =	shalt  }
0x63: {  	_ =	shalt  }
0x64: {  	_ =	shalt  }
0x65: {  	_ =	shalt  }
0x66: {  	_ =	shalt  }
0x67: {  	_ =	shalt  }
0x68: {  	_ =	shalt  }
0x69: {  	_ =	shalt  }
0x6a: {  	_ =	shalt  }
0x6b: {  	_ =	shalt  }
0x6c: {  	_ =	shalt  }
0x6d: {  	_ =	shalt  }
0x6e: {  	_ =	shalt  }
0x6f: {  	_ =	shalt  }
0x70: {  	_ =	shalt  }
0x71: {  	_ =	shalt  }
0x72: {  	_ =	shalt  }
0x73: {  	_ =	shalt  }
0x74: {  	_ =	shalt  }
0x75: {  	_ =	shalt  }
0x76: {  	_ =	shalt  }
0x77: {  	_ =	shalt  }
0x78: {  	_ =	shalt  }
0x79: {  	_ =	shalt  }
0x7a: {  	_ =	shalt  }
0x7b: {  	_ =	shalt  }
0x7c: {  	_ =	shalt  }
0x7d: {  	_ =	shalt  }
0x7e: {  	_ =	shalt  }
0x7f: {  	_ =	shalt  }
0x80: {  	_ =	shalt  }
0x81: {  	_ =	shalt  }
0x82: {  	_ =	shalt  }
0x83: {  	_ =	shalt  }
0x84: {  	_ =	shalt  }
0x85: {  	_ =	shalt  }
0x86: {  	_ =	shalt  }
0x87: {  	_ =	shalt  }
.Lfunc_end0:
.L_simem_size_0:
called_computation.2_lowered:
.L_overlay_start_0:
0x88: {  	s2 =	sld [smem:$0x3FD9]  }
0x89: {  	s3 =	sld [smem:$0x3FFE];
	_ =	sdelay $0x1  }
0x8a: {  	s1 =	srdreg.scid  }
0x8b: {  	s0 =	sand.u32 $0x1, s1  }
0x8c: {  	s17 =	sshll.u32 s0, $0xA;
	s2 =	sadd.s32 s3, s2  }
0x8d: {  	s2 =	sadd.s32 s2, s17  }
0x8e: {  	[smem:$0x3FC0] =	sst s2  }
0x8f: {  	_ = 	snop  }
0x90: {  	s2 =	sld [smem:$0x3FD0];
	(tm) =	ssettm $0x1  }
0x91: {  	s18 =	sld [smem:$0x3FFB];
	_ =	sdelay $0x3  }
0x92: {  	_ =	strace s18  }
0x93: {  	s3 =	sld [smem:$0x3FFC];
	_ =	sdelay $0x3  }
0x94: {  	_ =	strace s3  }
0x95: {  	s3 =	sld [smem:$0x3FFD];
	_ =	sdelay $0x3  }
0x96: {  	_ =	strace s3  }
0x97: {  	_ =	strace $0x8FFFFFFF  }
0x98: {  	s19 =	sld [smem:$0x3FDB];
	_ =	sdelay $0x1  }
0x99: {  	s4 =	simm.s32 $_scs_section_size  }
0x9a: {  	s5 =	simm.s32 $_size__tile_overlayer_lowered;
	s6 =	simm.s32 $_tile_overlayer_lowered  }
0x9b: {  	s22 =	simm.s32 $0x1BFF;
	s21 =	sshll.u32 s6, $0x1;
	s3 =	sadd.s32 s4, s19  }
0x9c: {  	s7 =	simm.s32 $0x0;
	s20 =	sshll.u32 s5, $0x1;
	s5 =	sadd.s32 s21, s3  }
0x9d: {  	[timem:s7], [sflag:s22] =	dma.local [hbm:s5], s20  }
0x9e: {  	_ =	swait.ge [sflag:s22], s20  }
0x9f: {  	s4 =	ssub.s32 $0x0, s20;
	[sflag:s22] =	ssyncset.done $0x0  }
0xa0: {  	[sflag:s22] =	ssyncadd.s32 s4;
	_ =	sdelay $0x1  }
0xa1: {  	s23 =	simm.s32 $0x1B8B  }
0xa2: {  	_ =	swait.ge [sflag:s23], $0x1  }
0xa3: {  	[sflag:s23] =	ssyncset.done $0x0  }
0xa4: {  	s25 =	simm.s32 $0x1B8E;
	s24 =	sld [smem:$0x3FFE];
	[sflag:s23] =	ssyncadd.s32 $0xFFFFFFFF  }
0xa5: {  	s26 =	simm.s32 $execute0_lowered;
	[smem:$0x3FD2] =	sst s25  }
0xa6: {  	s5 =	sshll.u32 s26, $0x1;
	_ =	strace $0x8000004C;
	[dreg:$0x1] =	wrdreg $0xFFFFFFFF  }
0xa7: {  	s28 =	simm.s32 $_size_execute0_lowered;
	s3 =	sadd.s32 s3, s5;
	[dreg:$0x0] =	wrdreg $0x0  }
0xa8: {  	s5 =	sshll.u32 s28, $0x1;
	[dreg:$0x2] =	wrdreg s3  }
0xa9: {  	[dreg:$0x3] =	wrdreg s5  }
0xaa: {  	[dreg:$0x4] =	wrdreg $0xC0  }
0xab: {  	_ =	task [dreg:s7], $0x5FFFF  }
0xac: {  	[dreg:$0x1] =	wrdreg $0xFFFFFFFF  }
0xad: {  	[dreg:$0x0] =	wrdreg $0x60  }
0xae: {  	[dreg:$0x2] =	wrdreg s2  }
0xaf: {  	[dreg:$0x3] =	wrdreg s24  }
0xb0: {  	[dreg:$0x4] =	wrdreg $0xAA000  }
0xb1: {  	[dreg:$0x5] =	wrdreg $0x9  }
0xb2: {  	_ =	task.clear_ibuf [dreg:s7], $0x6FFFF;
	_ =	strace $0x9000004C  }
0xb3: {  	s29 =	simm.s32 $0x9;
	_ =	strace $0x8000004E  }
0xb4: {  	_ =	swait.ge [sflag:s29], $0x1  }
0xb5: {  	[sflag:s29] =	ssyncadd.s32 $0xFFFFFFFF  }
0xb6: {  	_ =	strace $0x9000004E  }
0xb7: {  	_ =	sfence  }
0xb8: {  	s30 =	sld [smem:$0x0];
	_ =	sdelay $0x2  }
0xb9: {  	s31 =	sshll.u32 s1, $0xD;
	s1 =	sshrl.u32 s1, $0x2  }
0xba: {  	s3 =	sand.u32 $0x4000, s31;
	s1 =	sadd.s32 s1, s30  }
0xbb: {  	s0 =	sor.u32 s3, s0;
	s1 =	sshll.u32 s1, $0x11  }
0xbc: {  	s0 =	sor.u32 s1, s0  }
0xbd: {  	s0 =	sadd.s32 $0x8F2B, s0  }
0xbe: {  	[sflag:s0] =	ssyncadd.remote.s32 $0x1  }
0xbf: {  	_ =	sfence.sel $0xFFFF  }
0xc0: {  	[dreg:$0x0] =	wrdreg $0xFFFFFFFF;
	(pc) =	sbr.abs _section_cstart, $3  }
0xc1: {  	[dreg:$0x1] =	wrdreg $0xFFFFFFFF  }
0xc2: {  	_ =	task.clear_ibuf [dreg:s7], $0x2FFFF;
	_ =	strace $0x9FFFFFFF  }
0xc3: {  	(tm) =	ssettm $0x7FFFFFFF  }
tec
execute0_lowered:
.L_overlay_start_1:
0x0: {  	(tag) =	ssettag $0x1  }
0x1: {  	s1 =	rddreg [dreg:$0x0]  }
0x2: {  	s0 =	srdreg.scid;
	s16 =	stileid.u32  }
0x3: {  	s2 =	rddreg [dreg:$0x1];
	s5 =	smul.u32 $0x2800, s16  }
0x4: {  	s3 =	rddreg [dreg:$0x2];
	s4 =	simm.s32 $0x0;
	s11 =	smul.u32 $0x50000, s16  }
0x5: {  	s28 =	simm.s32 $0x2980;
	s29 =	simm.s32 $0x8A00;
	s14 =	smul.u32 $0x4E000, s16  }
0x6: {  	s30 =	simm.s32 $0x1;
	s31 =	simm.s32 $0x5;
	s12 =	smul.u32 $0x2700, s16  }
0x7: {  	s0 =	sand.u32 $0x1, s0;
	[smem:$0x7FF] =	sst s4;
	s21 =	smul.u32 $0x500, s16  }
0x8: {  	s7 =	sadd.s32 $0x2000, s2;
	s24 =	sshll.u32 s16, $0x6;
	s6 =	smul.u32 $0x28000, s0  }
0x9: {  	p0 =	sne.s32 s16, $0xF;
	_ =	strace $0x8000004D;
	s17 =	smul.u32 $0x27100, s0  }
0xa: {  	s8 =	ssub.s32 $0x2, s0;
	s0 =	smul.u32 $0x138800, s0;
	s9 =	sadd.s32 s5, s2  }
0xb: {  	s10 =	sshrl.u32 s8, $0x1;
	s15 =	sshrl.u32 s11, $0x2;
	s19 =	sshrl.u32 s14, $0x2  }
0xc: {  	s22 =	sadd.s32 s21, s7;
	s14 =	simm.s32 $0xD;
	s21 =	simm.s32 $0x8  }
0xd: {  	s6 =	sadd.s32 s5, s6;
	s8 =	ssub.s32 s8, s10;
	s5 =	sshrl.u32 s5, $0x3  }
0xe: {  	s9 =	sadd.s32 $0x11400, s9;
	s20 =	sadd.s32 s12, s17;
	s0 =	sshrl.u32 s0, $0x3  }
0xf: {  	s13 =	sadd.s32 $0x18, s22;
	s17 =	simm.s32 $0x2800;
	s22 =	simm.s32 $0x2900  }
0x10: {  	s6 =	sshrl.u32 s6, $0x3;
	[dreg:$0x5] =	wrdreg s9;
	s5 =	sadd.s32 s7, s5  }
0x11: {  	s23 =	smax.u32 s8, $0x1;
	s6 =	sadd.s32 s6, s2;
	[dreg:$0x6] =	wrdreg s5  }
0x12: {  	s2 =	sadd.s32 $0x43400, s2;
	s18 =	sadd.s32 $0x8, s5;
	[dreg:$0xb] =	wrdreg s23  }
0x13: {  	s5 =	sadd.s32 $0x10, s5;
	s6 =	sadd.s32 $0x39400, s6;
	[dreg:$0x7] =	wrdreg s18  }
0x14: {  	[dreg:$0x8] =	wrdreg s5;
	s5 =	sadd.s32 s19, s3;
	s9 =	sadd.s32 s2, s20  }
0x15: {  	s0 =	sadd.s32 s2, s0;
	s2 =	sadd.s32 $0x138000, s3;
	s18 =	simm.s32 $0x40  }
0x16: {  	s19 =	simm.s32 $0x2A00;
	s20 =	simm.s32 $0x4;
	[dreg:$0x4] =	wrdreg s6  }
0x17: {  	s6 =	sadd.s32 s15, s3;
	[dreg:$0x9] =	wrdreg s9;
	s0 =	sadd.s32 $0x27000, s0  }
0x18: {  	s15 =	sor.u32 $0x1C0D, s24;
	s26 =	sshrl.u32 s5, $0x3;
	[dreg:$0xa] =	wrdreg s0  }
0x19: {  	s9 =	simm.s32 $0x0;
	s25 =	sshrl.u32 s6, $0x3;
	[dreg:$0xd] =	wrdreg s26  }
0x1a: {  	s0 =	sshrl.u32 @!p0 s2, $0x3;
	s26 =	simm.s32 $0x6A00;
	[dreg:$0xc] =	wrdreg s25  }
0x1b: {  	s2 =	simm.s32 $0x3;
	[dreg:$0xe] =	wrdreg s0;
	s0 =	simm.s32 $0x7  }
.LBB2_1:
0x1c: {  	s5 =	rddreg [dreg:$0x4]  }
0x1d: {  	[tilespmem:s4], [sflag:$0xD] =	stream.linear.gather [hbm4b:s5+s4], $0x2800, $0x38;
	[tilespmem:$0x1EA00] =	vst v63  }
0x1e: {  	_ =	swait.ge [sflag:s14], $0x2800  }
0x1f: {  	[sflag:s14] =	ssyncset.done $0x0;
	s8 =	rddreg [dreg:$0x5]  }
0x20: {  	s6 =	rddreg [dreg:$0xc];
	[sflag:s14] =	ssyncadd.s32 $0xFFFFD800  }
0x21: {  	[spmem:s6], [sflag:s15] =	dma.local [hbm:s8], $0x2800  }
0x22: {  	_ =	swait.ge [sflag:s14], $0x2800  }
0x23: {  	[sflag:s14] =	ssyncset.done $0x0  }
0x24: {  	s10 =	rddreg [dreg:$0x6];
	[sflag:s14] =	ssyncadd.s32 $0xFFFFD800  }
0x25: {  	[tilespmem:s17], [sflag:$0x5] =	stream.linear.gather [hbm4b:s10+s4], $0x40, $0x38;
	[tilespmem:$0x1EA00] =	vst v63  }
0x26: {  	_ = 	snop  }
0x27: {  	[tilespmem:s19], [sflag:$0x1] =	stream.indirect.gather [hbm4b:s1+s18], $0x80, s4, s18, $0xb8;
	[tilespmem:$0x1EA00] =	vst v63  }
0x28: {  	s12 =	simm.s32 $0x2880;
	s11 =	rddreg [dreg:$0x7]  }
0x29: {  	[tilespmem:s12], [sflag:$0x6] =	stream.linear.gather [hbm4b:s11+s4], $0x40, $0x38;
	[tilespmem:$0x1EA00] =	vst v63  }
0x2a: {  	s16 =	simm.s32 $0x4A00  }
0x2b: {  	[tilespmem:s16], [sflag:$0x2] =	stream.indirect.gather [hbm4b:s1+s18], $0x80, s18, s18, $0xb8;
	[tilespmem:$0x1EA00] =	vst v63  }
0x2c: {  	p1 =	por $0x1, $0x1;
	s23 =	rddreg [dreg:$0x8]  }
0x2d: {  	[tilespmem:s22], [sflag:$0x7] =	stream.linear.gather [hbm4b:s23+s4], $0x40, $0x38;
	[tilespmem:$0x1EA00] =	vst v63  }
0x2e: {  	s24 =	simm.s32 $0x80;
	p1 =	por p1, p1  }
0x2f: {  	[tilespmem:s26], [sflag:$0x3] =	stream.indirect.gather [hbm4b:s1+s18], $0x80, s24, s18, $0xb8;
	[tilespmem:$0x1EA00] =	vst v63  }
0x30: {  	s7 =	simm.s32 @!p1 $0xC;
	[bflag:$0x0] =	sbarrier.arrive $0xFFFF  }
0x31: {  	_ =	swait.ge @!p1 [sflag:s7], $0x2000  }
0x32: {  	[sflag:s7] =	ssyncset.done @!p1 $0x0  }
0x33: {  	[sflag:s7] =	ssyncadd.s32 @!p1 $0xFFFFE000  }
0x34: {  	[tilespmem:s28], [sflag:$0x8] =	stream.linear.gather [hbm4b:s13+s4], $0x40, $0x38;
	[tilespmem:$0x1EA00] =	vst v63  }
0x35: {  	s25 =	simm.s32 $0xC0  }
0x36: {  	[tilespmem:s29], [sflag:$0x4] =	stream.indirect.gather [hbm4b:s1+s18], $0x80, s25, s18, $0xb8;
	[tilespmem:$0x1EA00] =	vst v63  }
0x37: {  	_ =	swait.ge [sflag:s30], $0x2000  }
0x38: {  	[sflag:s30] =	ssyncset.done $0x0  }
0x39: {  	[sflag:s30] =	ssyncadd.s32 $0xFFFFE000  }
0x3a: {  	_ =	swait.ge [sflag:s31], $0x40  }
0x3b: {  	p1 =	por $0x0, $0x0;
	[sflag:s31] =	ssyncset.done $0x0  }
0x3c: {  	s7 =	simm.s32 @p1 $0x2;
	[sflag:s31] =	ssyncadd.s32 $0xFFFFFFC0  }
0x3d: {  	[spmem:s3] =	stream.indirect.scatter.add.f32 [tilespmem:s19], [sflag:$0x9], $0x80, s17, s18, $0xb8;
	[tilespmem:$0x1EA00] =	vst v63  }
0x3e: {  	_ =	swait.ge @p1 [sflag:s7], $0x2000  }
0x3f: {  	[sflag:s7] =	ssyncset.done @p1 $0x0  }
0x40: {  	s10 =	simm.s32 @p1 $0x6;
	[sflag:s7] =	ssyncadd.s32 @p1 $0xFFFFE000  }
0x41: {  	_ =	swait.ge @p1 [sflag:s10], $0x40  }
0x42: {  	s11 =	simm.s32 @p1 $0x40;
	s12 =	simm.s32 @p1 $0x2880;
	[sflag:s10] =	ssyncset.done @p1 $0x0  }
0x43: {  	s7 =	simm.s32 @p1 $0x4A00;
	[sflag:s10] =	ssyncadd.s32 @p1 $0xFFFFFFC0;
	s10 =	simm.s32 @!p1 $0x9  }
0x44: {  	[spmem:s3] =	stream.indirect.scatter.add.f32 @p1 [tilespmem:s7], [sflag:$0xA], $0x80, s12, s11, $0xb8;
	[tilespmem:$0x1EA00] =	vst v63  }
0x45: {  	_ =	swait.ge @!p1 [sflag:s10], $0x2000  }
0x46: {  	s16 =	simm.s32 @!p1 $0x0;
	s7 =	simm.s32 @!p1 $0x100;
	[sflag:s10] =	ssyncset.done @!p1 $0x0  }
0x47: {  	s11 =	simm.s32 @!p1 $0x2800;
	s12 =	sadd.s32 @!p1 $0x8, s13;
	[sflag:s10] =	ssyncadd.s32 @!p1 $0xFFFFE000  }
0x48: {  	[tilespmem:s11], [sflag:$0x5] =	stream.linear.gather @!p1 [hbm4b:s12+s16], $0x40, $0x38;
	[tilespmem:$0x1EA00] =	vst v63  }
0x49: {  	s10 =	simm.s32 @!p1 $0x40;
	s11 =	simm.s32 @!p1 $0x2A00;
	s12 =	simm.s32 @!p1 $0x2  }
0x4a: {  	[tilespmem:s11], [sflag:$0x1] =	stream.indirect.gather @!p1 [hbm4b:s1+s10], $0x80, s7, s10, $0xb8;
	[tilespmem:$0x1EA00] =	vst v63  }
0x4b: {  	_ =	swait.ge @!p1 [sflag:s12], $0x2000  }
0x4c: {  	[sflag:s12] =	ssyncset.done @!p1 $0x0  }
0x4d: {  	s7 =	simm.s32 @!p1 $0x6;
	[sflag:s12] =	ssyncadd.s32 @!p1 $0xFFFFE000  }
0x4e: {  	_ =	swait.ge @!p1 [sflag:s7], $0x40  }
0x4f: {  	s11 =	simm.s32 @!p1 $0x2880;
	[sflag:s7] =	ssyncset.done @!p1 $0x0  }
0x50: {  	s12 =	simm.s32 @!p1 $0x4A00;
	[sflag:s7] =	ssyncadd.s32 @!p1 $0xFFFFFFC0;
	s7 =	simm.s32 @!p1 $0xA  }
0x51: {  	[spmem:s3] =	stream.indirect.scatter.add.f32 @!p1 [tilespmem:s12], [sflag:$0xA], $0x80, s11, s10, $0xb8;
	[tilespmem:$0x1EA00] =	vst v63  }
0x52: {  	_ =	swait.ge @!p1 [sflag:s7], $0x2000  }
0x53: {  	[sflag:s7] =	ssyncset.done @!p1 $0x0  }
0x54: {  	[sflag:s7] =	ssyncadd.s32 @!p1 $0xFFFFE000;
	s7 =	sadd.s32 @!p1 $0x10, s13  }
0x55: {  	[tilespmem:s11], [sflag:$0x6] =	stream.linear.gather @!p1 [hbm4b:s7+s16], $0x40, $0x38;
	[tilespmem:$0x1EA00] =	vst v63  }
0x56: {  	s7 =	simm.s32 @!p1 $0x140  }
0x57: {  	[tilespmem:s12], [sflag:$0x2] =	stream.indirect.gather @!p1 [hbm4b:s1+s10], $0x80, s7, s10, $0xb8;
	[tilespmem:$0x1EA00] =	vst v63  }
0x58: {  	_ =	swait.ge [sflag:s2], $0x2000  }
0x59: {  	[sflag:s2] =	ssyncset.done $0x0  }
0x5a: {  	[sflag:s2] =	ssyncadd.s32 $0xFFFFE000  }
0x5b: {  	_ =	swait.ge [sflag:s0], $0x40  }
0x5c: {  	[sflag:s0] =	ssyncset.done $0x0  }
0x5d: {  	s7 =	simm.s32 @!p1 $0xB;
	[sflag:s0] =	ssyncadd.s32 $0xFFFFFFC0  }
0x5e: {  	[spmem:s3] =	stream.indirect.scatter.add.f32 [tilespmem:s26], [sflag:$0xB], $0x80, s22, s18, $0xb8;
	[tilespmem:$0x1EA00] =	vst v63  }
0x5f: {  	_ =	swait.ge @!p1 [sflag:s7], $0x2000  }
0x60: {  	[sflag:s7] =	ssyncset.done @!p1 $0x0  }
0x61: {  	s11 =	sadd.s32 @!p1 $0x18, s13;
	[sflag:s7] =	ssyncadd.s32 @!p1 $0xFFFFE000;
	s7 =	simm.s32 @!p1 $0x2900  }
0x62: {  	[tilespmem:s7], [sflag:$0x7] =	stream.linear.gather @!p1 [hbm4b:s11+s16], $0x40, $0x38;
	[tilespmem:$0x1EA00] =	vst v63  }
0x63: {  	s7 =	simm.s32 @!p1 $0x180;
	s11 =	simm.s32 @!p1 $0x6A00  }
0x64: {  	[tilespmem:s11], [sflag:$0x3] =	stream.indirect.gather @!p1 [hbm4b:s1+s10], $0x80, s7, s10, $0xb8;
	[tilespmem:$0x1EA00] =	vst v63  }
0x65: {  	_ =	swait.ge [sflag:s20], $0x2000  }
0x66: {  	[sflag:s20] =	ssyncset.done $0x0  }
0x67: {  	p6 =	por $0x0, $0x0;
	s12 =	simm.s32 $0x800;
	[sflag:s20] =	ssyncadd.s32 $0xFFFFE000  }
0x68: {  	s11 =	simm.s32 $0x400;
	p1 =	por p6, p6;
	_ =	swait.ge [sflag:s21], $0x40  }
0x69: {  	s10 =	sadd.s32 $0x20, s13;
	s7 =	simm.s32 @!p1 $0xC;
	[sflag:s21] =	ssyncset.done $0x0  }
.LBB2_2:
0x6a: {  	p3 =	seq.s32 s12, $0x0  }
0x6b: {  	[sflag:s21] =	ssyncadd.s32 $0xFFFFFFC0;
	s16 =	smov.u32 s12;
	s12 =	sadd.s32 $0x400, s12  }
0x6c: {  	[spmem:s3] =	stream.indirect.scatter.add.f32 [tilespmem:s29], [sflag:$0xC], $0x80, s28, s18, $0xb8;
	[tilespmem:$0x1EA00] =	vst v63  }
0x6d: {  	p2 =	sne.s32 s12, $0xA000;
	_ =	swait.ge @!p1 [sflag:s7], $0x2000  }
0x6e: {  	[sflag:s7] =	ssyncset.done @!p1 $0x0  }
0x6f: {  	[sflag:s7] =	ssyncadd.s32 @!p1 $0xFFFFE000;
	s7 =	sshra.s32 s11, $0x2;
	p1 =	por p3, p3  }
0x70: {  	[tilespmem:s28], [sflag:$0x8] =	stream.linear.gather [hbm4b:s10+s4], $0x40, $0x38;
	[tilespmem:$0x1EA00] =	vst v63  }
0x71: {  	s7 =	sadd.s32 $0xC0, s7  }
0x72: {  	[tilespmem:s29], [sflag:$0x4] =	stream.indirect.gather [hbm4b:s1+s18], $0x80, s7, s18, $0xb8;
	[tilespmem:$0x1EA00] =	vst v63  }
0x73: {  	_ =	swait.ge [sflag:s30], $0x2000  }
0x74: {  	[sflag:s30] =	ssyncset.done $0x0  }
0x75: {  	[sflag:s30] =	ssyncadd.s32 $0xFFFFE000  }
0x76: {  	_ =	swait.ge [sflag:s31], $0x40  }
0x77: {  	[sflag:s31] =	ssyncset.done $0x0  }
0x78: {  	p3 =	seq.s32 s11, $0x9C00;
	[sflag:s31] =	ssyncadd.s32 $0xFFFFFFC0  }
0x79: {  	[spmem:s3] =	stream.indirect.scatter.add.f32 [tilespmem:s19], [sflag:$0x9], $0x80, s17, s18, $0xb8;
	[tilespmem:$0x1EA00] =	vst v63  }
0x7a: {  	s24 =	sshra.s32 @!p3 s11, $0x2;
	s11 =	smov.u32 s16;
	s7 =	simm.s32 @p3 $0x2  }
0x7b: {  	s23 =	sadd.s32 @!p3 $0x100, s24;
	s25 =	sadd.s32 @!p3 $0x140, s24;
	_ =	swait.ge @p3 [sflag:s7], $0x2000  }
0x7c: {  	s5 =	simm.s32 @p3 $0x6;
	s16 =	sadd.s32 @!p3 $0x180, s24;
	[sflag:s7] =	ssyncset.done @p3 $0x0  }
0x7d: {  	[sflag:s7] =	ssyncadd.s32 @p3 $0xFFFFE000  }
0x7e: {  	s7 =	simm.s32 @p3 $0x4A00;
	_ =	swait.ge @p3 [sflag:s5], $0x40  }
0x7f: {  	s6 =	simm.s32 @p3 $0x2880;
	s24 =	simm.s32 @p3 $0x40;
	[sflag:s5] =	ssyncset.done @p3 $0x0  }
0x80: {  	[sflag:s5] =	ssyncadd.s32 @p3 $0xFFFFFFC0;
	s5 =	simm.s32 @!p3 $0x9  }
0x81: {  	[spmem:s3] =	stream.indirect.scatter.add.f32 @p3 [tilespmem:s7], [sflag:$0xA], $0x80, s6, s24, $0xb8;
	[tilespmem:$0x1EA00] =	vst v63  }
0x82: {  	s6 =	simm.s32 @!p3 $0x2800;
	_ =	swait.ge @!p3 [sflag:s5], $0x2000  }
0x83: {  	s8 =	sadd.s32 @!p3 $0x8, s10;
	s7 =	simm.s32 @!p3 $0x0;
	[sflag:s5] =	ssyncset.done @!p3 $0x0  }
0x84: {  	s24 =	simm.s32 @!p3 $0x40;
	[sflag:s5] =	ssyncadd.s32 @!p3 $0xFFFFE000;
	s5 =	simm.s32 @!p3 $0x2A00  }
0x85: {  	[tilespmem:s6], [sflag:$0x5] =	stream.linear.gather @!p3 [hbm4b:s8+s7], $0x40, $0x38;
	[tilespmem:$0x1EA00] =	vst v63  }
0x86: {  	s6 =	simm.s32 @!p3 $0x2  }
0x87: {  	[tilespmem:s5], [sflag:$0x1] =	stream.indirect.gather @!p3 [hbm4b:s1+s24], $0x80, s23, s24, $0xb8;
	[tilespmem:$0x1EA00] =	vst v63  }
0x88: {  	_ =	swait.ge @!p3 [sflag:s6], $0x2000  }
0x89: {  	s5 =	simm.s32 @!p3 $0x6;
	[sflag:s6] =	ssyncset.done @!p3 $0x0  }
0x8a: {  	[sflag:s6] =	ssyncadd.s32 @!p3 $0xFFFFE000  }
0x8b: {  	_ =	swait.ge @!p3 [sflag:s5], $0x40  }
0x8c: {  	s8 =	simm.s32 @!p3 $0x4A00;
	s6 =	simm.s32 @!p3 $0x2880;
	[sflag:s5] =	ssyncset.done @!p3 $0x0  }
0x8d: {  	[sflag:s5] =	ssyncadd.s32 @!p3 $0xFFFFFFC0;
	s5 =	simm.s32 @!p3 $0xA  }
0x8e: {  	[spmem:s3] =	stream.indirect.scatter.add.f32 @!p3 [tilespmem:s8], [sflag:$0xA], $0x80, s6, s24, $0xb8;
	[tilespmem:$0x1EA00] =	vst v63  }
0x8f: {  	_ =	swait.ge @!p3 [sflag:s5], $0x2000  }
0x90: {  	s23 =	sadd.s32 @!p3 $0x10, s10;
	[sflag:s5] =	ssyncset.done @!p3 $0x0  }
0x91: {  	[sflag:s5] =	ssyncadd.s32 @!p3 $0xFFFFE000  }
0x92: {  	[tilespmem:s6], [sflag:$0x6] =	stream.linear.gather @!p3 [hbm4b:s23+s7], $0x40, $0x38;
	[tilespmem:$0x1EA00] =	vst v63  }
0x93: {  	_ = 	snop  }
0x94: {  	[tilespmem:s8], [sflag:$0x2] =	stream.indirect.gather @!p3 [hbm4b:s1+s24], $0x80, s25, s24, $0xb8;
	[tilespmem:$0x1EA00] =	vst v63  }
0x95: {  	_ =	swait.ge [sflag:s2], $0x2000  }
0x96: {  	[sflag:s2] =	ssyncset.done $0x0  }
0x97: {  	[sflag:s2] =	ssyncadd.s32 $0xFFFFE000  }
0x98: {  	_ =	swait.ge [sflag:s0], $0x40  }
0x99: {  	[sflag:s0] =	ssyncset.done $0x0  }
0x9a: {  	s5 =	simm.s32 @!p3 $0xB;
	[sflag:s0] =	ssyncadd.s32 $0xFFFFFFC0  }
0x9b: {  	[spmem:s3] =	stream.indirect.scatter.add.f32 [tilespmem:s26], [sflag:$0xB], $0x80, s22, s18, $0xb8;
	[tilespmem:$0x1EA00] =	vst v63  }
0x9c: {  	_ =	swait.ge @!p3 [sflag:s5], $0x2000  }
0x9d: {  	s6 =	sadd.s32 @!p3 $0x18, s10;
	s8 =	simm.s32 @!p3 $0x2900;
	[sflag:s5] =	ssyncset.done @!p3 $0x0  }
0x9e: {  	[sflag:s5] =	ssyncadd.s32 @!p3 $0xFFFFE000;
	s5 =	simm.s32 @!p3 $0x6A00  }
0x9f: {  	[tilespmem:s8], [sflag:$0x7] =	stream.linear.gather @!p3 [hbm4b:s6+s7], $0x40, $0x38;
	[tilespmem:$0x1EA00] =	vst v63  }
0xa0: {  	_ = 	snop  }
0xa1: {  	[tilespmem:s5], [sflag:$0x3] =	stream.indirect.gather @!p3 [hbm4b:s1+s24], $0x80, s16, s24, $0xb8;
	[tilespmem:$0x1EA00] =	vst v63  }
.Ltmp0:
0xa2: {  	_ =	swait.ge [sflag:s20], $0x2000;
	(pc) =	sbr.rel @p2 .LBB2_2-.Ltmp0, $4  }
0xa3: {  	[sflag:s20] =	ssyncset.done $0x0  }
0xa4: {  	[sflag:s20] =	ssyncadd.s32 $0xFFFFE000  }
0xa5: {  	_ =	swait.ge [sflag:s21], $0x40  }
0xa6: {  	s10 =	sadd.s32 $0x20, s10;
	s7 =	simm.s32 @!p1 $0xC;
	[sflag:s21] =	ssyncset.done $0x0  }
0xa7: {  	[sflag:s21] =	ssyncadd.s32 $0xFFFFFFC0  }
0xa8: {  	[spmem:s3] =	stream.indirect.scatter.add.f32 [tilespmem:s29], [sflag:$0xC], $0x80, s28, s18, $0xb8;
	[tilespmem:$0x1EA00] =	vst v63  }
0xa9: {  	_ =	swait.ge @!p1 [sflag:s7], $0x2000  }
0xaa: {  	[sflag:s7] =	ssyncset.done @!p1 $0x0  }
0xab: {  	s5 =	sshra.s32 s11, $0x2;
	[sflag:s7] =	ssyncadd.s32 @!p1 $0xFFFFE000  }
0xac: {  	[tilespmem:s28], [sflag:$0x8] =	stream.linear.gather [hbm4b:s10+s4], $0x40, $0x38;
	[tilespmem:$0x1EA00] =	vst v63  }
0xad: {  	s5 =	sadd.s32 $0xC0, s5  }
0xae: {  	[tilespmem:s29], [sflag:$0x4] =	stream.indirect.gather [hbm4b:s1+s18], $0x80, s5, s18, $0xb8;
	[tilespmem:$0x1EA00] =	vst v63  }
0xaf: {  	_ =	swait.ge [sflag:s30], $0x2000  }
0xb0: {  	[sflag:s30] =	ssyncset.done $0x0  }
0xb1: {  	[sflag:s30] =	ssyncadd.s32 $0xFFFFE000  }
0xb2: {  	_ =	swait.ge [sflag:s31], $0x40  }
0xb3: {  	p1 =	seq.s32 s11, $0x9C00;
	[sflag:s31] =	ssyncset.done $0x0  }
0xb4: {  	s5 =	simm.s32 @p1 $0x2;
	[sflag:s31] =	ssyncadd.s32 $0xFFFFFFC0  }
0xb5: {  	[spmem:s3] =	stream.indirect.scatter.add.f32 [tilespmem:s19], [sflag:$0x9], $0x80, s17, s18, $0xb8;
	[tilespmem:$0x1EA00] =	vst v63  }
0xb6: {  	_ =	swait.ge @p1 [sflag:s5], $0x2000  }
0xb7: {  	[sflag:s5] =	ssyncset.done @p1 $0x0  }
0xb8: {  	s6 =	simm.s32 @p1 $0x6;
	[sflag:s5] =	ssyncadd.s32 @p1 $0xFFFFE000  }
0xb9: {  	_ =	swait.ge @p1 [sflag:s6], $0x40  }
0xba: {  	s7 =	simm.s32 @p1 $0x40;
	s8 =	simm.s32 @p1 $0x2880;
	[sflag:s6] =	ssyncset.done @p1 $0x0  }
0xbb: {  	s5 =	simm.s32 @p1 $0x4A00;
	[sflag:s6] =	ssyncadd.s32 @p1 $0xFFFFFFC0;
	s6 =	simm.s32 @!p1 $0x9  }
0xbc: {  	[spmem:s3] =	stream.indirect.scatter.add.f32 @p1 [tilespmem:s5], [sflag:$0xA], $0x80, s8, s7, $0xb8;
	[tilespmem:$0x1EA00] =	vst v63  }
0xbd: {  	s12 =	simm.s32 @!p1 $0x0;
	_ =	swait.ge @!p1 [sflag:s6], $0x2000  }
0xbe: {  	s5 =	sshra.s32 @!p1 s11, $0x2;
	s8 =	simm.s32 @!p1 $0x2800;
	[sflag:s6] =	ssyncset.done @!p1 $0x0  }
0xbf: {  	s11 =	sadd.s32 @!p1 $0x8, s10;
	s7 =	sadd.s32 @!p1 $0x100, s5;
	[sflag:s6] =	ssyncadd.s32 @!p1 $0xFFFFE000  }
0xc0: {  	[tilespmem:s8], [sflag:$0x5] =	stream.linear.gather @!p1 [hbm4b:s11+s12], $0x40, $0x38;
	[tilespmem:$0x1EA00] =	vst v63  }
0xc1: {  	s6 =	simm.s32 @!p1 $0x40;
	s8 =	simm.s32 @!p1 $0x2A00;
	s11 =	simm.s32 @!p1 $0x2  }
0xc2: {  	[tilespmem:s8], [sflag:$0x1] =	stream.indirect.gather @!p1 [hbm4b:s1+s6], $0x80, s7, s6, $0xb8;
	[tilespmem:$0x1EA00] =	vst v63  }
0xc3: {  	_ =	swait.ge @!p1 [sflag:s11], $0x2000  }
0xc4: {  	[sflag:s11] =	ssyncset.done @!p1 $0x0  }
0xc5: {  	s7 =	simm.s32 @!p1 $0x6;
	[sflag:s11] =	ssyncadd.s32 @!p1 $0xFFFFE000  }
0xc6: {  	_ =	swait.ge @!p1 [sflag:s7], $0x40  }
0xc7: {  	s8 =	simm.s32 @!p1 $0x2880;
	[sflag:s7] =	ssyncset.done @!p1 $0x0  }
0xc8: {  	s11 =	simm.s32 @!p1 $0x4A00;
	[sflag:s7] =	ssyncadd.s32 @!p1 $0xFFFFFFC0;
	s7 =	simm.s32 @!p1 $0xA  }
0xc9: {  	[spmem:s3] =	stream.indirect.scatter.add.f32 @!p1 [tilespmem:s11], [sflag:$0xA], $0x80, s8, s6, $0xb8;
	[tilespmem:$0x1EA00] =	vst v63  }
0xca: {  	_ =	swait.ge @!p1 [sflag:s7], $0x2000  }
0xcb: {  	[sflag:s7] =	ssyncset.done @!p1 $0x0  }
0xcc: {  	[sflag:s7] =	ssyncadd.s32 @!p1 $0xFFFFE000;
	s7 =	sadd.s32 @!p1 $0x10, s10  }
0xcd: {  	[tilespmem:s8], [sflag:$0x6] =	stream.linear.gather @!p1 [hbm4b:s7+s12], $0x40, $0x38;
	[tilespmem:$0x1EA00] =	vst v63  }
0xce: {  	s7 =	sadd.s32 @!p1 $0x140, s5  }
0xcf: {  	[tilespmem:s11], [sflag:$0x2] =	stream.indirect.gather @!p1 [hbm4b:s1+s6], $0x80, s7, s6, $0xb8;
	[tilespmem:$0x1EA00] =	vst v63  }
0xd0: {  	_ =	swait.ge [sflag:s2], $0x2000  }
0xd1: {  	[sflag:s2] =	ssyncset.done $0x0  }
0xd2: {  	[sflag:s2] =	ssyncadd.s32 $0xFFFFE000  }
0xd3: {  	_ =	swait.ge [sflag:s0], $0x40  }
0xd4: {  	[sflag:s0] =	ssyncset.done $0x0  }
0xd5: {  	s7 =	simm.s32 @!p1 $0xB;
	[sflag:s0] =	ssyncadd.s32 $0xFFFFFFC0  }
0xd6: {  	[spmem:s3] =	stream.indirect.scatter.add.f32 [tilespmem:s26], [sflag:$0xB], $0x80, s22, s18, $0xb8;
	[tilespmem:$0x1EA00] =	vst v63  }
0xd7: {  	_ =	swait.ge @!p1 [sflag:s7], $0x2000  }
0xd8: {  	[sflag:s7] =	ssyncset.done @!p1 $0x0  }
0xd9: {  	s8 =	sadd.s32 @!p1 $0x18, s10;
	[sflag:s7] =	ssyncadd.s32 @!p1 $0xFFFFE000;
	s7 =	simm.s32 @!p1 $0x2900  }
0xda: {  	[tilespmem:s7], [sflag:$0x7] =	stream.linear.gather @!p1 [hbm4b:s8+s12], $0x40, $0x38;
	[tilespmem:$0x1EA00] =	vst v63  }
0xdb: {  	s5 =	sadd.s32 @!p1 $0x180, s5;
	s7 =	simm.s32 @!p1 $0x6A00  }
0xdc: {  	[tilespmem:s7], [sflag:$0x3] =	stream.indirect.gather @!p1 [hbm4b:s1+s6], $0x80, s5, s6, $0xb8;
	[tilespmem:$0x1EA00] =	vst v63  }
0xdd: {  	_ =	swait.ge [sflag:s20], $0x2000  }
0xde: {  	[sflag:s20] =	ssyncset.done $0x0  }
0xdf: {  	[sflag:s20] =	ssyncadd.s32 $0xFFFFE000  }
0xe0: {  	_ =	swait.ge [sflag:s21], $0x40  }
0xe1: {  	[sflag:s21] =	ssyncset.done $0x0  }
0xe2: {  	s10 =	simm.s32 $0x9;
	[sflag:s21] =	ssyncadd.s32 $0xFFFFFFC0  }
0xe3: {  	[spmem:s3] =	stream.indirect.scatter.add.f32 [tilespmem:s29], [sflag:$0xC], $0x80, s28, s18, $0xb8;
	[tilespmem:$0x1EA00] =	vst v63  }
0xe4: {  	_ =	swait.ge [sflag:s10], $0x2000  }
0xe5: {  	[sflag:s10] =	ssyncset.done $0x0  }
0xe6: {  	s11 =	simm.s32 $0xA;
	[sflag:s10] =	ssyncadd.s32 $0xFFFFE000  }
0xe7: {  	_ =	swait.ge [sflag:s11], $0x2000  }
0xe8: {  	[sflag:s11] =	ssyncset.done $0x0  }
0xe9: {  	s12 =	simm.s32 $0xB;
	[sflag:s11] =	ssyncadd.s32 $0xFFFFE000  }
0xea: {  	_ =	swait.ge [sflag:s12], $0x2000  }
0xeb: {  	[sflag:s12] =	ssyncset.done $0x0  }
0xec: {  	s16 =	simm.s32 $0xC;
	[sflag:s12] =	ssyncadd.s32 $0xFFFFE000  }
0xed: {  	_ =	swait.ge [sflag:s16], $0x2000  }
0xee: {  	[sflag:s16] =	ssyncset.done $0x0  }
0xef: {  	[sflag:s16] =	ssyncadd.s32 $0xFFFFE000  }
0xf0: {  	[bflag:$0x0] =	sbarrier.arrive $0xFFFF  }
0xf1: {  	s23 =	rddreg [dreg:$0x9]  }
0xf2: {  	s24 =	rddreg [dreg:$0xd]  }
0xf3: {  	[hbm:s23], [sflag:s15] =	dma.local [spmem:s24], $0x2700  }
0xf4: {  	_ =	swait.ge [sflag:s14], $0x2700  }
0xf5: {  	[sflag:s14] =	ssyncset.done $0x0;
	s5 =	rddreg [dreg:$0xa]  }
0xf6: {  	s6 =	rddreg [dreg:$0xe];
	[sflag:s14] =	ssyncadd.s32 $0xFFFFD900  }
0xf7: {  	[hbm:s5], [sflag:s15] =	dma.local @!p0 [spmem:s6], $0x100  }
0xf8: {  	s5 =	simm.s32 @!p0 $0xD  }
0xf9: {  	_ =	swait.ge @!p0 [sflag:s5], $0x100  }
0xfa: {  	s9 =	sadd.s32 $0x1, s9;
	s25 =	rddreg [dreg:$0xb]  }
0xfb: {  	p1 =	sne.s32 s9, s25  }
.Ltmp1:
0xfc: {  	_ = 	snop;
	(pc) =	sbr.rel @p1 .LBB2_1-.Ltmp1, $3  }
0xfd: {  	_ =	sdelay $0x1  }
0xfe: {  	[sflag:s5] =	ssyncset.done @!p0 $0x0  }
0xff: {  	[sflag:s5] =	ssyncadd.s32 @!p0 $0xFFFFFF00  }
0x100: {  	_ =	sfence.sel $0x180000  }
0x101: {  	[bflag:$0x0] =	sbarrier.arrive $0xFFFF  }
0x102: {  	_ =	strace $0x9000004D  }
0x103: {  	s0 =	stileid.u32;
	[bflag:$0x2] =	sbarrier.arrive $0xFFFF  }
0x104: {  	p0 =	sne.s32 s0, $0x0;
	s0 =	rddreg [dreg:$0x3]  }
0x105: {  	s0 =	sadd.s32 @!p0 $0x100000, s0  }
0x106: {  	[sflag:s0] =	ssyncadd.tile.s32 @!p0 $0x1;
	_ =	shalt  }
.Lfunc_end2:
_tile_overlayer_lowered:
.L_overlay_start_2:
0x107: {  	(tag) =	ssettag $0x2  }
0x108: {  	s0 =	rddreg [dreg:$0x0];
	s2 =	stileid.u32  }
0x109: {  	s1 =	rddreg [dreg:$0x1];
	p0 =	sne.s32 s2, $0x0  }
0x10a: {  	s3 =	rddreg [dreg:$0x2];
	[bflag:$0x3] =	sbarrier.arrive $0xFFFF;
	s2 =	simm.s32 @!p0 $0x1C0D  }
0x10b: {  	[timem:s3], [sflag:s2] =	dma.local @!p0 [hbm:s0], s1  }
0x10c: {  	s0 =	simm.s32 @!p0 $0xD  }
0x10d: {  	_ =	swait.ge @!p0 [sflag:s0], s1  }
0x10e: {  	s1 =	ssub.s32 @!p0 $0x0, s1;
	[sflag:s0] =	ssyncset.done @!p0 $0x0  }
0x10f: {  	[sflag:s0] =	ssyncadd.s32 @!p0 s1  }
0x110: {  	[bflag:$0x3] =	sbarrier.arrive $0xFFFF  }
0x111: {  	_ =	shalt  }

// kernel: kernel.19.cloned.1.call-start
scs
__scs_entry_jumppad:
0x0: {  	(pc) =	sbr.rel $0x88, $3  }
0x1: {  	(tag) =	ssettag $0x0;
	lr =	simm.s32 $0x1  }
0x2: {  	[smem:$0x3F99] =	sst lr;
	_ =	strace $0xD0000000  }
0x3: {  	_ = 	snop  }
0x4: {  	_ = 	snop  }
0x5: {  	_ = 	snop  }
0x6: {  	_ = 	snop  }
0x7: {  	_ = 	snop  }
__scs_overlays_trampoline_lowered:
0x8: {  	[smem:$0x3FA8] =	sst s0  }
0x9: {  	[smem:$0x3FA9] =	sst s1  }
0xa: {  	[smem:$0x3FAA] =	sst s2  }
0xb: {  	[smem:$0x3FAB] =	sst s3  }
0xc: {  	[smem:$0x3FAC] =	sst s4  }
0xd: {  	[smem:$0x3FAD] =	sst s5  }
0xe: {  	[smem:$0x3FAE] =	sst s6  }
0xf: {  	[smem:$0x3FAF] =	sst s7  }
0x10: {  	[smem:$0x3FB0] =	sst s8  }
0x11: {  	[smem:$0x3FB1] =	sst s9;
	s0 =	simm.s32 @!p0 $0x0  }
0x12: {  	s1 =	sld [smem:$0x3F97];
	s0 =	simm.s32 @p0 $0x1  }
0x13: {  	[smem:$0x3FB2] =	sst s0;
	s0 =	simm.s32 @!p1 $0x0  }
0x14: {  	s2 =	sld [smem:$0x3F96];
	s0 =	simm.s32 @p1 $0x1  }
0x15: {  	[smem:$0x3FB3] =	sst s0;
	s0 =	simm.s32 @!p2 $0x0  }
0x16: {  	s3 =	sld [smem:$0x3FDB];
	s0 =	simm.s32 @p2 $0x1  }
0x17: {  	s4 =	simm.s32 $0x1BF5;
	[smem:$0x3FB5] =	sst s0  }
0x18: {  	s0 =	sld [smem:$0x3F98];
	_ =	swait.ge [sflag:s4], $0x0  }
0x19: {  	s7 =	sld [smem:$0x3F99]  }
0x1a: {  	s8 =	sadd.s32 $0xFFFFE003, lr  }
0x1b: {  	s9 =	sadd.s32 $0xFFFFFEF7, lr;
	s5 =	simm.s32 $0xFFFFFFFF;
	p2 =	slt.u32 s8, $0xFFFFF086  }
0x1c: {  	p1 =	slt.u32 s9, $0xF7A;
	s5 =	simm.s32 @!p2 $0x0  }
0x1d: {  	s5 =	simm.s32 @p1 $0x1;
	p0 =	seq.s32 s7, s2  }
0x1e: {  	s7 =	smul.u32 @!p0 $0xF7A, s2;
	p2 =	seq.s32 @!p0 s5, $0x0  }
0x1f: {  	s9 =	smul.u32 $0xF7A, s1;
	s8 =	simm.s32 @!p0 $0x1BF5;
	p2 =	por !p2, p0  }
0x20: {  	[sflag:s8] =	ssyncset.s32 @!p0 $0xFFFFF086;
	s6 =	sadd.s32 @!p0 s3, s7;
	s7 =	simm.s32 @!p0 $0x108  }
0x21: {  	s3 =	sadd.s32 s3, s9;
	s6 =	sadd.s32 @!p0 $0x88, s6;
	s7 =	simm.s32 @p2 $0x1082  }
0x22: {  	[simem:s7], [sflag:s8] =	dma.local @!p0 [hbm:s6], $0xF7A  }
0x23: {  	s9 =	sor.u32 $0xD0000000, s2;
	s6 =	simm.s32 $0x108;
	_ =	swait.ge @!p0 [sflag:s8], $0x0  }
0x24: {  	s3 =	sadd.s32 $0x88, s3;
	s6 =	simm.s32 @!p1 $0x1082;
	[sflag:s4] =	ssyncset.s32 $0xFFFFF086  }
0x25: {  	[simem:s6], [sflag:s4] =	dma.local [hbm:s3], $0xF7A  }
0x26: {  	[smem:$0x3F99] =	sst s1;
	(tag) =	ssettag s2;
	_ =	strace s9  }
0x27: {  	s1 =	sld [smem:$0x3FA9]  }
0x28: {  	s2 =	sld [smem:$0x3FAA]  }
0x29: {  	s4 =	sld [smem:$0x3FAC]  }
0x2a: {  	p0 =	seq.s32 s5, $0x0;
	s5 =	sld [smem:$0x3FAD]  }
0x2b: {  	s6 =	sld [smem:$0x3FAE]  }
0x2c: {  	s7 =	sld [smem:$0x3FAF]  }
0x2d: {  	s3 =	simm.s32 $0x108;
	s8 =	sld [smem:$0x3FB0]  }
0x2e: {  	s3 =	simm.s32 @!p0 $0x1082;
	s9 =	sld [smem:$0x3FB1]  }
0x2f: {  	lr =	sadd.s32 s0, s3;
	s0 =	sld [smem:$0x3FA8]  }
0x30: {  	s3 =	sld [smem:$0x3FAB]  }
0x31: {  	[smem:$0x3FB4] =	sst s10  }
0x32: {  	s10 =	sld [smem:$0x3FB2];
	_ =	sdelay $0x3  }
0x33: {  	p0 =	seq.s32 s10, $0x1;
	s10 =	sld [smem:$0x3FB4];
	_ =	sdelay $0x3  }
0x34: {  	[smem:$0x3FB4] =	sst s10  }
0x35: {  	s10 =	sld [smem:$0x3FB3];
	_ =	sdelay $0x3  }
0x36: {  	p1 =	seq.s32 s10, $0x1;
	s10 =	sld [smem:$0x3FB4];
	_ =	sdelay $0x3  }
0x37: {  	[smem:$0x3FB4] =	sst s10  }
0x38: {  	s10 =	sld [smem:$0x3FB5]  }
0x39: {  	_ = 	snop;
	(pc) =	sbr.ind lr, $3  }
0x3a: {  	_ = 	snop  }
0x3b: {  	_ = 	snop  }
0x3c: {  	p2 =	seq.s32 s10, $0x1;
	s10 =	sld [smem:$0x3FB4]  }
0x3d: {  	_ =	shalt  }
0x3e: {  	_ =	shalt  }
0x3f: {  	_ =	shalt  }
0x40: {  	_ =	shalt  }
0x41: {  	_ =	shalt  }
0x42: {  	_ =	shalt  }
0x43: {  	_ =	shalt  }
0x44: {  	_ =	shalt  }
0x45: {  	_ =	shalt  }
0x46: {  	_ =	shalt  }
0x47: {  	_ =	shalt  }
0x48: {  	_ =	shalt  }
0x49: {  	_ =	shalt  }
0x4a: {  	_ =	shalt  }
0x4b: {  	_ =	shalt  }
0x4c: {  	_ =	shalt  }
0x4d: {  	_ =	shalt  }
0x4e: {  	_ =	shalt  }
0x4f: {  	_ =	shalt  }
0x50: {  	_ =	shalt  }
0x51: {  	_ =	shalt  }
0x52: {  	_ =	shalt  }
0x53: {  	_ =	shalt  }
0x54: {  	_ =	shalt  }
0x55: {  	_ =	shalt  }
0x56: {  	_ =	shalt  }
0x57: {  	_ =	shalt  }
0x58: {  	_ =	shalt  }
0x59: {  	_ =	shalt  }
0x5a: {  	_ =	shalt  }
0x5b: {  	_ =	shalt  }
0x5c: {  	_ =	shalt  }
0x5d: {  	_ =	shalt  }
0x5e: {  	_ =	shalt  }
0x5f: {  	_ =	shalt  }
0x60: {  	_ =	shalt  }
0x61: {  	_ =	shalt  }
0x62: {  	_ =	shalt  }
0x63: {  	_ =	shalt  }
0x64: {  	_ =	shalt  }
0x65: {  	_ =	shalt  }
0x66: {  	_ =	shalt  }
0x67: {  	_ =	shalt  }
0x68: {  	_ =	shalt  }
0x69: {  	_ =	shalt  }
0x6a: {  	_ =	shalt  }
0x6b: {  	_ =	shalt  }
0x6c: {  	_ =	shalt  }
0x6d: {  	_ =	shalt  }
0x6e: {  	_ =	shalt  }
0x6f: {  	_ =	shalt  }
0x70: {  	_ =	shalt  }
0x71: {  	_ =	shalt  }
0x72: {  	_ =	shalt  }
0x73: {  	_ =	shalt  }
0x74: {  	_ =	shalt  }
0x75: {  	_ =	shalt  }
0x76: {  	_ =	shalt  }
0x77: {  	_ =	shalt  }
0x78: {  	_ =	shalt  }
0x79: {  	_ =	shalt  }
0x7a: {  	_ =	shalt  }
0x7b: {  	_ =	shalt  }
0x7c: {  	_ =	shalt  }
0x7d: {  	_ =	shalt  }
0x7e: {  	_ =	shalt  }
0x7f: {  	_ =	shalt  }
0x80: {  	_ =	shalt  }
0x81: {  	_ =	shalt  }
0x82: {  	_ =	shalt  }
0x83: {  	_ =	shalt  }
0x84: {  	_ =	shalt  }
0x85: {  	_ =	shalt  }
0x86: {  	_ =	shalt  }
0x87: {  	_ =	shalt  }
.Lfunc_end0:
.L_simem_size_0:
called_computation.3_lowered:
.L_overlay_start_0:
0x88: {  	s2 =	sld [smem:$0x3FD9]  }
0x89: {  	s3 =	sld [smem:$0x3FFE];
	_ =	sdelay $0x1  }
0x8a: {  	s1 =	srdreg.scid  }
0x8b: {  	s0 =	sand.u32 $0x1, s1  }
0x8c: {  	s17 =	sshll.u32 s0, $0xA;
	s2 =	sadd.s32 s3, s2  }
0x8d: {  	s2 =	sadd.s32 s2, s17  }
0x8e: {  	[smem:$0x3FC0] =	sst s2  }
0x8f: {  	_ = 	snop  }
0x90: {  	s2 =	sld [smem:$0x3FD0];
	(tm) =	ssettm $0x1  }
0x91: {  	s18 =	sld [smem:$0x3FFB];
	_ =	sdelay $0x3  }
0x92: {  	_ =	strace s18  }
0x93: {  	s3 =	sld [smem:$0x3FFC];
	_ =	sdelay $0x3  }
0x94: {  	_ =	strace s3  }
0x95: {  	s3 =	sld [smem:$0x3FFD];
	_ =	sdelay $0x3  }
0x96: {  	_ =	strace s3  }
0x97: {  	_ =	strace $0x8FFFFFFF  }
0x98: {  	s19 =	sld [smem:$0x3FDB];
	_ =	sdelay $0x1  }
0x99: {  	s4 =	simm.s32 $_scs_section_size  }
0x9a: {  	s5 =	simm.s32 $_size__tile_overlayer_lowered;
	s6 =	simm.s32 $_tile_overlayer_lowered  }
0x9b: {  	s22 =	simm.s32 $0x1BFF;
	s21 =	sshll.u32 s6, $0x1;
	s3 =	sadd.s32 s4, s19  }
0x9c: {  	s7 =	simm.s32 $0x0;
	s20 =	sshll.u32 s5, $0x1;
	s5 =	sadd.s32 s21, s3  }
0x9d: {  	[timem:s7], [sflag:s22] =	dma.local [hbm:s5], s20  }
0x9e: {  	_ =	swait.ge [sflag:s22], s20  }
0x9f: {  	s4 =	ssub.s32 $0x0, s20;
	[sflag:s22] =	ssyncset.done $0x0  }
0xa0: {  	[sflag:s22] =	ssyncadd.s32 s4;
	_ =	sdelay $0x1  }
0xa1: {  	s23 =	simm.s32 $0x1B8B  }
0xa2: {  	_ =	swait.ge [sflag:s23], $0x1  }
0xa3: {  	[sflag:s23] =	ssyncset.done $0x0  }
0xa4: {  	s25 =	simm.s32 $0x1B8E;
	s24 =	sld [smem:$0x3FFE];
	[sflag:s23] =	ssyncadd.s32 $0xFFFFFFFF  }
0xa5: {  	s26 =	simm.s32 $execute0_lowered;
	[smem:$0x3FD2] =	sst s25  }
0xa6: {  	s5 =	sshll.u32 s26, $0x1;
	_ =	strace $0x8000004F;
	[dreg:$0x1] =	wrdreg $0xFFFFFFFF  }
0xa7: {  	s28 =	simm.s32 $_size_execute0_lowered;
	s3 =	sadd.s32 s3, s5;
	[dreg:$0x0] =	wrdreg $0x0  }
0xa8: {  	s5 =	sshll.u32 s28, $0x1;
	[dreg:$0x2] =	wrdreg s3  }
0xa9: {  	[dreg:$0x3] =	wrdreg s5  }
0xaa: {  	[dreg:$0x4] =	wrdreg $0xC0  }
0xab: {  	_ =	task [dreg:s7], $0x5FFFF  }
0xac: {  	[dreg:$0x1] =	wrdreg $0xFFFFFFFF  }
0xad: {  	[dreg:$0x0] =	wrdreg $0x60  }
0xae: {  	[dreg:$0x2] =	wrdreg s2  }
0xaf: {  	[dreg:$0x3] =	wrdreg s24  }
0xb0: {  	[dreg:$0x4] =	wrdreg $0xAA000  }
0xb1: {  	[dreg:$0x5] =	wrdreg $0x9  }
0xb2: {  	_ =	task.clear_ibuf [dreg:s7], $0x6FFFF;
	_ =	strace $0x9000004F  }
0xb3: {  	s29 =	simm.s32 $0x9;
	_ =	strace $0x80000051  }
0xb4: {  	_ =	swait.ge [sflag:s29], $0x1  }
0xb5: {  	[sflag:s29] =	ssyncadd.s32 $0xFFFFFFFF  }
0xb6: {  	_ =	strace $0x90000051  }
0xb7: {  	_ =	sfence  }
0xb8: {  	s30 =	sld [smem:$0x0];
	_ =	sdelay $0x2  }
0xb9: {  	s31 =	sshll.u32 s1, $0xD;
	s1 =	sshrl.u32 s1, $0x2  }
0xba: {  	s3 =	sand.u32 $0x4000, s31;
	s1 =	sadd.s32 s1, s30  }
0xbb: {  	s0 =	sor.u32 s3, s0;
	s1 =	sshll.u32 s1, $0x11  }
0xbc: {  	s0 =	sor.u32 s1, s0  }
0xbd: {  	s0 =	sadd.s32 $0x8F2B, s0  }
0xbe: {  	[sflag:s0] =	ssyncadd.remote.s32 $0x1  }
0xbf: {  	_ =	sfence.sel $0xFFFF  }
0xc0: {  	[dreg:$0x0] =	wrdreg $0xFFFFFFFF;
	(pc) =	sbr.abs _section_cstart, $3  }
0xc1: {  	[dreg:$0x1] =	wrdreg $0xFFFFFFFF  }
0xc2: {  	_ =	task.clear_ibuf [dreg:s7], $0x2FFFF;
	_ =	strace $0x9FFFFFFF  }
0xc3: {  	(tm) =	ssettm $0x7FFFFFFF  }
tec
execute0_lowered:
.L_overlay_start_1:
0x0: {  	(tag) =	ssettag $0x1  }
0x1: {  	s1 =	rddreg [dreg:$0x0]  }
0x2: {  	s0 =	srdreg.scid;
	s16 =	stileid.u32  }
0x3: {  	s2 =	rddreg [dreg:$0x1];
	s5 =	smul.u32 $0x2800, s16  }
0x4: {  	s3 =	rddreg [dreg:$0x2];
	s4 =	simm.s32 $0x0;
	s11 =	smul.u32 $0x50000, s16  }
0x5: {  	s28 =	simm.s32 $0x2980;
	s29 =	simm.s32 $0x8A00;
	s14 =	smul.u32 $0x4E000, s16  }
0x6: {  	s30 =	simm.s32 $0x1;
	s31 =	simm.s32 $0x5;
	s12 =	smul.u32 $0x2700, s16  }
0x7: {  	s0 =	sand.u32 $0x1, s0;
	[smem:$0x7FF] =	sst s4;
	s21 =	smul.u32 $0x500, s16  }
0x8: {  	s7 =	sadd.s32 $0x2000, s2;
	s24 =	sshll.u32 s16, $0x6;
	s6 =	smul.u32 $0x28000, s0  }
0x9: {  	p0 =	sne.s32 s16, $0xF;
	_ =	strace $0x80000050;
	s17 =	smul.u32 $0x27100, s0  }
0xa: {  	s8 =	ssub.s32 $0x2, s0;
	s0 =	smul.u32 $0x138800, s0;
	s9 =	sadd.s32 s5, s2  }
0xb: {  	s10 =	sshrl.u32 s8, $0x1;
	s15 =	sshrl.u32 s11, $0x2;
	s19 =	sshrl.u32 s14, $0x2  }
0xc: {  	s22 =	sadd.s32 s21, s7;
	s14 =	simm.s32 $0xD;
	s21 =	simm.s32 $0x8  }
0xd: {  	s6 =	sadd.s32 s5, s6;
	s8 =	ssub.s32 s8, s10;
	s5 =	sshrl.u32 s5, $0x3  }
0xe: {  	s9 =	sadd.s32 $0x11400, s9;
	s20 =	sadd.s32 s12, s17;
	s0 =	sshrl.u32 s0, $0x3  }
0xf: {  	s13 =	sadd.s32 $0x18, s22;
	s17 =	simm.s32 $0x2800;
	s22 =	simm.s32 $0x2900  }
0x10: {  	s6 =	sshrl.u32 s6, $0x3;
	[dreg:$0x5] =	wrdreg s9;
	s5 =	sadd.s32 s7, s5  }
0x11: {  	s23 =	smax.u32 s8, $0x1;
	s6 =	sadd.s32 s6, s2;
	[dreg:$0x6] =	wrdreg s5  }
0x12: {  	s2 =	sadd.s32 $0x43400, s2;
	s18 =	sadd.s32 $0x8, s5;
	[dreg:$0xb] =	wrdreg s23  }
0x13: {  	s5 =	sadd.s32 $0x10, s5;
	s6 =	sadd.s32 $0x39400, s6;
	[dreg:$0x7] =	wrdreg s18  }
0x14: {  	[dreg:$0x8] =	wrdreg s5;
	s5 =	sadd.s32 s19, s3;
	s9 =	sadd.s32 s2, s20  }
0x15: {  	s0 =	sadd.s32 s2, s0;
	s2 =	sadd.s32 $0x138000, s3;
	s18 =	simm.s32 $0x40  }
0x16: {  	s19 =	simm.s32 $0x2A00;
	s20 =	simm.s32 $0x4;
	[dreg:$0x4] =	wrdreg s6  }
0x17: {  	s6 =	sadd.s32 s15, s3;
	[dreg:$0x9] =	wrdreg s9;
	s0 =	sadd.s32 $0x27000, s0  }
0x18: {  	s15 =	sor.u32 $0x1C0D, s24;
	s26 =	sshrl.u32 s5, $0x3;
	[dreg:$0xa] =	wrdreg s0  }
0x19: {  	s9 =	simm.s32 $0x0;
	s25 =	sshrl.u32 s6, $0x3;
	[dreg:$0xd] =	wrdreg s26  }
0x1a: {  	s0 =	sshrl.u32 @!p0 s2, $0x3;
	s26 =	simm.s32 $0x6A00;
	[dreg:$0xc] =	wrdreg s25  }
0x1b: {  	s2 =	simm.s32 $0x3;
	[dreg:$0xe] =	wrdreg s0;
	s0 =	simm.s32 $0x7  }
.LBB2_1:
0x1c: {  	s5 =	rddreg [dreg:$0x4]  }
0x1d: {  	[tilespmem:s4], [sflag:$0xD] =	stream.linear.gather [hbm4b:s5+s4], $0x2800, $0x38;
	[tilespmem:$0x1EA00] =	vst v63  }
0x1e: {  	_ =	swait.ge [sflag:s14], $0x2800  }
0x1f: {  	[sflag:s14] =	ssyncset.done $0x0;
	s8 =	rddreg [dreg:$0x5]  }
0x20: {  	s6 =	rddreg [dreg:$0xc];
	[sflag:s14] =	ssyncadd.s32 $0xFFFFD800  }
0x21: {  	[spmem:s6], [sflag:s15] =	dma.local [hbm:s8], $0x2800  }
0x22: {  	_ =	swait.ge [sflag:s14], $0x2800  }
0x23: {  	[sflag:s14] =	ssyncset.done $0x0  }
0x24: {  	s10 =	rddreg [dreg:$0x6];
	[sflag:s14] =	ssyncadd.s32 $0xFFFFD800  }
0x25: {  	[tilespmem:s17], [sflag:$0x5] =	stream.linear.gather [hbm4b:s10+s4], $0x40, $0x38;
	[tilespmem:$0x1EA00] =	vst v63  }
0x26: {  	_ = 	snop  }
0x27: {  	[tilespmem:s19], [sflag:$0x1] =	stream.indirect.gather [hbm4b:s1+s18], $0x80, s4, s18, $0xb8;
	[tilespmem:$0x1EA00] =	vst v63  }
0x28: {  	s12 =	simm.s32 $0x2880;
	s11 =	rddreg [dreg:$0x7]  }
0x29: {  	[tilespmem:s12], [sflag:$0x6] =	stream.linear.gather [hbm4b:s11+s4], $0x40, $0x38;
	[tilespmem:$0x1EA00] =	vst v63  }
0x2a: {  	s16 =	simm.s32 $0x4A00  }
0x2b: {  	[tilespmem:s16], [sflag:$0x2] =	stream.indirect.gather [hbm4b:s1+s18], $0x80, s18, s18, $0xb8;
	[tilespmem:$0x1EA00] =	vst v63  }
0x2c: {  	p1 =	por $0x1, $0x1;
	s23 =	rddreg [dreg:$0x8]  }
0x2d: {  	[tilespmem:s22], [sflag:$0x7] =	stream.linear.gather [hbm4b:s23+s4], $0x40, $0x38;
	[tilespmem:$0x1EA00] =	vst v63  }
0x2e: {  	s24 =	simm.s32 $0x80;
	p1 =	por p1, p1  }
0x2f: {  	[tilespmem:s26], [sflag:$0x3] =	stream.indirect.gather [hbm4b:s1+s18], $0x80, s24, s18, $0xb8;
	[tilespmem:$0x1EA00] =	vst v63  }
0x30: {  	s7 =	simm.s32 @!p1 $0xC;
	[bflag:$0x0] =	sbarrier.arrive $0xFFFF  }
0x31: {  	_ =	swait.ge @!p1 [sflag:s7], $0x2000  }
0x32: {  	[sflag:s7] =	ssyncset.done @!p1 $0x0  }
0x33: {  	[sflag:s7] =	ssyncadd.s32 @!p1 $0xFFFFE000  }
0x34: {  	[tilespmem:s28], [sflag:$0x8] =	stream.linear.gather [hbm4b:s13+s4], $0x40, $0x38;
	[tilespmem:$0x1EA00] =	vst v63  }
0x35: {  	s25 =	simm.s32 $0xC0  }
0x36: {  	[tilespmem:s29], [sflag:$0x4] =	stream.indirect.gather [hbm4b:s1+s18], $0x80, s25, s18, $0xb8;
	[tilespmem:$0x1EA00] =	vst v63  }
0x37: {  	_ =	swait.ge [sflag:s30], $0x2000  }
0x38: {  	[sflag:s30] =	ssyncset.done $0x0  }
0x39: {  	[sflag:s30] =	ssyncadd.s32 $0xFFFFE000  }
0x3a: {  	_ =	swait.ge [sflag:s31], $0x40  }
0x3b: {  	p1 =	por $0x0, $0x0;
	[sflag:s31] =	ssyncset.done $0x0  }
0x3c: {  	s7 =	simm.s32 @p1 $0x2;
	[sflag:s31] =	ssyncadd.s32 $0xFFFFFFC0  }
0x3d: {  	[spmem:s3] =	stream.indirect.scatter.add.f32 [tilespmem:s19], [sflag:$0x9], $0x80, s17, s18, $0xb8;
	[tilespmem:$0x1EA00] =	vst v63  }
0x3e: {  	_ =	swait.ge @p1 [sflag:s7], $0x2000  }
0x3f: {  	[sflag:s7] =	ssyncset.done @p1 $0x0  }
0x40: {  	s10 =	simm.s32 @p1 $0x6;
	[sflag:s7] =	ssyncadd.s32 @p1 $0xFFFFE000  }
0x41: {  	_ =	swait.ge @p1 [sflag:s10], $0x40  }
0x42: {  	s11 =	simm.s32 @p1 $0x40;
	s12 =	simm.s32 @p1 $0x2880;
	[sflag:s10] =	ssyncset.done @p1 $0x0  }
0x43: {  	s7 =	simm.s32 @p1 $0x4A00;
	[sflag:s10] =	ssyncadd.s32 @p1 $0xFFFFFFC0;
	s10 =	simm.s32 @!p1 $0x9  }
0x44: {  	[spmem:s3] =	stream.indirect.scatter.add.f32 @p1 [tilespmem:s7], [sflag:$0xA], $0x80, s12, s11, $0xb8;
	[tilespmem:$0x1EA00] =	vst v63  }
0x45: {  	_ =	swait.ge @!p1 [sflag:s10], $0x2000  }
0x46: {  	s16 =	simm.s32 @!p1 $0x0;
	s7 =	simm.s32 @!p1 $0x100;
	[sflag:s10] =	ssyncset.done @!p1 $0x0  }
0x47: {  	s11 =	simm.s32 @!p1 $0x2800;
	s12 =	sadd.s32 @!p1 $0x8, s13;
	[sflag:s10] =	ssyncadd.s32 @!p1 $0xFFFFE000  }
0x48: {  	[tilespmem:s11], [sflag:$0x5] =	stream.linear.gather @!p1 [hbm4b:s12+s16], $0x40, $0x38;
	[tilespmem:$0x1EA00] =	vst v63  }
0x49: {  	s10 =	simm.s32 @!p1 $0x40;
	s11 =	simm.s32 @!p1 $0x2A00;
	s12 =	simm.s32 @!p1 $0x2  }
0x4a: {  	[tilespmem:s11], [sflag:$0x1] =	stream.indirect.gather @!p1 [hbm4b:s1+s10], $0x80, s7, s10, $0xb8;
	[tilespmem:$0x1EA00] =	vst v63  }
0x4b: {  	_ =	swait.ge @!p1 [sflag:s12], $0x2000  }
0x4c: {  	[sflag:s12] =	ssyncset.done @!p1 $0x0  }
0x4d: {  	s7 =	simm.s32 @!p1 $0x6;
	[sflag:s12] =	ssyncadd.s32 @!p1 $0xFFFFE000  }
0x4e: {  	_ =	swait.ge @!p1 [sflag:s7], $0x40  }
0x4f: {  	s11 =	simm.s32 @!p1 $0x2880;
	[sflag:s7] =	ssyncset.done @!p1 $0x0  }
0x50: {  	s12 =	simm.s32 @!p1 $0x4A00;
	[sflag:s7] =	ssyncadd.s32 @!p1 $0xFFFFFFC0;
	s7 =	simm.s32 @!p1 $0xA  }
0x51: {  	[spmem:s3] =	stream.indirect.scatter.add.f32 @!p1 [tilespmem:s12], [sflag:$0xA], $0x80, s11, s10, $0xb8;
	[tilespmem:$0x1EA00] =	vst v63  }
0x52: {  	_ =	swait.ge @!p1 [sflag:s7], $0x2000  }
0x53: {  	[sflag:s7] =	ssyncset.done @!p1 $0x0  }
0x54: {  	[sflag:s7] =	ssyncadd.s32 @!p1 $0xFFFFE000;
	s7 =	sadd.s32 @!p1 $0x10, s13  }
0x55: {  	[tilespmem:s11], [sflag:$0x6] =	stream.linear.gather @!p1 [hbm4b:s7+s16], $0x40, $0x38;
	[tilespmem:$0x1EA00] =	vst v63  }
0x56: {  	s7 =	simm.s32 @!p1 $0x140  }
0x57: {  	[tilespmem:s12], [sflag:$0x2] =	stream.indirect.gather @!p1 [hbm4b:s1+s10], $0x80, s7, s10, $0xb8;
	[tilespmem:$0x1EA00] =	vst v63  }
0x58: {  	_ =	swait.ge [sflag:s2], $0x2000  }
0x59: {  	[sflag:s2] =	ssyncset.done $0x0  }
0x5a: {  	[sflag:s2] =	ssyncadd.s32 $0xFFFFE000  }
0x5b: {  	_ =	swait.ge [sflag:s0], $0x40  }
0x5c: {  	[sflag:s0] =	ssyncset.done $0x0  }
0x5d: {  	s7 =	simm.s32 @!p1 $0xB;
	[sflag:s0] =	ssyncadd.s32 $0xFFFFFFC0  }
0x5e: {  	[spmem:s3] =	stream.indirect.scatter.add.f32 [tilespmem:s26], [sflag:$0xB], $0x80, s22, s18, $0xb8;
	[tilespmem:$0x1EA00] =	vst v63  }
0x5f: {  	_ =	swait.ge @!p1 [sflag:s7], $0x2000  }
0x60: {  	[sflag:s7] =	ssyncset.done @!p1 $0x0  }
0x61: {  	s11 =	sadd.s32 @!p1 $0x18, s13;
	[sflag:s7] =	ssyncadd.s32 @!p1 $0xFFFFE000;
	s7 =	simm.s32 @!p1 $0x2900  }
0x62: {  	[tilespmem:s7], [sflag:$0x7] =	stream.linear.gather @!p1 [hbm4b:s11+s16], $0x40, $0x38;
	[tilespmem:$0x1EA00] =	vst v63  }
0x63: {  	s7 =	simm.s32 @!p1 $0x180;
	s11 =	simm.s32 @!p1 $0x6A00  }
0x64: {  	[tilespmem:s11], [sflag:$0x3] =	stream.indirect.gather @!p1 [hbm4b:s1+s10], $0x80, s7, s10, $0xb8;
	[tilespmem:$0x1EA00] =	vst v63  }
0x65: {  	_ =	swait.ge [sflag:s20], $0x2000  }
0x66: {  	[sflag:s20] =	ssyncset.done $0x0  }
0x67: {  	p6 =	por $0x0, $0x0;
	s12 =	simm.s32 $0x800;
	[sflag:s20] =	ssyncadd.s32 $0xFFFFE000  }
0x68: {  	s11 =	simm.s32 $0x400;
	p1 =	por p6, p6;
	_ =	swait.ge [sflag:s21], $0x40  }
0x69: {  	s10 =	sadd.s32 $0x20, s13;
	s7 =	simm.s32 @!p1 $0xC;
	[sflag:s21] =	ssyncset.done $0x0  }
.LBB2_2:
0x6a: {  	p3 =	seq.s32 s12, $0x0  }
0x6b: {  	[sflag:s21] =	ssyncadd.s32 $0xFFFFFFC0;
	s16 =	smov.u32 s12;
	s12 =	sadd.s32 $0x400, s12  }
0x6c: {  	[spmem:s3] =	stream.indirect.scatter.add.f32 [tilespmem:s29], [sflag:$0xC], $0x80, s28, s18, $0xb8;
	[tilespmem:$0x1EA00] =	vst v63  }
0x6d: {  	p2 =	sne.s32 s12, $0xA000;
	_ =	swait.ge @!p1 [sflag:s7], $0x2000  }
0x6e: {  	[sflag:s7] =	ssyncset.done @!p1 $0x0  }
0x6f: {  	[sflag:s7] =	ssyncadd.s32 @!p1 $0xFFFFE000;
	s7 =	sshra.s32 s11, $0x2;
	p1 =	por p3, p3  }
0x70: {  	[tilespmem:s28], [sflag:$0x8] =	stream.linear.gather [hbm4b:s10+s4], $0x40, $0x38;
	[tilespmem:$0x1EA00] =	vst v63  }
0x71: {  	s7 =	sadd.s32 $0xC0, s7  }
0x72: {  	[tilespmem:s29], [sflag:$0x4] =	stream.indirect.gather [hbm4b:s1+s18], $0x80, s7, s18, $0xb8;
	[tilespmem:$0x1EA00] =	vst v63  }
0x73: {  	_ =	swait.ge [sflag:s30], $0x2000  }
0x74: {  	[sflag:s30] =	ssyncset.done $0x0  }
0x75: {  	[sflag:s30] =	ssyncadd.s32 $0xFFFFE000  }
0x76: {  	_ =	swait.ge [sflag:s31], $0x40  }
0x77: {  	[sflag:s31] =	ssyncset.done $0x0  }
0x78: {  	p3 =	seq.s32 s11, $0x9C00;
	[sflag:s31] =	ssyncadd.s32 $0xFFFFFFC0  }
0x79: {  	[spmem:s3] =	stream.indirect.scatter.add.f32 [tilespmem:s19], [sflag:$0x9], $0x80, s17, s18, $0xb8;
	[tilespmem:$0x1EA00] =	vst v63  }
0x7a: {  	s24 =	sshra.s32 @!p3 s11, $0x2;
	s11 =	smov.u32 s16;
	s7 =	simm.s32 @p3 $0x2  }
0x7b: {  	s23 =	sadd.s32 @!p3 $0x100, s24;
	s25 =	sadd.s32 @!p3 $0x140, s24;
	_ =	swait.ge @p3 [sflag:s7], $0x2000  }
0x7c: {  	s5 =	simm.s32 @p3 $0x6;
	s16 =	sadd.s32 @!p3 $0x180, s24;
	[sflag:s7] =	ssyncset.done @p3 $0x0  }
0x7d: {  	[sflag:s7] =	ssyncadd.s32 @p3 $0xFFFFE000  }
0x7e: {  	s7 =	simm.s32 @p3 $0x4A00;
	_ =	swait.ge @p3 [sflag:s5], $0x40  }
0x7f: {  	s6 =	simm.s32 @p3 $0x2880;
	s24 =	simm.s32 @p3 $0x40;
	[sflag:s5] =	ssyncset.done @p3 $0x0  }
0x80: {  	[sflag:s5] =	ssyncadd.s32 @p3 $0xFFFFFFC0;
	s5 =	simm.s32 @!p3 $0x9  }
0x81: {  	[spmem:s3] =	stream.indirect.scatter.add.f32 @p3 [tilespmem:s7], [sflag:$0xA], $0x80, s6, s24, $0xb8;
	[tilespmem:$0x1EA00] =	vst v63  }
0x82: {  	s6 =	simm.s32 @!p3 $0x2800;
	_ =	swait.ge @!p3 [sflag:s5], $0x2000  }
0x83: {  	s8 =	sadd.s32 @!p3 $0x8, s10;
	s7 =	simm.s32 @!p3 $0x0;
	[sflag:s5] =	ssyncset.done @!p3 $0x0  }
0x84: {  	s24 =	simm.s32 @!p3 $0x40;
	[sflag:s5] =	ssyncadd.s32 @!p3 $0xFFFFE000;
	s5 =	simm.s32 @!p3 $0x2A00  }
0x85: {  	[tilespmem:s6], [sflag:$0x5] =	stream.linear.gather @!p3 [hbm4b:s8+s7], $0x40, $0x38;
	[tilespmem:$0x1EA00] =	vst v63  }
0x86: {  	s6 =	simm.s32 @!p3 $0x2  }
0x87: {  	[tilespmem:s5], [sflag:$0x1] =	stream.indirect.gather @!p3 [hbm4b:s1+s24], $0x80, s23, s24, $0xb8;
	[tilespmem:$0x1EA00] =	vst v63  }
0x88: {  	_ =	swait.ge @!p3 [sflag:s6], $0x2000  }
0x89: {  	s5 =	simm.s32 @!p3 $0x6;
	[sflag:s6] =	ssyncset.done @!p3 $0x0  }
0x8a: {  	[sflag:s6] =	ssyncadd.s32 @!p3 $0xFFFFE000  }
0x8b: {  	_ =	swait.ge @!p3 [sflag:s5], $0x40  }
0x8c: {  	s8 =	simm.s32 @!p3 $0x4A00;
	s6 =	simm.s32 @!p3 $0x2880;
	[sflag:s5] =	ssyncset.done @!p3 $0x0  }
0x8d: {  	[sflag:s5] =	ssyncadd.s32 @!p3 $0xFFFFFFC0;
	s5 =	simm.s32 @!p3 $0xA  }
0x8e: {  	[spmem:s3] =	stream.indirect.scatter.add.f32 @!p3 [tilespmem:s8], [sflag:$0xA], $0x80, s6, s24, $0xb8;
	[tilespmem:$0x1EA00] =	vst v63  }
0x8f: {  	_ =	swait.ge @!p3 [sflag:s5], $0x2000  }
0x90: {  	s23 =	sadd.s32 @!p3 $0x10, s10;
	[sflag:s5] =	ssyncset.done @!p3 $0x0  }
0x91: {  	[sflag:s5] =	ssyncadd.s32 @!p3 $0xFFFFE000  }
0x92: {  	[tilespmem:s6], [sflag:$0x6] =	stream.linear.gather @!p3 [hbm4b:s23+s7], $0x40, $0x38;
	[tilespmem:$0x1EA00] =	vst v63  }
0x93: {  	_ = 	snop  }
0x94: {  	[tilespmem:s8], [sflag:$0x2] =	stream.indirect.gather @!p3 [hbm4b:s1+s24], $0x80, s25, s24, $0xb8;
	[tilespmem:$0x1EA00] =	vst v63  }
0x95: {  	_ =	swait.ge [sflag:s2], $0x2000  }
0x96: {  	[sflag:s2] =	ssyncset.done $0x0  }
0x97: {  	[sflag:s2] =	ssyncadd.s32 $0xFFFFE000  }
0x98: {  	_ =	swait.ge [sflag:s0], $0x40  }
0x99: {  	[sflag:s0] =	ssyncset.done $0x0  }
0x9a: {  	s5 =	simm.s32 @!p3 $0xB;
	[sflag:s0] =	ssyncadd.s32 $0xFFFFFFC0  }
0x9b: {  	[spmem:s3] =	stream.indirect.scatter.add.f32 [tilespmem:s26], [sflag:$0xB], $0x80, s22, s18, $0xb8;
	[tilespmem:$0x1EA00] =	vst v63  }
0x9c: {  	_ =	swait.ge @!p3 [sflag:s5], $0x2000  }
0x9d: {  	s6 =	sadd.s32 @!p3 $0x18, s10;
	s8 =	simm.s32 @!p3 $0x2900;
	[sflag:s5] =	ssyncset.done @!p3 $0x0  }
0x9e: {  	[sflag:s5] =	ssyncadd.s32 @!p3 $0xFFFFE000;
	s5 =	simm.s32 @!p3 $0x6A00  }
0x9f: {  	[tilespmem:s8], [sflag:$0x7] =	stream.linear.gather @!p3 [hbm4b:s6+s7], $0x40, $0x38;
	[tilespmem:$0x1EA00] =	vst v63  }
0xa0: {  	_ = 	snop  }
0xa1: {  	[tilespmem:s5], [sflag:$0x3] =	stream.indirect.gather @!p3 [hbm4b:s1+s24], $0x80, s16, s24, $0xb8;
	[tilespmem:$0x1EA00] =	vst v63  }
.Ltmp0:
0xa2: {  	_ =	swait.ge [sflag:s20], $0x2000;
	(pc) =	sbr.rel @p2 .LBB2_2-.Ltmp0, $4  }
0xa3: {  	[sflag:s20] =	ssyncset.done $0x0  }
0xa4: {  	[sflag:s20] =	ssyncadd.s32 $0xFFFFE000  }
0xa5: {  	_ =	swait.ge [sflag:s21], $0x40  }
0xa6: {  	s10 =	sadd.s32 $0x20, s10;
	s7 =	simm.s32 @!p1 $0xC;
	[sflag:s21] =	ssyncset.done $0x0  }
0xa7: {  	[sflag:s21] =	ssyncadd.s32 $0xFFFFFFC0  }
0xa8: {  	[spmem:s3] =	stream.indirect.scatter.add.f32 [tilespmem:s29], [sflag:$0xC], $0x80, s28, s18, $0xb8;
	[tilespmem:$0x1EA00] =	vst v63  }
0xa9: {  	_ =	swait.ge @!p1 [sflag:s7], $0x2000  }
0xaa: {  	[sflag:s7] =	ssyncset.done @!p1 $0x0  }
0xab: {  	s5 =	sshra.s32 s11, $0x2;
	[sflag:s7] =	ssyncadd.s32 @!p1 $0xFFFFE000  }
0xac: {  	[tilespmem:s28], [sflag:$0x8] =	stream.linear.gather [hbm4b:s10+s4], $0x40, $0x38;
	[tilespmem:$0x1EA00] =	vst v63  }
0xad: {  	s5 =	sadd.s32 $0xC0, s5  }
0xae: {  	[tilespmem:s29], [sflag:$0x4] =	stream.indirect.gather [hbm4b:s1+s18], $0x80, s5, s18, $0xb8;
	[tilespmem:$0x1EA00] =	vst v63  }
0xaf: {  	_ =	swait.ge [sflag:s30], $0x2000  }
0xb0: {  	[sflag:s30] =	ssyncset.done $0x0  }
0xb1: {  	[sflag:s30] =	ssyncadd.s32 $0xFFFFE000  }
0xb2: {  	_ =	swait.ge [sflag:s31], $0x40  }
0xb3: {  	p1 =	seq.s32 s11, $0x9C00;
	[sflag:s31] =	ssyncset.done $0x0  }
0xb4: {  	s5 =	simm.s32 @p1 $0x2;
	[sflag:s31] =	ssyncadd.s32 $0xFFFFFFC0  }
0xb5: {  	[spmem:s3] =	stream.indirect.scatter.add.f32 [tilespmem:s19], [sflag:$0x9], $0x80, s17, s18, $0xb8;
	[tilespmem:$0x1EA00] =	vst v63  }
0xb6: {  	_ =	swait.ge @p1 [sflag:s5], $0x2000  }
0xb7: {  	[sflag:s5] =	ssyncset.done @p1 $0x0  }
0xb8: {  	s6 =	simm.s32 @p1 $0x6;
	[sflag:s5] =	ssyncadd.s32 @p1 $0xFFFFE000  }
0xb9: {  	_ =	swait.ge @p1 [sflag:s6], $0x40  }
0xba: {  	s7 =	simm.s32 @p1 $0x40;
	s8 =	simm.s32 @p1 $0x2880;
	[sflag:s6] =	ssyncset.done @p1 $0x0  }
0xbb: {  	s5 =	simm.s32 @p1 $0x4A00;
	[sflag:s6] =	ssyncadd.s32 @p1 $0xFFFFFFC0;
	s6 =	simm.s32 @!p1 $0x9  }
0xbc: {  	[spmem:s3] =	stream.indirect.scatter.add.f32 @p1 [tilespmem:s5], [sflag:$0xA], $0x80, s8, s7, $0xb8;
	[tilespmem:$0x1EA00] =	vst v63  }
0xbd: {  	s12 =	simm.s32 @!p1 $0x0;
	_ =	swait.ge @!p1 [sflag:s6], $0x2000  }
0xbe: {  	s5 =	sshra.s32 @!p1 s11, $0x2;
	s8 =	simm.s32 @!p1 $0x2800;
	[sflag:s6] =	ssyncset.done @!p1 $0x0  }
0xbf: {  	s11 =	sadd.s32 @!p1 $0x8, s10;
	s7 =	sadd.s32 @!p1 $0x100, s5;
	[sflag:s6] =	ssyncadd.s32 @!p1 $0xFFFFE000  }
0xc0: {  	[tilespmem:s8], [sflag:$0x5] =	stream.linear.gather @!p1 [hbm4b:s11+s12], $0x40, $0x38;
	[tilespmem:$0x1EA00] =	vst v63  }
0xc1: {  	s6 =	simm.s32 @!p1 $0x40;
	s8 =	simm.s32 @!p1 $0x2A00;
	s11 =	simm.s32 @!p1 $0x2  }
0xc2: {  	[tilespmem:s8], [sflag:$0x1] =	stream.indirect.gather @!p1 [hbm4b:s1+s6], $0x80, s7, s6, $0xb8;
	[tilespmem:$0x1EA00] =	vst v63  }
0xc3: {  	_ =	swait.ge @!p1 [sflag:s11], $0x2000  }
0xc4: {  	[sflag:s11] =	ssyncset.done @!p1 $0x0  }
0xc5: {  	s7 =	simm.s32 @!p1 $0x6;
	[sflag:s11] =	ssyncadd.s32 @!p1 $0xFFFFE000  }
0xc6: {  	_ =	swait.ge @!p1 [sflag:s7], $0x40  }
0xc7: {  	s8 =	simm.s32 @!p1 $0x2880;
	[sflag:s7] =	ssyncset.done @!p1 $0x0  }
0xc8: {  	s11 =	simm.s32 @!p1 $0x4A00;
	[sflag:s7] =	ssyncadd.s32 @!p1 $0xFFFFFFC0;
	s7 =	simm.s32 @!p1 $0xA  }
0xc9: {  	[spmem:s3] =	stream.indirect.scatter.add.f32 @!p1 [tilespmem:s11], [sflag:$0xA], $0x80, s8, s6, $0xb8;
	[tilespmem:$0x1EA00] =	vst v63  }
0xca: {  	_ =	swait.ge @!p1 [sflag:s7], $0x2000  }
0xcb: {  	[sflag:s7] =	ssyncset.done @!p1 $0x0  }
0xcc: {  	[sflag:s7] =	ssyncadd.s32 @!p1 $0xFFFFE000;
	s7 =	sadd.s32 @!p1 $0x10, s10  }
0xcd: {  	[tilespmem:s8], [sflag:$0x6] =	stream.linear.gather @!p1 [hbm4b:s7+s12], $0x40, $0x38;
	[tilespmem:$0x1EA00] =	vst v63  }
0xce: {  	s7 =	sadd.s32 @!p1 $0x140, s5  }
0xcf: {  	[tilespmem:s11], [sflag:$0x2] =	stream.indirect.gather @!p1 [hbm4b:s1+s6], $0x80, s7, s6, $0xb8;
	[tilespmem:$0x1EA00] =	vst v63  }
0xd0: {  	_ =	swait.ge [sflag:s2], $0x2000  }
0xd1: {  	[sflag:s2] =	ssyncset.done $0x0  }
0xd2: {  	[sflag:s2] =	ssyncadd.s32 $0xFFFFE000  }
0xd3: {  	_ =	swait.ge [sflag:s0], $0x40  }
0xd4: {  	[sflag:s0] =	ssyncset.done $0x0  }
0xd5: {  	s7 =	simm.s32 @!p1 $0xB;
	[sflag:s0] =	ssyncadd.s32 $0xFFFFFFC0  }
0xd6: {  	[spmem:s3] =	stream.indirect.scatter.add.f32 [tilespmem:s26], [sflag:$0xB], $0x80, s22, s18, $0xb8;
	[tilespmem:$0x1EA00] =	vst v63  }
0xd7: {  	_ =	swait.ge @!p1 [sflag:s7], $0x2000  }
0xd8: {  	[sflag:s7] =	ssyncset.done @!p1 $0x0  }
0xd9: {  	s8 =	sadd.s32 @!p1 $0x18, s10;
	[sflag:s7] =	ssyncadd.s32 @!p1 $0xFFFFE000;
	s7 =	simm.s32 @!p1 $0x2900  }
0xda: {  	[tilespmem:s7], [sflag:$0x7] =	stream.linear.gather @!p1 [hbm4b:s8+s12], $0x40, $0x38;
	[tilespmem:$0x1EA00] =	vst v63  }
0xdb: {  	s5 =	sadd.s32 @!p1 $0x180, s5;
	s7 =	simm.s32 @!p1 $0x6A00  }
0xdc: {  	[tilespmem:s7], [sflag:$0x3] =	stream.indirect.gather @!p1 [hbm4b:s1+s6], $0x80, s5, s6, $0xb8;
	[tilespmem:$0x1EA00] =	vst v63  }
0xdd: {  	_ =	swait.ge [sflag:s20], $0x2000  }
0xde: {  	[sflag:s20] =	ssyncset.done $0x0  }
0xdf: {  	[sflag:s20] =	ssyncadd.s32 $0xFFFFE000  }
0xe0: {  	_ =	swait.ge [sflag:s21], $0x40  }
0xe1: {  	[sflag:s21] =	ssyncset.done $0x0  }
0xe2: {  	s10 =	simm.s32 $0x9;
	[sflag:s21] =	ssyncadd.s32 $0xFFFFFFC0  }
0xe3: {  	[spmem:s3] =	stream.indirect.scatter.add.f32 [tilespmem:s29], [sflag:$0xC], $0x80, s28, s18, $0xb8;
	[tilespmem:$0x1EA00] =	vst v63  }
0xe4: {  	_ =	swait.ge [sflag:s10], $0x2000  }
0xe5: {  	[sflag:s10] =	ssyncset.done $0x0  }
0xe6: {  	s11 =	simm.s32 $0xA;
	[sflag:s10] =	ssyncadd.s32 $0xFFFFE000  }
0xe7: {  	_ =	swait.ge [sflag:s11], $0x2000  }
0xe8: {  	[sflag:s11] =	ssyncset.done $0x0  }
0xe9: {  	s12 =	simm.s32 $0xB;
	[sflag:s11] =	ssyncadd.s32 $0xFFFFE000  }
0xea: {  	_ =	swait.ge [sflag:s12], $0x2000  }
0xeb: {  	[sflag:s12] =	ssyncset.done $0x0  }
0xec: {  	s16 =	simm.s32 $0xC;
	[sflag:s12] =	ssyncadd.s32 $0xFFFFE000  }
0xed: {  	_ =	swait.ge [sflag:s16], $0x2000  }
0xee: {  	[sflag:s16] =	ssyncset.done $0x0  }
0xef: {  	[sflag:s16] =	ssyncadd.s32 $0xFFFFE000  }
0xf0: {  	[bflag:$0x0] =	sbarrier.arrive $0xFFFF  }
0xf1: {  	s23 =	rddreg [dreg:$0x9]  }
0xf2: {  	s24 =	rddreg [dreg:$0xd]  }
0xf3: {  	[hbm:s23], [sflag:s15] =	dma.local [spmem:s24], $0x2700  }
0xf4: {  	_ =	swait.ge [sflag:s14], $0x2700  }
0xf5: {  	[sflag:s14] =	ssyncset.done $0x0;
	s5 =	rddreg [dreg:$0xa]  }
0xf6: {  	s6 =	rddreg [dreg:$0xe];
	[sflag:s14] =	ssyncadd.s32 $0xFFFFD900  }
0xf7: {  	[hbm:s5], [sflag:s15] =	dma.local @!p0 [spmem:s6], $0x100  }
0xf8: {  	s5 =	simm.s32 @!p0 $0xD  }
0xf9: {  	_ =	swait.ge @!p0 [sflag:s5], $0x100  }
0xfa: {  	s9 =	sadd.s32 $0x1, s9;
	s25 =	rddreg [dreg:$0xb]  }
0xfb: {  	p1 =	sne.s32 s9, s25  }
.Ltmp1:
0xfc: {  	_ = 	snop;
	(pc) =	sbr.rel @p1 .LBB2_1-.Ltmp1, $3  }
0xfd: {  	_ =	sdelay $0x1  }
0xfe: {  	[sflag:s5] =	ssyncset.done @!p0 $0x0  }
0xff: {  	[sflag:s5] =	ssyncadd.s32 @!p0 $0xFFFFFF00  }
0x100: {  	_ =	sfence.sel $0x180000  }
0x101: {  	[bflag:$0x0] =	sbarrier.arrive $0xFFFF  }
0x102: {  	_ =	strace $0x90000050  }
0x103: {  	s0 =	stileid.u32;
	[bflag:$0x2] =	sbarrier.arrive $0xFFFF  }
0x104: {  	p0 =	sne.s32 s0, $0x0;
	s0 =	rddreg [dreg:$0x3]  }
0x105: {  	s0 =	sadd.s32 @!p0 $0x100000, s0  }
0x106: {  	[sflag:s0] =	ssyncadd.tile.s32 @!p0 $0x1;
	_ =	shalt  }
.Lfunc_end2:
_tile_overlayer_lowered:
.L_overlay_start_2:
0x107: {  	(tag) =	ssettag $0x2  }
0x108: {  	s0 =	rddreg [dreg:$0x0];
	s2 =	stileid.u32  }
0x109: {  	s1 =	rddreg [dreg:$0x1];
	p0 =	sne.s32 s2, $0x0  }
0x10a: {  	s3 =	rddreg [dreg:$0x2];
	[bflag:$0x3] =	sbarrier.arrive $0xFFFF;
	s2 =	simm.s32 @!p0 $0x1C0D  }
0x10b: {  	[timem:s3], [sflag:s2] =	dma.local @!p0 [hbm:s0], s1  }
0x10c: {  	s0 =	simm.s32 @!p0 $0xD  }
0x10d: {  	_ =	swait.ge @!p0 [sflag:s0], s1  }
0x10e: {  	s1 =	ssub.s32 @!p0 $0x0, s1;
	[sflag:s0] =	ssyncset.done @!p0 $0x0  }
0x10f: {  	[sflag:s0] =	ssyncadd.s32 @!p0 s1  }
0x110: {  	[bflag:$0x3] =	sbarrier.arrive $0xFFFF  }
0x111: {  	_ =	shalt  }

</sc_bundles>
